<compile_context>
chip_gen: v7x
topology: tpu7x:2x2x1
jax: 0.10.2.dev20260603
libtpu: 0.0.44.dev20260713+nightly
codegen_flags: <defaults>
</compile_context>

<pallas_src>
import functools

import jax
import jax.numpy as jnp
from jax import lax
from jax.experimental import pallas as pl
from jax.experimental.pallas import tpu as pltpu
from jax.experimental.pallas import tpu_sc as plsc

N = 10000
D = 128
E = 320000

NC = 2
NS = 16
NW = NC * NS
CHUNK = 128
TOTCH = E // CHUNK
BASECH = TOTCH // NW
NEXTRA = TOTCH - BASECH * NW
CHW_MAX = BASECH + 1
NSLAB = 3
NBUF = 2

NP_ROWS = 10240
RPT = NP_ROWS // NS

DEG_FIRE = 26


def _worker_chunks(wid):
    extra = jnp.minimum(wid, NEXTRA)
    cstart = wid * BASECH + extra
    return cstart


def _sc_degree(edge_index):
    mesh = plsc.VectorSubcoreMesh(core_axis_name="c", subcore_axis_name="s")

    @functools.partial(
        pl.kernel,
        out_type=jax.ShapeDtypeStruct((NC, NP_ROWS), jnp.float32),
        mesh=mesh,
        scratch_types=[
            pltpu.VMEM((2, CHW_MAX * CHUNK), jnp.int32),
            pltpu.VMEM((CHUNK,), jnp.float32),
            pltpu.VMEM((RPT,), jnp.float32),
            pltpu.VMEM_SHARED((NP_ROWS,), jnp.float32),
            pltpu.SemaphoreType.DMA,
        ],
    )
    def k(edge_hbm, deg_out, stg_v, ones_v, zero_v, deg_sh, sem):
        cid = lax.axis_index("c")
        sid = lax.axis_index("s")
        wid = sid * NC + cid
        cstart = _worker_chunks(wid)

        @pl.when(wid < NEXTRA)
        def _():
            pltpu.sync_copy(
                edge_hbm.at[:, pl.ds(cstart * CHUNK, CHW_MAX * CHUNK)], stg_v)

        @pl.when(wid >= NEXTRA)
        def _():
            pltpu.sync_copy(
                edge_hbm.at[:, pl.ds(cstart * CHUNK, BASECH * CHUNK)],
                stg_v.at[:, pl.ds(0, BASECH * CHUNK)])

        for j in range(CHUNK // 16):
            ones_v[pl.ds(j * 16, 16)] = jnp.ones((16,), jnp.float32)

        def zfill(i, carry):
            zero_v[pl.ds(i * 16, 16)] = jnp.zeros((16,), jnp.float32)
            return carry

        lax.fori_loop(0, RPT // 16, zfill, 0)
        pltpu.sync_copy(zero_v, deg_sh.at[pl.ds(sid * RPT, RPT)])
        plsc.subcore_barrier()

        def body(grp, carry):
            for j in range(DEG_FIRE):
                c = grp * DEG_FIRE + j
                pltpu.async_copy(
                    ones_v,
                    deg_sh.at[stg_v.at[1, pl.ds(c * CHUNK, CHUNK)]],
                    sem, add=True)
            for j in range(DEG_FIRE):
                c = grp * DEG_FIRE + j
                pltpu.make_async_copy(
                    ones_v,
                    deg_sh.at[stg_v.at[1, pl.ds(c * CHUNK, CHUNK)]],
                    sem).wait()
            return carry

        lax.fori_loop(0, BASECH // DEG_FIRE, body, 0)

        @pl.when(wid < NEXTRA)
        def _():
            pltpu.sync_copy(
                ones_v,
                deg_sh.at[stg_v.at[1, pl.ds(BASECH * CHUNK, CHUNK)]],
                add=True)

        plsc.subcore_barrier()
        pltpu.sync_copy(deg_sh.at[pl.ds(sid * RPT, RPT)],
                        deg_out.at[cid, pl.ds(sid * RPT, RPT)])

    return k(edge_index)


def _tc_linear(x, wt, degp):
    BR = 2000

    def body(x_ref, wt_ref, deg_ref, o_ref):
        degb = deg_ref[...]
        deg = degb[:, 0:1] + degb[:, 1:2]
        dinv = jnp.where(deg > 0, lax.rsqrt(deg), 0.0)
        o_ref[...] = jnp.dot(x_ref[...] * dinv, wt_ref[...],
                             preferred_element_type=jnp.float32)

    return pl.pallas_call(
        body,
        grid=(N // BR,),
        in_specs=[
            pl.BlockSpec((BR, D), lambda i: (i, 0)),
            pl.BlockSpec((D, D), lambda i: (0, 0)),
            pl.BlockSpec((BR, 2), lambda i: (i, 0)),
        ],
        out_specs=pl.BlockSpec((BR, D), lambda i: (i, 0)),
        out_shape=jax.ShapeDtypeStruct((N, D), jnp.float32),
    )(x, wt, degp)


def _sc_gather_scatter(h, edge_index):
    mesh = plsc.VectorSubcoreMesh(core_axis_name="c", subcore_axis_name="s")

    @functools.partial(
        pl.kernel,
        out_type=jax.ShapeDtypeStruct((NC, NP_ROWS, D), jnp.float32),
        mesh=mesh,
        scratch_types=[
            [pltpu.VMEM((CHUNK, D), jnp.float32) for _ in range(NBUF)],
            [pltpu.SemaphoreType.DMA for _ in range(NBUF)],
            [pltpu.VMEM((2, CHUNK), jnp.int32) for _ in range(NSLAB)],
            [pltpu.SemaphoreType.DMA for _ in range(NSLAB)],
            pltpu.VMEM_SHARED((NP_ROWS, D), jnp.float32),
        ],
    )
    def k(h_hbm, edge_hbm, out_hbm, bufs, gsem, slabs, ssem, acc_sh):
        cid = lax.axis_index("c")
        sid = lax.axis_index("s")
        wid = sid * NC + cid
        cstart = _worker_chunks(wid)
        nch = BASECH + jnp.where(wid < NEXTRA, 1, 0)
        row0 = sid * RPT

        def zfill(i, carry):
            for j in range(D // 16):
                bufs[0][i, pl.ds(j * 16, 16)] = jnp.zeros((16,), jnp.float32)
            return carry

        lax.fori_loop(0, CHUNK, zfill, 0)
        for j in range(RPT // CHUNK):
            pltpu.sync_copy(bufs[0], acc_sh.at[pl.ds(row0 + j * CHUNK, CHUNK)])
        plsc.subcore_barrier()

        def slab_src(c):
            return edge_hbm.at[:, pl.ds((cstart + c) * CHUNK, CHUNK)]

        def fire_slab(c, s):
            pltpu.async_copy(slab_src(c), slabs[s], ssem[s])

        def wait_slab(c, s):
            pltpu.make_async_copy(slab_src(c), slabs[s], ssem[s]).wait()

        def fire_gather(s, b):
            pltpu.async_copy(h_hbm.at[slabs[s].at[0]], bufs[b], gsem[b])

        def wait_gather(s, b):
            pltpu.make_async_copy(h_hbm.at[slabs[s].at[0]], bufs[b],
                                  gsem[b]).wait()

        def scatter(s, b):
            pltpu.sync_copy(bufs[b], acc_sh.at[slabs[s].at[1]], add=True)

        fire_slab(0, 0)
        fire_slab(1, 1)
        wait_slab(0, 0)
        fire_gather(0, 0)

        def step(c, carry):
            for s in range(NSLAB):
                @pl.when(c % NSLAB == s)
                def _():
                    sn = (s + 1) % NSLAB
                    sp = (s + 2) % NSLAB

                    @pl.when(c + 2 < nch)
                    def _():
                        fire_slab(c + 2, sp)

                    @pl.when(c + 1 < nch)
                    def _():
                        wait_slab(c + 1, sn)
                        for b in range(NBUF):
                            @pl.when((c + 1) % NBUF == b)
                            def _():
                                fire_gather(sn, b)

                    for b in range(NBUF):
                        @pl.when(c % NBUF == b)
                        def _():
                            wait_gather(s, b)
                            scatter(s, b)
            return carry

        lax.fori_loop(0, nch, step, 0)

        plsc.subcore_barrier()
        pltpu.sync_copy(acc_sh.at[pl.ds(row0, RPT)],
                        out_hbm.at[cid, pl.ds(row0, RPT)])

    return k(h, edge_index)


def _tc_epilogue(accp, degp, b2, pa2):
    BR = 2000

    def body(a_ref, deg_ref, b_ref, pa_ref, o_ref):
        s = a_ref[0] + a_ref[1]
        degb = deg_ref[...]
        deg = degb[:, 0:1] + degb[:, 1:2]
        dinv = jnp.where(deg > 0, lax.rsqrt(deg), 0.0)
        v = s * dinv + b_ref[...]
        pa = pa_ref[0, 0]
        o_ref[...] = jnp.where(v >= 0, v, pa * v)

    return pl.pallas_call(
        body,
        grid=(N // BR,),
        in_specs=[
            pl.BlockSpec((2, BR, D), lambda i: (0, i, 0)),
            pl.BlockSpec((BR, 2), lambda i: (i, 0)),
            pl.BlockSpec((1, D), lambda i: (0, 0)),
            pl.BlockSpec((1, 1), lambda i: (0, 0)),
        ],
        out_specs=pl.BlockSpec((BR, D), lambda i: (i, 0)),
        out_shape=jax.ShapeDtypeStruct((N, D), jnp.float32),
    )(accp, degp, b2, pa2)


def kernel(x, edge_index, W, b, prelu_a):
    degp = _sc_degree(edge_index)
    degp_t = degp.T
    h = _tc_linear(x, W.T, degp_t)
    accp = _sc_gather_scatter(h, edge_index)
    out = _tc_epilogue(accp, degp_t,
                       b.reshape(1, D), prelu_a.reshape(1, 1))
    return out

# --- scband reference (transcript-rebuilt; emitter-appended) ---
"""Pipeline reference for scband-planetoid-gcn-46866683134518 (READ-ONLY COPY).

The authoritative reference and input builder live on the scoring server;
editing this copy changes nothing except your own understanding.
"""

import jax, jax.numpy as jnp
import numpy as np

N = 10000
D_IN = 128
D_OUT = 128
E = 320000


def setup_inputs(seed: int = 0) -> dict:
    key = jax.random.key(seed)
    k1, k2, k3 = jax.random.split(key, 3)
    x = jax.random.normal(k1, (N, D_IN), dtype=jnp.float32)
    edge_index = jax.random.randint(k2, (2, E), 0, N, dtype=jnp.int32)
    # GCNConv linear weight (glorot-ish init) and bias
    W = jax.random.normal(k3, (D_OUT, D_IN), dtype=jnp.float32) * (1.0 / np.sqrt(D_IN))
    b = jnp.zeros((D_OUT,), dtype=jnp.float32)
    # PReLU learned slope (num_parameters=1, default init 0.25)
    prelu_a = jnp.array(0.25, dtype=jnp.float32)
    return {"x": x, "edge_index": edge_index, "W": W, "b": b, "prelu_a": prelu_a}


def reference(x, edge_index, W, b, prelu_a):
    # PyG GCNConv with add_self_loops=False, normalize=True (default):
    # 1) linear transform
    h = x @ W.T
    row = edge_index[0]
    col = edge_index[1]
    # 2) symmetric gcn_norm with unit edge weights, no self loops
    deg = jnp.zeros((N,), dtype=h.dtype).at[col].add(1.0)
    deg_inv_sqrt = jnp.where(deg > 0, 1.0 / jnp.sqrt(deg), 0.0)
    norm = deg_inv_sqrt[row] * deg_inv_sqrt[col]
    # 3) message = norm * h[src]; aggregate by scatter-add into dst
    msgs = h[row] * norm[:, None]
    out = jnp.zeros((N, D_OUT), dtype=h.dtype).at[col].add(msgs)
    # 4) bias
    out = out + b
    # PReLU activation
    out = jnp.where(out >= 0, out, prelu_a * out)
    return out

if __name__ == "__main__":
    import jax
    _d = setup_inputs()
    print(jax.jit(kernel)(*tuple(_d.values())))

</pallas_src>

<mosaic_0001>
#map = affine_map<(d0, d1) -> (0, 0)>
#map1 = affine_map<(d0, d1) -> (0, 0, 0)>
module attributes {stable_mosaic.version = 14 : i64} {
  func.func @k(%arg0: i32, %arg1: i32, %arg2: memref<10000x128xf32, #tpu.memory_space<hbm>>, %arg3: memref<2x320000xi32, #tpu.memory_space<hbm>>, %arg4: memref<2x10240x128xf32, #tpu.memory_space<hbm>>, %arg5: memref<128x128xf32, #tpu.memory_space<vmem>>, %arg6: memref<128x128xf32, #tpu.memory_space<vmem>>, %arg7: memref<!tpu.dma_semaphore, #tpu.memory_space<semaphore_mem>>, %arg8: memref<!tpu.dma_semaphore, #tpu.memory_space<semaphore_mem>>, %arg9: memref<2x128xi32, #tpu.memory_space<vmem>>, %arg10: memref<2x128xi32, #tpu.memory_space<vmem>>, %arg11: memref<2x128xi32, #tpu.memory_space<vmem>>, %arg12: memref<!tpu.dma_semaphore, #tpu.memory_space<semaphore_mem>>, %arg13: memref<!tpu.dma_semaphore, #tpu.memory_space<semaphore_mem>>, %arg14: memref<!tpu.dma_semaphore, #tpu.memory_space<semaphore_mem>>, %arg15: memref<10240x128xf32, #tpu.memory_space<vmem_shared>>) attributes {dimension_semantics = [#tpu.dimension_semantics<core_parallel>, #tpu.dimension_semantics<subcore_parallel>], iteration_bounds = array<i64: 2, 16>, scalar_prefetch = 0 : i64, scratch_operands = 11 : i64, tpu.core_type = #tpu.core_type<sc_vector_subcore>, window_params = [{transform_indices = #map}, {transform_indices = #map}, {transform_indices = #map1}]} {
    %mul3A = arith.constant 2 : i32
    %mul3A_0 = arith.muli %arg1, %mul3A : i32
    %add3A = arith.addi %mul3A_0, %arg0 : i32
    %min3A = arith.constant 4 : i32
    %min3A_1 = arith.minsi %add3A, %min3A : i32
    %mul3A_2 = arith.constant 78 : i32
    %mul3A_3 = arith.muli %add3A, %mul3A_2 : i32
    %add3A_4 = arith.addi %mul3A_3, %min3A_1 : i32
    %lt3A = arith.constant 4 : i32
    %lt3A_5 = arith.cmpi slt, %add3A, %lt3A : i32
    %jit3A = arith.constant 1 : i32
    %jit3A_6 = arith.constant 0 : i32
    %select_n3A = arith.select %lt3A_5, %jit3A, %jit3A_6 : i32
    %add3A_7 = arith.constant 78 : i32
    %add3A_8 = arith.addi %add3A_7, %select_n3A : i32
    %mul3A_9 = arith.constant 640 : i32
    %mul3A_10 = arith.muli %arg1, %mul3A_9 : i32
    %scan3A = arith.constant 0 : i32
    %scan3A_11 = arith.constant 0 : i32
    %scan3A_12 = arith.constant 128 : i32
    %scan3A_13 = arith.addi %scan3A_11, %scan3A_12 : i32
    %scan3A_14 = arith.constant 1 : i32
    scf.for %scan3A_65 = %scan3A_11 to %scan3A_13 step %scan3A_14  : i32 {
      %broadcast_in_dim3A = arith.constant 0.000000e+00 : f32
      %broadcast_in_dim3A_66 = vector.broadcast %broadcast_in_dim3A : f32 to vector<16xf32>
      %swap3A = arith.index_cast %scan3A_65 : i32 to index
      %swap3A_67 = arith.constant 0 : index
      %swap3A_68 = tpu.vector_load %arg5[%swap3A, %swap3A_67] {strides = array<i32>} : memref<128x128xf32, #tpu.memory_space<vmem>>, vector<1x16xf32>,
      %swap3A_69 = vector.shape_cast %swap3A_68 : vector<1x16xf32> to vector<16xf32>
      %swap3A_70 = vector.shape_cast %broadcast_in_dim3A_66 : vector<16xf32> to vector<1x16xf32>
      tpu.vector_store %arg5[%swap3A, %swap3A_67], %swap3A_70 {strides = array<i32>} : memref<128x128xf32, #tpu.memory_space<vmem>>, vector<1x16xf32>,
      %broadcast_in_dim3A_71 = arith.constant 0.000000e+00 : f32
      %broadcast_in_dim3A_72 = vector.broadcast %broadcast_in_dim3A_71 : f32 to vector<16xf32>
      %swap3A_73 = arith.index_cast %scan3A_65 : i32 to index
      %swap3A_74 = arith.constant 16 : index
      %swap3A_75 = tpu.vector_load %arg5[%swap3A_73, %swap3A_74] {strides = array<i32>} : memref<128x128xf32, #tpu.memory_space<vmem>>, vector<1x16xf32>,
      %swap3A_76 = vector.shape_cast %swap3A_75 : vector<1x16xf32> to vector<16xf32>
      %swap3A_77 = vector.shape_cast %broadcast_in_dim3A_72 : vector<16xf32> to vector<1x16xf32>
      tpu.vector_store %arg5[%swap3A_73, %swap3A_74], %swap3A_77 {strides = array<i32>} : memref<128x128xf32, #tpu.memory_space<vmem>>, vector<1x16xf32>,
      %broadcast_in_dim3A_78 = arith.constant 0.000000e+00 : f32
      %broadcast_in_dim3A_79 = vector.broadcast %broadcast_in_dim3A_78 : f32 to vector<16xf32>
      %swap3A_80 = arith.index_cast %scan3A_65 : i32 to index
      %swap3A_81 = arith.constant 32 : index
      %swap3A_82 = tpu.vector_load %arg5[%swap3A_80, %swap3A_81] {strides = array<i32>} : memref<128x128xf32, #tpu.memory_space<vmem>>, vector<1x16xf32>,
      %swap3A_83 = vector.shape_cast %swap3A_82 : vector<1x16xf32> to vector<16xf32>
      %swap3A_84 = vector.shape_cast %broadcast_in_dim3A_79 : vector<16xf32> to vector<1x16xf32>
      tpu.vector_store %arg5[%swap3A_80, %swap3A_81], %swap3A_84 {strides = array<i32>} : memref<128x128xf32, #tpu.memory_space<vmem>>, vector<1x16xf32>,
      %broadcast_in_dim3A_85 = arith.constant 0.000000e+00 : f32
      %broadcast_in_dim3A_86 = vector.broadcast %broadcast_in_dim3A_85 : f32 to vector<16xf32>
      %swap3A_87 = arith.index_cast %scan3A_65 : i32 to index
      %swap3A_88 = arith.constant 48 : index
      %swap3A_89 = tpu.vector_load %arg5[%swap3A_87, %swap3A_88] {strides = array<i32>} : memref<128x128xf32, #tpu.memory_space<vmem>>, vector<1x16xf32>,
      %swap3A_90 = vector.shape_cast %swap3A_89 : vector<1x16xf32> to vector<16xf32>
      %swap3A_91 = vector.shape_cast %broadcast_in_dim3A_86 : vector<16xf32> to vector<1x16xf32>
      tpu.vector_store %arg5[%swap3A_87, %swap3A_88], %swap3A_91 {strides = array<i32>} : memref<128x128xf32, #tpu.memory_space<vmem>>, vector<1x16xf32>,
      %broadcast_in_dim3A_92 = arith.constant 0.000000e+00 : f32
      %broadcast_in_dim3A_93 = vector.broadcast %broadcast_in_dim3A_92 : f32 to vector<16xf32>
      %swap3A_94 = arith.index_cast %scan3A_65 : i32 to index
      %swap3A_95 = arith.constant 64 : index
      %swap3A_96 = tpu.vector_load %arg5[%swap3A_94, %swap3A_95] {strides = array<i32>} : memref<128x128xf32, #tpu.memory_space<vmem>>, vector<1x16xf32>,
      %swap3A_97 = vector.shape_cast %swap3A_96 : vector<1x16xf32> to vector<16xf32>
      %swap3A_98 = vector.shape_cast %broadcast_in_dim3A_93 : vector<16xf32> to vector<1x16xf32>
      tpu.vector_store %arg5[%swap3A_94, %swap3A_95], %swap3A_98 {strides = array<i32>} : memref<128x128xf32, #tpu.memory_space<vmem>>, vector<1x16xf32>,
      %broadcast_in_dim3A_99 = arith.constant 0.000000e+00 : f32
      %broadcast_in_dim3A_100 = vector.broadcast %broadcast_in_dim3A_99 : f32 to vector<16xf32>
      %swap3A_101 = arith.index_cast %scan3A_65 : i32 to index
      %swap3A_102 = arith.constant 80 : index
      %swap3A_103 = tpu.vector_load %arg5[%swap3A_101, %swap3A_102] {strides = array<i32>} : memref<128x128xf32, #tpu.memory_space<vmem>>, vector<1x16xf32>,
      %swap3A_104 = vector.shape_cast %swap3A_103 : vector<1x16xf32> to vector<16xf32>
      %swap3A_105 = vector.shape_cast %broadcast_in_dim3A_100 : vector<16xf32> to vector<1x16xf32>
      tpu.vector_store %arg5[%swap3A_101, %swap3A_102], %swap3A_105 {strides = array<i32>} : memref<128x128xf32, #tpu.memory_space<vmem>>, vector<1x16xf32>,
      %broadcast_in_dim3A_106 = arith.constant 0.000000e+00 : f32
      %broadcast_in_dim3A_107 = vector.broadcast %broadcast_in_dim3A_106 : f32 to vector<16xf32>
      %swap3A_108 = arith.index_cast %scan3A_65 : i32 to index
      %swap3A_109 = arith.constant 96 : index
      %swap3A_110 = tpu.vector_load %arg5[%swap3A_108, %swap3A_109] {strides = array<i32>} : memref<128x128xf32, #tpu.memory_space<vmem>>, vector<1x16xf32>,
      %swap3A_111 = vector.shape_cast %swap3A_110 : vector<1x16xf32> to vector<16xf32>
      %swap3A_112 = vector.shape_cast %broadcast_in_dim3A_107 : vector<16xf32> to vector<1x16xf32>
      tpu.vector_store %arg5[%swap3A_108, %swap3A_109], %swap3A_112 {strides = array<i32>} : memref<128x128xf32, #tpu.memory_space<vmem>>, vector<1x16xf32>,
      %broadcast_in_dim3A_113 = arith.constant 0.000000e+00 : f32
      %broadcast_in_dim3A_114 = vector.broadcast %broadcast_in_dim3A_113 : f32 to vector<16xf32>
      %swap3A_115 = arith.index_cast %scan3A_65 : i32 to index
      %swap3A_116 = arith.constant 112 : index
      %swap3A_117 = tpu.vector_load %arg5[%swap3A_115, %swap3A_116] {strides = array<i32>} : memref<128x128xf32, #tpu.memory_space<vmem>>, vector<1x16xf32>,
      %swap3A_118 = vector.shape_cast %swap3A_117 : vector<1x16xf32> to vector<16xf32>
      %swap3A_119 = vector.shape_cast %broadcast_in_dim3A_114 : vector<16xf32> to vector<1x16xf32>
      tpu.vector_store %arg5[%swap3A_115, %swap3A_116], %swap3A_119 {strides = array<i32>} : memref<128x128xf32, #tpu.memory_space<vmem>>, vector<1x16xf32>,
    }
    %scan3A_15 = arith.constant 128 : i32
    %add3A_16 = arith.constant 0 : i32
    %add3A_17 = arith.addi %mul3A_10, %add3A_16 : i32
    "tpu.region"() ({
      %run_scoped3A = tpu.sem_alloc : memref<!tpu.dma_semaphore, #tpu.memory_space<semaphore_mem>>
      %dma_start3A_65 = arith.constant 0 : i32
      %dma_start3A_66 = tpu.memref_slice %arg15[%add3A_17, %dma_start3A_65] : memref<10240x128xf32, #tpu.memory_space<vmem_shared>> -> memref<128x128xf32, #tpu.memory_space<vmem_shared>>
      %dma_start3A_67 = arith.constant 0 : i32
      %dma_start3A_68 = tpu.memref_slice %arg15[%add3A_17, %dma_start3A_67] : memref<10240x128xf32, #tpu.memory_space<vmem_shared>> -> memref<128x128xf32, #tpu.memory_space<vmem_shared>>
      tpu.enqueue_dma source(%arg5 : memref<128x128xf32, #tpu.memory_space<vmem>>) target(%dma_start3A_68 : memref<128x128xf32, #tpu.memory_space<vmem_shared>>) target_semaphore(%run_scoped3A : memref<!tpu.dma_semaphore, #tpu.memory_space<semaphore_mem>>)
      %dma_wait3A_69 = arith.constant 0 : i32
      %dma_wait3A_70 = tpu.memref_slice %arg15[%add3A_17, %dma_wait3A_69] : memref<10240x128xf32, #tpu.memory_space<vmem_shared>> -> memref<128x128xf32, #tpu.memory_space<vmem_shared>>
      %dma_wait3A_71 = arith.constant 0 : i32
      %dma_wait3A_72 = tpu.memref_slice %arg15[%add3A_17, %dma_wait3A_71] : memref<10240x128xf32, #tpu.memory_space<vmem_shared>> -> memref<128x128xf32, #tpu.memory_space<vmem_shared>>
      tpu.wait_dma2 semaphore(%run_scoped3A : memref<!tpu.dma_semaphore, #tpu.memory_space<semaphore_mem>>) src(%arg5 : memref<128x128xf32, #tpu.memory_space<vmem>>) dst(%dma_wait3A_72 : memref<128x128xf32, #tpu.memory_space<vmem_shared>>)
      tpu.yield
    }) : () -> ()
    %add3A_18 = arith.constant 128 : i32
    %add3A_19 = arith.addi %mul3A_10, %add3A_18 : i32
    "tpu.region"() ({
      %run_scoped3A = tpu.sem_alloc : memref<!tpu.dma_semaphore, #tpu.memory_space<semaphore_mem>>
      %dma_start3A_65 = arith.constant 0 : i32
      %dma_start3A_66 = tpu.memref_slice %arg15[%add3A_19, %dma_start3A_65] : memref<10240x128xf32, #tpu.memory_space<vmem_shared>> -> memref<128x128xf32, #tpu.memory_space<vmem_shared>>
      %dma_start3A_67 = arith.constant 0 : i32
      %dma_start3A_68 = tpu.memref_slice %arg15[%add3A_19, %dma_start3A_67] : memref<10240x128xf32, #tpu.memory_space<vmem_shared>> -> memref<128x128xf32, #tpu.memory_space<vmem_shared>>
      tpu.enqueue_dma source(%arg5 : memref<128x128xf32, #tpu.memory_space<vmem>>) target(%dma_start3A_68 : memref<128x128xf32, #tpu.memory_space<vmem_shared>>) target_semaphore(%run_scoped3A : memref<!tpu.dma_semaphore, #tpu.memory_space<semaphore_mem>>)
      %dma_wait3A_69 = arith.constant 0 : i32
      %dma_wait3A_70 = tpu.memref_slice %arg15[%add3A_19, %dma_wait3A_69] : memref<10240x128xf32, #tpu.memory_space<vmem_shared>> -> memref<128x128xf32, #tpu.memory_space<vmem_shared>>
      %dma_wait3A_71 = arith.constant 0 : i32
      %dma_wait3A_72 = tpu.memref_slice %arg15[%add3A_19, %dma_wait3A_71] : memref<10240x128xf32, #tpu.memory_space<vmem_shared>> -> memref<128x128xf32, #tpu.memory_space<vmem_shared>>
      tpu.wait_dma2 semaphore(%run_scoped3A : memref<!tpu.dma_semaphore, #tpu.memory_space<semaphore_mem>>) src(%arg5 : memref<128x128xf32, #tpu.memory_space<vmem>>) dst(%dma_wait3A_72 : memref<128x128xf32, #tpu.memory_space<vmem_shared>>)
      tpu.yield
    }) : () -> ()
    %add3A_20 = arith.constant 256 : i32
    %add3A_21 = arith.addi %mul3A_10, %add3A_20 : i32
    "tpu.region"() ({
      %run_scoped3A = tpu.sem_alloc : memref<!tpu.dma_semaphore, #tpu.memory_space<semaphore_mem>>
      %dma_start3A_65 = arith.constant 0 : i32
      %dma_start3A_66 = tpu.memref_slice %arg15[%add3A_21, %dma_start3A_65] : memref<10240x128xf32, #tpu.memory_space<vmem_shared>> -> memref<128x128xf32, #tpu.memory_space<vmem_shared>>
      %dma_start3A_67 = arith.constant 0 : i32
      %dma_start3A_68 = tpu.memref_slice %arg15[%add3A_21, %dma_start3A_67] : memref<10240x128xf32, #tpu.memory_space<vmem_shared>> -> memref<128x128xf32, #tpu.memory_space<vmem_shared>>
      tpu.enqueue_dma source(%arg5 : memref<128x128xf32, #tpu.memory_space<vmem>>) target(%dma_start3A_68 : memref<128x128xf32, #tpu.memory_space<vmem_shared>>) target_semaphore(%run_scoped3A : memref<!tpu.dma_semaphore, #tpu.memory_space<semaphore_mem>>)
      %dma_wait3A_69 = arith.constant 0 : i32
      %dma_wait3A_70 = tpu.memref_slice %arg15[%add3A_21, %dma_wait3A_69] : memref<10240x128xf32, #tpu.memory_space<vmem_shared>> -> memref<128x128xf32, #tpu.memory_space<vmem_shared>>
      %dma_wait3A_71 = arith.constant 0 : i32
      %dma_wait3A_72 = tpu.memref_slice %arg15[%add3A_21, %dma_wait3A_71] : memref<10240x128xf32, #tpu.memory_space<vmem_shared>> -> memref<128x128xf32, #tpu.memory_space<vmem_shared>>
      tpu.wait_dma2 semaphore(%run_scoped3A : memref<!tpu.dma_semaphore, #tpu.memory_space<semaphore_mem>>) src(%arg5 : memref<128x128xf32, #tpu.memory_space<vmem>>) dst(%dma_wait3A_72 : memref<128x128xf32, #tpu.memory_space<vmem_shared>>)
      tpu.yield
    }) : () -> ()
    %add3A_22 = arith.constant 384 : i32
    %add3A_23 = arith.addi %mul3A_10, %add3A_22 : i32
    "tpu.region"() ({
      %run_scoped3A = tpu.sem_alloc : memref<!tpu.dma_semaphore, #tpu.memory_space<semaphore_mem>>
      %dma_start3A_65 = arith.constant 0 : i32
      %dma_start3A_66 = tpu.memref_slice %arg15[%add3A_23, %dma_start3A_65] : memref<10240x128xf32, #tpu.memory_space<vmem_shared>> -> memref<128x128xf32, #tpu.memory_space<vmem_shared>>
      %dma_start3A_67 = arith.constant 0 : i32
      %dma_start3A_68 = tpu.memref_slice %arg15[%add3A_23, %dma_start3A_67] : memref<10240x128xf32, #tpu.memory_space<vmem_shared>> -> memref<128x128xf32, #tpu.memory_space<vmem_shared>>
      tpu.enqueue_dma source(%arg5 : memref<128x128xf32, #tpu.memory_space<vmem>>) target(%dma_start3A_68 : memref<128x128xf32, #tpu.memory_space<vmem_shared>>) target_semaphore(%run_scoped3A : memref<!tpu.dma_semaphore, #tpu.memory_space<semaphore_mem>>)
      %dma_wait3A_69 = arith.constant 0 : i32
      %dma_wait3A_70 = tpu.memref_slice %arg15[%add3A_23, %dma_wait3A_69] : memref<10240x128xf32, #tpu.memory_space<vmem_shared>> -> memref<128x128xf32, #tpu.memory_space<vmem_shared>>
      %dma_wait3A_71 = arith.constant 0 : i32
      %dma_wait3A_72 = tpu.memref_slice %arg15[%add3A_23, %dma_wait3A_71] : memref<10240x128xf32, #tpu.memory_space<vmem_shared>> -> memref<128x128xf32, #tpu.memory_space<vmem_shared>>
      tpu.wait_dma2 semaphore(%run_scoped3A : memref<!tpu.dma_semaphore, #tpu.memory_space<semaphore_mem>>) src(%arg5 : memref<128x128xf32, #tpu.memory_space<vmem>>) dst(%dma_wait3A_72 : memref<128x128xf32, #tpu.memory_space<vmem_shared>>)
      tpu.yield
    }) : () -> ()
    %add3A_24 = arith.constant 512 : i32
    %add3A_25 = arith.addi %mul3A_10, %add3A_24 : i32
    "tpu.region"() ({
      %run_scoped3A = tpu.sem_alloc : memref<!tpu.dma_semaphore, #tpu.memory_space<semaphore_mem>>
      %dma_start3A_65 = arith.constant 0 : i32
      %dma_start3A_66 = tpu.memref_slice %arg15[%add3A_25, %dma_start3A_65] : memref<10240x128xf32, #tpu.memory_space<vmem_shared>> -> memref<128x128xf32, #tpu.memory_space<vmem_shared>>
      %dma_start3A_67 = arith.constant 0 : i32
      %dma_start3A_68 = tpu.memref_slice %arg15[%add3A_25, %dma_start3A_67] : memref<10240x128xf32, #tpu.memory_space<vmem_shared>> -> memref<128x128xf32, #tpu.memory_space<vmem_shared>>
      tpu.enqueue_dma source(%arg5 : memref<128x128xf32, #tpu.memory_space<vmem>>) target(%dma_start3A_68 : memref<128x128xf32, #tpu.memory_space<vmem_shared>>) target_semaphore(%run_scoped3A : memref<!tpu.dma_semaphore, #tpu.memory_space<semaphore_mem>>)
      %dma_wait3A_69 = arith.constant 0 : i32
      %dma_wait3A_70 = tpu.memref_slice %arg15[%add3A_25, %dma_wait3A_69] : memref<10240x128xf32, #tpu.memory_space<vmem_shared>> -> memref<128x128xf32, #tpu.memory_space<vmem_shared>>
      %dma_wait3A_71 = arith.constant 0 : i32
      %dma_wait3A_72 = tpu.memref_slice %arg15[%add3A_25, %dma_wait3A_71] : memref<10240x128xf32, #tpu.memory_space<vmem_shared>> -> memref<128x128xf32, #tpu.memory_space<vmem_shared>>
      tpu.wait_dma2 semaphore(%run_scoped3A : memref<!tpu.dma_semaphore, #tpu.memory_space<semaphore_mem>>) src(%arg5 : memref<128x128xf32, #tpu.memory_space<vmem>>) dst(%dma_wait3A_72 : memref<128x128xf32, #tpu.memory_space<vmem_shared>>)
      tpu.yield
    }) : () -> ()
    %barrier3A = arith.constant 0 : index
    tpu.barrier barrier_id(%barrier3A)
    %add3A_26 = arith.constant 0 : i32
    %add3A_27 = arith.addi %add3A_4, %add3A_26 : i32
    %mul3A_28 = arith.constant 128 : i32
    %mul3A_29 = arith.muli %add3A_27, %mul3A_28 : i32
    %dma_start3A = arith.constant 0 : i32
    %dma_start3A_30 = tpu.memref_slice %arg3[%dma_start3A, %mul3A_29] : memref<2x320000xi32, #tpu.memory_space<hbm>> -> memref<2x128xi32, #tpu.memory_space<hbm>>
    %dma_start3A_31 = arith.constant 0 : i32
    %dma_start3A_32 = tpu.memref_slice %arg3[%dma_start3A_31, %mul3A_29] : memref<2x320000xi32, #tpu.memory_space<hbm>> -> memref<2x128xi32, #tpu.memory_space<hbm>>
    tpu.enqueue_dma source(%dma_start3A_32 : memref<2x128xi32, #tpu.memory_space<hbm>>) target(%arg9 : memref<2x128xi32, #tpu.memory_space<vmem>>) target_semaphore(%arg12 : memref<!tpu.dma_semaphore, #tpu.memory_space<semaphore_mem>>)
    %add3A_33 = arith.constant 1 : i32
    %add3A_34 = arith.addi %add3A_4, %add3A_33 : i32
    %mul3A_35 = arith.constant 128 : i32
    %mul3A_36 = arith.muli %add3A_34, %mul3A_35 : i32
    %dma_start3A_37 = arith.constant 0 : i32
    %dma_start3A_38 = tpu.memref_slice %arg3[%dma_start3A_37, %mul3A_36] : memref<2x320000xi32, #tpu.memory_space<hbm>> -> memref<2x128xi32, #tpu.memory_space<hbm>>
    %dma_start3A_39 = arith.constant 0 : i32
    %dma_start3A_40 = tpu.memref_slice %arg3[%dma_start3A_39, %mul3A_36] : memref<2x320000xi32, #tpu.memory_space<hbm>> -> memref<2x128xi32, #tpu.memory_space<hbm>>
    tpu.enqueue_dma source(%dma_start3A_40 : memref<2x128xi32, #tpu.memory_space<hbm>>) target(%arg10 : memref<2x128xi32, #tpu.memory_space<vmem>>) target_semaphore(%arg13 : memref<!tpu.dma_semaphore, #tpu.memory_space<semaphore_mem>>)
    %add3A_41 = arith.constant 0 : i32
    %add3A_42 = arith.addi %add3A_4, %add3A_41 : i32
    %mul3A_43 = arith.constant 128 : i32
    %mul3A_44 = arith.muli %add3A_42, %mul3A_43 : i32
    %dma_wait3A = arith.constant 0 : i32
    %dma_wait3A_45 = tpu.memref_slice %arg3[%dma_wait3A, %mul3A_44] : memref<2x320000xi32, #tpu.memory_space<hbm>> -> memref<2x128xi32, #tpu.memory_space<hbm>>
    %dma_wait3A_46 = arith.constant 0 : i32
    %dma_wait3A_47 = tpu.memref_slice %arg3[%dma_wait3A_46, %mul3A_44] : memref<2x320000xi32, #tpu.memory_space<hbm>> -> memref<2x128xi32, #tpu.memory_space<hbm>>
    tpu.wait_dma2 semaphore(%arg12 : memref<!tpu.dma_semaphore, #tpu.memory_space<semaphore_mem>>) src(%dma_wait3A_47 : memref<2x128xi32, #tpu.memory_space<hbm>>) dst(%arg9 : memref<2x128xi32, #tpu.memory_space<vmem>>)
    %dma_start3A_48 = arith.constant 0 : i32
    %dma_start3A_49 = arith.constant 0 : i32
    %dma_start3A_50 = tpu.memref_slice %arg9[%dma_start3A_48, %dma_start3A_49] : memref<2x128xi32, #tpu.memory_space<vmem>> -> memref<1x128xi32, #tpu.memory_space<vmem>>
    %dma_start3A_51 = tpu.memref_squeeze %dma_start3A_50 : memref<1x128xi32, #tpu.memory_space<vmem>> -> memref<128xi32, #tpu.memory_space<vmem>>
    %dma_start3A_52 = arith.constant 0 : i32
    %dma_start3A_53 = arith.constant 0 : i32
    %dma_start3A_54 = tpu.memref_slice %arg2[%dma_start3A_52, %dma_start3A_53] : memref<10000x128xf32, #tpu.memory_space<hbm>> -> memref<10000x128xf32, #tpu.memory_space<hbm>>
    tpu.enqueue_indirect_dma source(%dma_start3A_54 : memref<10000x128xf32, #tpu.memory_space<hbm>>) target(%arg5 : memref<128x128xf32, #tpu.memory_space<vmem>>) offsets(%dma_start3A_51 : memref<128xi32, #tpu.memory_space<vmem>>) semaphore(%arg7 : memref<!tpu.dma_semaphore, #tpu.memory_space<semaphore_mem>>)
    %while3A = arith.constant 0 : i32
    %while3A_55 = arith.constant 0 : i32
    %while3A_56 = arith.subi %add3A_8, %while3A_55 : i32
    %while3A_57 = arith.addi %while3A_55, %while3A_56 : i32
    %while3A_58 = arith.constant 1 : i32
    %while3A_59 = arith.divsi %while3A_56, %while3A_58 : i32
    %while3A_60 = arith.muli %while3A_59, %while3A_58 : i32
    %while3A_61 = arith.addi %while3A_55, %while3A_60 : i32
    %while3A_62 = arith.constant 1 : i32
    scf.for %while3A_65 = %while3A_55 to %while3A_61 step %while3A_62  : i32 {
      %jit3A_66 = arith.constant 3 : i32
      %eq3A = arith.constant 0 : i32
      %eq3A_67 = arith.cmpi eq, %jit3A_66, %eq3A : i32
      %jit3A_68 = arith.constant 1 : i32
      %select_n3A_69 = arith.select %eq3A_67, %jit3A_68, %jit3A_66 : i32
      %rem3A = arith.remsi %while3A_65, %select_n3A_69 : i32
      %ne3A = arith.constant 0 : i32
      %ne3A_70 = arith.cmpi ne, %rem3A, %ne3A : i32
      %lt3A_71 = arith.constant 0 : i32
      %lt3A_72 = arith.cmpi slt, %rem3A, %lt3A_71 : i32
      %lt3A_73 = arith.constant 0 : i32
      %lt3A_74 = arith.cmpi slt, %select_n3A_69, %lt3A_73 : i32
      %ne3A_75 = arith.xori %lt3A_72, %lt3A_74 : i1
      %and3A = arith.andi %ne3A_75, %ne3A_70 : i1
      %add3A_76 = arith.addi %rem3A, %select_n3A_69 : i32
      %select_n3A_77 = arith.select %and3A, %add3A_76, %rem3A : i32
      %eq3A_78 = arith.constant 0 : i32
      %eq3A_79 = arith.cmpi eq, %select_n3A_77, %eq3A_78 : i32
      %convert_element_type3A = arith.extui %eq3A_79 : i1 to i32
      %cond3A = arith.constant 0 : i32
      %cond3A_80 = arith.cmpi ne, %convert_element_type3A, %cond3A : i32
      scf.if %cond3A_80 {
        %add3A_123 = arith.constant 2 : i32
        %add3A_124 = arith.addi %while3A_65, %add3A_123 : i32
        %lt3A_125 = arith.cmpi slt, %add3A_124, %add3A_8 : i32
        %convert_element_type3A_126 = arith.extui %lt3A_125 : i1 to i32
        %cond3A_127 = arith.constant 0 : i32
        %cond3A_128 = arith.cmpi ne, %convert_element_type3A_126, %cond3A_127 : i32
        scf.if %cond3A_128 {
          %add3A_177 = arith.constant 2 : i32
          %add3A_178 = arith.addi %while3A_65, %add3A_177 : i32
          %add3A_179 = arith.addi %add3A_4, %add3A_178 : i32
          %mul3A_180 = arith.constant 128 : i32
          %mul3A_181 = arith.muli %add3A_179, %mul3A_180 : i32
          %dma_start3A_182 = arith.constant 0 : i32
          %dma_start3A_183 = tpu.memref_slice %arg3[%dma_start3A_182, %mul3A_181] : memref<2x320000xi32, #tpu.memory_space<hbm>> -> memref<2x128xi32, #tpu.memory_space<hbm>>
          %dma_start3A_184 = arith.constant 0 : i32
          %dma_start3A_185 = tpu.memref_slice %arg3[%dma_start3A_184, %mul3A_181] : memref<2x320000xi32, #tpu.memory_space<hbm>> -> memref<2x128xi32, #tpu.memory_space<hbm>>
          tpu.enqueue_dma source(%dma_start3A_185 : memref<2x128xi32, #tpu.memory_space<hbm>>) target(%arg11 : memref<2x128xi32, #tpu.memory_space<vmem>>) target_semaphore(%arg14 : memref<!tpu.dma_semaphore, #tpu.memory_space<semaphore_mem>>)
        } else {
        }
        %add3A_129 = arith.constant 1 : i32
        %add3A_130 = arith.addi %while3A_65, %add3A_129 : i32
        %lt3A_131 = arith.cmpi slt, %add3A_130, %add3A_8 : i32
        %convert_element_type3A_132 = arith.extui %lt3A_131 : i1 to i32
        %cond3A_133 = arith.constant 0 : i32
        %cond3A_134 = arith.cmpi ne, %convert_element_type3A_132, %cond3A_133 : i32
        scf.if %cond3A_134 {
          %add3A_177 = arith.constant 1 : i32
          %add3A_178 = arith.addi %while3A_65, %add3A_177 : i32
          %add3A_179 = arith.addi %add3A_4, %add3A_178 : i32
          %mul3A_180 = arith.constant 128 : i32
          %mul3A_181 = arith.muli %add3A_179, %mul3A_180 : i32
          %dma_wait3A_182 = arith.constant 0 : i32
          %dma_wait3A_183 = tpu.memref_slice %arg3[%dma_wait3A_182, %mul3A_181] : memref<2x320000xi32, #tpu.memory_space<hbm>> -> memref<2x128xi32, #tpu.memory_space<hbm>>
          %dma_wait3A_184 = arith.constant 0 : i32
          %dma_wait3A_185 = tpu.memref_slice %arg3[%dma_wait3A_184, %mul3A_181] : memref<2x320000xi32, #tpu.memory_space<hbm>> -> memref<2x128xi32, #tpu.memory_space<hbm>>
          tpu.wait_dma2 semaphore(%arg13 : memref<!tpu.dma_semaphore, #tpu.memory_space<semaphore_mem>>) src(%dma_wait3A_185 : memref<2x128xi32, #tpu.memory_space<hbm>>) dst(%arg10 : memref<2x128xi32, #tpu.memory_space<vmem>>)
          %add3A_186 = arith.constant 1 : i32
          %add3A_187 = arith.addi %while3A_65, %add3A_186 : i32
          %jit3A_188 = arith.constant 2 : i32
          %eq3A_189 = arith.constant 0 : i32
          %eq3A_190 = arith.cmpi eq, %jit3A_188, %eq3A_189 : i32
          %jit3A_191 = arith.constant 1 : i32
          %select_n3A_192 = arith.select %eq3A_190, %jit3A_191, %jit3A_188 : i32
          %rem3A_193 = arith.remsi %add3A_187, %select_n3A_192 : i32
          %ne3A_194 = arith.constant 0 : i32
          %ne3A_195 = arith.cmpi ne, %rem3A_193, %ne3A_194 : i32
          %lt3A_196 = arith.constant 0 : i32
          %lt3A_197 = arith.cmpi slt, %rem3A_193, %lt3A_196 : i32
          %lt3A_198 = arith.constant 0 : i32
          %lt3A_199 = arith.cmpi slt, %select_n3A_192, %lt3A_198 : i32
          %ne3A_200 = arith.xori %lt3A_197, %lt3A_199 : i1
          %and3A_201 = arith.andi %ne3A_200, %ne3A_195 : i1
          %add3A_202 = arith.addi %rem3A_193, %select_n3A_192 : i32
          %select_n3A_203 = arith.select %and3A_201, %add3A_202, %rem3A_193 : i32
          %eq3A_204 = arith.constant 0 : i32
          %eq3A_205 = arith.cmpi eq, %select_n3A_203, %eq3A_204 : i32
          %convert_element_type3A_206 = arith.extui %eq3A_205 : i1 to i32
          %cond3A_207 = arith.constant 0 : i32
          %cond3A_208 = arith.cmpi ne, %convert_element_type3A_206, %cond3A_207 : i32
          scf.if %cond3A_208 {
            %dma_start3A_232 = arith.constant 0 : i32
            %dma_start3A_233 = arith.constant 0 : i32
            %dma_start3A_234 = tpu.memref_slice %arg10[%dma_start3A_232, %dma_start3A_233] : memref<2x128xi32, #tpu.memory_space<vmem>> -> memref<1x128xi32, #tpu.memory_space<vmem>>
            %dma_start3A_235 = tpu.memref_squeeze %dma_start3A_234 : memref<1x128xi32, #tpu.memory_space<vmem>> -> memref<128xi32, #tpu.memory_space<vmem>>
            %dma_start3A_236 = arith.constant 0 : i32
            %dma_start3A_237 = arith.constant 0 : i32
            %dma_start3A_238 = tpu.memref_slice %arg2[%dma_start3A_236, %dma_start3A_237] : memref<10000x128xf32, #tpu.memory_space<hbm>> -> memref<10000x128xf32, #tpu.memory_space<hbm>>
            tpu.enqueue_indirect_dma source(%dma_start3A_238 : memref<10000x128xf32, #tpu.memory_space<hbm>>) target(%arg5 : memref<128x128xf32, #tpu.memory_space<vmem>>) offsets(%dma_start3A_235 : memref<128xi32, #tpu.memory_space<vmem>>) semaphore(%arg7 : memref<!tpu.dma_semaphore, #tpu.memory_space<semaphore_mem>>)
          } else {
          }
          %add3A_209 = arith.constant 1 : i32
          %add3A_210 = arith.addi %while3A_65, %add3A_209 : i32
          %jit3A_211 = arith.constant 2 : i32
          %eq3A_212 = arith.constant 0 : i32
          %eq3A_213 = arith.cmpi eq, %jit3A_211, %eq3A_212 : i32
          %jit3A_214 = arith.constant 1 : i32
          %select_n3A_215 = arith.select %eq3A_213, %jit3A_214, %jit3A_211 : i32
          %rem3A_216 = arith.remsi %add3A_210, %select_n3A_215 : i32
          %ne3A_217 = arith.constant 0 : i32
          %ne3A_218 = arith.cmpi ne, %rem3A_216, %ne3A_217 : i32
          %lt3A_219 = arith.constant 0 : i32
          %lt3A_220 = arith.cmpi slt, %rem3A_216, %lt3A_219 : i32
          %lt3A_221 = arith.constant 0 : i32
          %lt3A_222 = arith.cmpi slt, %select_n3A_215, %lt3A_221 : i32
          %ne3A_223 = arith.xori %lt3A_220, %lt3A_222 : i1
          %and3A_224 = arith.andi %ne3A_223, %ne3A_218 : i1
          %add3A_225 = arith.addi %rem3A_216, %select_n3A_215 : i32
          %select_n3A_226 = arith.select %and3A_224, %add3A_225, %rem3A_216 : i32
          %eq3A_227 = arith.constant 1 : i32
          %eq3A_228 = arith.cmpi eq, %select_n3A_226, %eq3A_227 : i32
          %convert_element_type3A_229 = arith.extui %eq3A_228 : i1 to i32
          %cond3A_230 = arith.constant 0 : i32
          %cond3A_231 = arith.cmpi ne, %convert_element_type3A_229, %cond3A_230 : i32
          scf.if %cond3A_231 {
            %dma_start3A_232 = arith.constant 0 : i32
            %dma_start3A_233 = arith.constant 0 : i32
            %dma_start3A_234 = tpu.memref_slice %arg10[%dma_start3A_232, %dma_start3A_233] : memref<2x128xi32, #tpu.memory_space<vmem>> -> memref<1x128xi32, #tpu.memory_space<vmem>>
            %dma_start3A_235 = tpu.memref_squeeze %dma_start3A_234 : memref<1x128xi32, #tpu.memory_space<vmem>> -> memref<128xi32, #tpu.memory_space<vmem>>
            %dma_start3A_236 = arith.constant 0 : i32
            %dma_start3A_237 = arith.constant 0 : i32
            %dma_start3A_238 = tpu.memref_slice %arg2[%dma_start3A_236, %dma_start3A_237] : memref<10000x128xf32, #tpu.memory_space<hbm>> -> memref<10000x128xf32, #tpu.memory_space<hbm>>
            tpu.enqueue_indirect_dma source(%dma_start3A_238 : memref<10000x128xf32, #tpu.memory_space<hbm>>) target(%arg6 : memref<128x128xf32, #tpu.memory_space<vmem>>) offsets(%dma_start3A_235 : memref<128xi32, #tpu.memory_space<vmem>>) semaphore(%arg8 : memref<!tpu.dma_semaphore, #tpu.memory_space<semaphore_mem>>)
          } else {
          }
        } else {
        }
        %jit3A_135 = arith.constant 2 : i32
        %eq3A_136 = arith.constant 0 : i32
        %eq3A_137 = arith.cmpi eq, %jit3A_135, %eq3A_136 : i32
        %jit3A_138 = arith.constant 1 : i32
        %select_n3A_139 = arith.select %eq3A_137, %jit3A_138, %jit3A_135 : i32
        %rem3A_140 = arith.remsi %while3A_65, %select_n3A_139 : i32
        %ne3A_141 = arith.constant 0 : i32
        %ne3A_142 = arith.cmpi ne, %rem3A_140, %ne3A_141 : i32
        %lt3A_143 = arith.constant 0 : i32
        %lt3A_144 = arith.cmpi slt, %rem3A_140, %lt3A_143 : i32
        %lt3A_145 = arith.constant 0 : i32
        %lt3A_146 = arith.cmpi slt, %select_n3A_139, %lt3A_145 : i32
        %ne3A_147 = arith.xori %lt3A_144, %lt3A_146 : i1
        %and3A_148 = arith.andi %ne3A_147, %ne3A_142 : i1
        %add3A_149 = arith.addi %rem3A_140, %select_n3A_139 : i32
        %select_n3A_150 = arith.select %and3A_148, %add3A_149, %rem3A_140 : i32
        %eq3A_151 = arith.constant 0 : i32
        %eq3A_152 = arith.cmpi eq, %select_n3A_150, %eq3A_151 : i32
        %convert_element_type3A_153 = arith.extui %eq3A_152 : i1 to i32
        %cond3A_154 = arith.constant 0 : i32
        %cond3A_155 = arith.cmpi ne, %convert_element_type3A_153, %cond3A_154 : i32
        scf.if %cond3A_155 {
          %dma_wait3A_177 = arith.constant 0 : i32
          %dma_wait3A_178 = arith.constant 0 : i32
          %dma_wait3A_179 = tpu.memref_slice %arg9[%dma_wait3A_177, %dma_wait3A_178] : memref<2x128xi32, #tpu.memory_space<vmem>> -> memref<1x128xi32, #tpu.memory_space<vmem>>
          %dma_wait3A_180 = tpu.memref_squeeze %dma_wait3A_179 : memref<1x128xi32, #tpu.memory_space<vmem>> -> memref<128xi32, #tpu.memory_space<vmem>>
          %dma_wait3A_181 = arith.constant 0 : i32
          %dma_wait3A_182 = arith.constant 0 : i32
          %dma_wait3A_183 = tpu.memref_slice %arg2[%dma_wait3A_181, %dma_wait3A_182] : memref<10000x128xf32, #tpu.memory_space<hbm>> -> memref<10000x128xf32, #tpu.memory_space<hbm>>
          tpu.wait_indirect_dma semaphore(%arg7 : memref<!tpu.dma_semaphore, #tpu.memory_space<semaphore_mem>>) src(%dma_wait3A_183 : memref<10000x128xf32, #tpu.memory_space<hbm>>) dst(%arg5 : memref<128x128xf32, #tpu.memory_space<vmem>>)
          %run_scoped3A = arith.constant 1 : i32
          "tpu.region"() ({
            %run_scoped3A_184 = tpu.sem_alloc : memref<!tpu.dma_semaphore, #tpu.memory_space<semaphore_mem>>
            %dma_start3A_185 = arith.constant 0 : i32
            %dma_start3A_186 = tpu.memref_slice %arg9[%run_scoped3A, %dma_start3A_185] : memref<2x128xi32, #tpu.memory_space<vmem>> -> memref<1x128xi32, #tpu.memory_space<vmem>>
            %dma_start3A_187 = tpu.memref_squeeze %dma_start3A_186 : memref<1x128xi32, #tpu.memory_space<vmem>> -> memref<128xi32, #tpu.memory_space<vmem>>
            %dma_start3A_188 = arith.constant 0 : i32
            %dma_start3A_189 = arith.constant 0 : i32
            %dma_start3A_190 = tpu.memref_slice %arg15[%dma_start3A_188, %dma_start3A_189] : memref<10240x128xf32, #tpu.memory_space<vmem_shared>> -> memref<10240x128xf32, #tpu.memory_space<vmem_shared>>
            tpu.enqueue_indirect_dma source(%arg5 : memref<128x128xf32, #tpu.memory_space<vmem>>) target(%dma_start3A_190 : memref<10240x128xf32, #tpu.memory_space<vmem_shared>>) offsets(%dma_start3A_187 : memref<128xi32, #tpu.memory_space<vmem>>) semaphore(%run_scoped3A_184 : memref<!tpu.dma_semaphore, #tpu.memory_space<semaphore_mem>>) {add = true}
            %dma_wait3A_191 = arith.constant 0 : i32
            %dma_wait3A_192 = tpu.memref_slice %arg9[%run_scoped3A, %dma_wait3A_191] : memref<2x128xi32, #tpu.memory_space<vmem>> -> memref<1x128xi32, #tpu.memory_space<vmem>>
            %dma_wait3A_193 = tpu.memref_squeeze %dma_wait3A_192 : memref<1x128xi32, #tpu.memory_space<vmem>> -> memref<128xi32, #tpu.memory_space<vmem>>
            %dma_wait3A_194 = arith.constant 0 : i32
            %dma_wait3A_195 = arith.constant 0 : i32
            %dma_wait3A_196 = tpu.memref_slice %arg15[%dma_wait3A_194, %dma_wait3A_195] : memref<10240x128xf32, #tpu.memory_space<vmem_shared>> -> memref<10240x128xf32, #tpu.memory_space<vmem_shared>>
            tpu.wait_indirect_dma semaphore(%run_scoped3A_184 : memref<!tpu.dma_semaphore, #tpu.memory_space<semaphore_mem>>) src(%arg5 : memref<128x128xf32, #tpu.memory_space<vmem>>) dst(%dma_wait3A_196 : memref<10240x128xf32, #tpu.memory_space<vmem_shared>>)
            tpu.yield
          }) : () -> ()
        } else {
        }
        %jit3A_156 = arith.constant 2 : i32
        %eq3A_157 = arith.constant 0 : i32
        %eq3A_158 = arith.cmpi eq, %jit3A_156, %eq3A_157 : i32
        %jit3A_159 = arith.constant 1 : i32
        %select_n3A_160 = arith.select %eq3A_158, %jit3A_159, %jit3A_156 : i32
        %rem3A_161 = arith.remsi %while3A_65, %select_n3A_160 : i32
        %ne3A_162 = arith.constant 0 : i32
        %ne3A_163 = arith.cmpi ne, %rem3A_161, %ne3A_162 : i32
        %lt3A_164 = arith.constant 0 : i32
        %lt3A_165 = arith.cmpi slt, %rem3A_161, %lt3A_164 : i32
        %lt3A_166 = arith.constant 0 : i32
        %lt3A_167 = arith.cmpi slt, %select_n3A_160, %lt3A_166 : i32
        %ne3A_168 = arith.xori %lt3A_165, %lt3A_167 : i1
        %and3A_169 = arith.andi %ne3A_168, %ne3A_163 : i1
        %add3A_170 = arith.addi %rem3A_161, %select_n3A_160 : i32
        %select_n3A_171 = arith.select %and3A_169, %add3A_170, %rem3A_161 : i32
        %eq3A_172 = arith.constant 1 : i32
        %eq3A_173 = arith.cmpi eq, %select_n3A_171, %eq3A_172 : i32
        %convert_element_type3A_174 = arith.extui %eq3A_173 : i1 to i32
        %cond3A_175 = arith.constant 0 : i32
        %cond3A_176 = arith.cmpi ne, %convert_element_type3A_174, %cond3A_175 : i32
        scf.if %cond3A_176 {
          %dma_wait3A_177 = arith.constant 0 : i32
          %dma_wait3A_178 = arith.constant 0 : i32
          %dma_wait3A_179 = tpu.memref_slice %arg9[%dma_wait3A_177, %dma_wait3A_178] : memref<2x128xi32, #tpu.memory_space<vmem>> -> memref<1x128xi32, #tpu.memory_space<vmem>>
          %dma_wait3A_180 = tpu.memref_squeeze %dma_wait3A_179 : memref<1x128xi32, #tpu.memory_space<vmem>> -> memref<128xi32, #tpu.memory_space<vmem>>
          %dma_wait3A_181 = arith.constant 0 : i32
          %dma_wait3A_182 = arith.constant 0 : i32
          %dma_wait3A_183 = tpu.memref_slice %arg2[%dma_wait3A_181, %dma_wait3A_182] : memref<10000x128xf32, #tpu.memory_space<hbm>> -> memref<10000x128xf32, #tpu.memory_space<hbm>>
          tpu.wait_indirect_dma semaphore(%arg8 : memref<!tpu.dma_semaphore, #tpu.memory_space<semaphore_mem>>) src(%dma_wait3A_183 : memref<10000x128xf32, #tpu.memory_space<hbm>>) dst(%arg6 : memref<128x128xf32, #tpu.memory_space<vmem>>)
          %run_scoped3A = arith.constant 1 : i32
          "tpu.region"() ({
            %run_scoped3A_184 = tpu.sem_alloc : memref<!tpu.dma_semaphore, #tpu.memory_space<semaphore_mem>>
            %dma_start3A_185 = arith.constant 0 : i32
            %dma_start3A_186 = tpu.memref_slice %arg9[%run_scoped3A, %dma_start3A_185] : memref<2x128xi32, #tpu.memory_space<vmem>> -> memref<1x128xi32, #tpu.memory_space<vmem>>
            %dma_start3A_187 = tpu.memref_squeeze %dma_start3A_186 : memref<1x128xi32, #tpu.memory_space<vmem>> -> memref<128xi32, #tpu.memory_space<vmem>>
            %dma_start3A_188 = arith.constant 0 : i32
            %dma_start3A_189 = arith.constant 0 : i32
            %dma_start3A_190 = tpu.memref_slice %arg15[%dma_start3A_188, %dma_start3A_189] : memref<10240x128xf32, #tpu.memory_space<vmem_shared>> -> memref<10240x128xf32, #tpu.memory_space<vmem_shared>>
            tpu.enqueue_indirect_dma source(%arg6 : memref<128x128xf32, #tpu.memory_space<vmem>>) target(%dma_start3A_190 : memref<10240x128xf32, #tpu.memory_space<vmem_shared>>) offsets(%dma_start3A_187 : memref<128xi32, #tpu.memory_space<vmem>>) semaphore(%run_scoped3A_184 : memref<!tpu.dma_semaphore, #tpu.memory_space<semaphore_mem>>) {add = true}
            %dma_wait3A_191 = arith.constant 0 : i32
            %dma_wait3A_192 = tpu.memref_slice %arg9[%run_scoped3A, %dma_wait3A_191] : memref<2x128xi32, #tpu.memory_space<vmem>> -> memref<1x128xi32, #tpu.memory_space<vmem>>
            %dma_wait3A_193 = tpu.memref_squeeze %dma_wait3A_192 : memref<1x128xi32, #tpu.memory_space<vmem>> -> memref<128xi32, #tpu.memory_space<vmem>>
            %dma_wait3A_194 = arith.constant 0 : i32
            %dma_wait3A_195 = arith.constant 0 : i32
            %dma_wait3A_196 = tpu.memref_slice %arg15[%dma_wait3A_194, %dma_wait3A_195] : memref<10240x128xf32, #tpu.memory_space<vmem_shared>> -> memref<10240x128xf32, #tpu.memory_space<vmem_shared>>
            tpu.wait_indirect_dma semaphore(%run_scoped3A_184 : memref<!tpu.dma_semaphore, #tpu.memory_space<semaphore_mem>>) src(%arg6 : memref<128x128xf32, #tpu.memory_space<vmem>>) dst(%dma_wait3A_196 : memref<10240x128xf32, #tpu.memory_space<vmem_shared>>)
            tpu.yield
          }) : () -> ()
        } else {
        }
      } else {
      }
      %jit3A_81 = arith.constant 3 : i32
      %eq3A_82 = arith.constant 0 : i32
      %eq3A_83 = arith.cmpi eq, %jit3A_81, %eq3A_82 : i32
      %jit3A_84 = arith.constant 1 : i32
      %select_n3A_85 = arith.select %eq3A_83, %jit3A_84, %jit3A_81 : i32
      %rem3A_86 = arith.remsi %while3A_65, %select_n3A_85 : i32
      %ne3A_87 = arith.constant 0 : i32
      %ne3A_88 = arith.cmpi ne, %rem3A_86, %ne3A_87 : i32
      %lt3A_89 = arith.constant 0 : i32
      %lt3A_90 = arith.cmpi slt, %rem3A_86, %lt3A_89 : i32
      %lt3A_91 = arith.constant 0 : i32
      %lt3A_92 = arith.cmpi slt, %select_n3A_85, %lt3A_91 : i32
      %ne3A_93 = arith.xori %lt3A_90, %lt3A_92 : i1
      %and3A_94 = arith.andi %ne3A_93, %ne3A_88 : i1
      %add3A_95 = arith.addi %rem3A_86, %select_n3A_85 : i32
      %select_n3A_96 = arith.select %and3A_94, %add3A_95, %rem3A_86 : i32
      %eq3A_97 = arith.constant 1 : i32
      %eq3A_98 = arith.cmpi eq, %select_n3A_96, %eq3A_97 : i32
      %convert_element_type3A_99 = arith.extui %eq3A_98 : i1 to i32
      %cond3A_100 = arith.constant 0 : i32
      %cond3A_101 = arith.cmpi ne, %convert_element_type3A_99, %cond3A_100 : i32
      scf.if %cond3A_101 {
        %add3A_123 = arith.constant 2 : i32
        %add3A_124 = arith.addi %while3A_65, %add3A_123 : i32
        %lt3A_125 = arith.cmpi slt, %add3A_124, %add3A_8 : i32
        %convert_element_type3A_126 = arith.extui %lt3A_125 : i1 to i32
        %cond3A_127 = arith.constant 0 : i32
        %cond3A_128 = arith.cmpi ne, %convert_element_type3A_126, %cond3A_127 : i32
        scf.if %cond3A_128 {
          %add3A_177 = arith.constant 2 : i32
          %add3A_178 = arith.addi %while3A_65, %add3A_177 : i32
          %add3A_179 = arith.addi %add3A_4, %add3A_178 : i32
          %mul3A_180 = arith.constant 128 : i32
          %mul3A_181 = arith.muli %add3A_179, %mul3A_180 : i32
          %dma_start3A_182 = arith.constant 0 : i32
          %dma_start3A_183 = tpu.memref_slice %arg3[%dma_start3A_182, %mul3A_181] : memref<2x320000xi32, #tpu.memory_space<hbm>> -> memref<2x128xi32, #tpu.memory_space<hbm>>
          %dma_start3A_184 = arith.constant 0 : i32
          %dma_start3A_185 = tpu.memref_slice %arg3[%dma_start3A_184, %mul3A_181] : memref<2x320000xi32, #tpu.memory_space<hbm>> -> memref<2x128xi32, #tpu.memory_space<hbm>>
          tpu.enqueue_dma source(%dma_start3A_185 : memref<2x128xi32, #tpu.memory_space<hbm>>) target(%arg9 : memref<2x128xi32, #tpu.memory_space<vmem>>) target_semaphore(%arg12 : memref<!tpu.dma_semaphore, #tpu.memory_space<semaphore_mem>>)
        } else {
        }
        %add3A_129 = arith.constant 1 : i32
        %add3A_130 = arith.addi %while3A_65, %add3A_129 : i32
        %lt3A_131 = arith.cmpi slt, %add3A_130, %add3A_8 : i32
        %convert_element_type3A_132 = arith.extui %lt3A_131 : i1 to i32
        %cond3A_133 = arith.constant 0 : i32
        %cond3A_134 = arith.cmpi ne, %convert_element_type3A_132, %cond3A_133 : i32
        scf.if %cond3A_134 {
          %add3A_177 = arith.constant 1 : i32
          %add3A_178 = arith.addi %while3A_65, %add3A_177 : i32
          %add3A_179 = arith.addi %add3A_4, %add3A_178 : i32
          %mul3A_180 = arith.constant 128 : i32
          %mul3A_181 = arith.muli %add3A_179, %mul3A_180 : i32
          %dma_wait3A_182 = arith.constant 0 : i32
          %dma_wait3A_183 = tpu.memref_slice %arg3[%dma_wait3A_182, %mul3A_181] : memref<2x320000xi32, #tpu.memory_space<hbm>> -> memref<2x128xi32, #tpu.memory_space<hbm>>
          %dma_wait3A_184 = arith.constant 0 : i32
          %dma_wait3A_185 = tpu.memref_slice %arg3[%dma_wait3A_184, %mul3A_181] : memref<2x320000xi32, #tpu.memory_space<hbm>> -> memref<2x128xi32, #tpu.memory_space<hbm>>
          tpu.wait_dma2 semaphore(%arg14 : memref<!tpu.dma_semaphore, #tpu.memory_space<semaphore_mem>>) src(%dma_wait3A_185 : memref<2x128xi32, #tpu.memory_space<hbm>>) dst(%arg11 : memref<2x128xi32, #tpu.memory_space<vmem>>)
          %add3A_186 = arith.constant 1 : i32
          %add3A_187 = arith.addi %while3A_65, %add3A_186 : i32
          %jit3A_188 = arith.constant 2 : i32
          %eq3A_189 = arith.constant 0 : i32
          %eq3A_190 = arith.cmpi eq, %jit3A_188, %eq3A_189 : i32
          %jit3A_191 = arith.constant 1 : i32
          %select_n3A_192 = arith.select %eq3A_190, %jit3A_191, %jit3A_188 : i32
          %rem3A_193 = arith.remsi %add3A_187, %select_n3A_192 : i32
          %ne3A_194 = arith.constant 0 : i32
          %ne3A_195 = arith.cmpi ne, %rem3A_193, %ne3A_194 : i32
          %lt3A_196 = arith.constant 0 : i32
          %lt3A_197 = arith.cmpi slt, %rem3A_193, %lt3A_196 : i32
          %lt3A_198 = arith.constant 0 : i32
          %lt3A_199 = arith.cmpi slt, %select_n3A_192, %lt3A_198 : i32
          %ne3A_200 = arith.xori %lt3A_197, %lt3A_199 : i1
          %and3A_201 = arith.andi %ne3A_200, %ne3A_195 : i1
          %add3A_202 = arith.addi %rem3A_193, %select_n3A_192 : i32
          %select_n3A_203 = arith.select %and3A_201, %add3A_202, %rem3A_193 : i32
          %eq3A_204 = arith.constant 0 : i32
          %eq3A_205 = arith.cmpi eq, %select_n3A_203, %eq3A_204 : i32
          %convert_element_type3A_206 = arith.extui %eq3A_205 : i1 to i32
          %cond3A_207 = arith.constant 0 : i32
          %cond3A_208 = arith.cmpi ne, %convert_element_type3A_206, %cond3A_207 : i32
          scf.if %cond3A_208 {
            %dma_start3A_232 = arith.constant 0 : i32
            %dma_start3A_233 = arith.constant 0 : i32
            %dma_start3A_234 = tpu.memref_slice %arg11[%dma_start3A_232, %dma_start3A_233] : memref<2x128xi32, #tpu.memory_space<vmem>> -> memref<1x128xi32, #tpu.memory_space<vmem>>
            %dma_start3A_235 = tpu.memref_squeeze %dma_start3A_234 : memref<1x128xi32, #tpu.memory_space<vmem>> -> memref<128xi32, #tpu.memory_space<vmem>>
            %dma_start3A_236 = arith.constant 0 : i32
            %dma_start3A_237 = arith.constant 0 : i32
            %dma_start3A_238 = tpu.memref_slice %arg2[%dma_start3A_236, %dma_start3A_237] : memref<10000x128xf32, #tpu.memory_space<hbm>> -> memref<10000x128xf32, #tpu.memory_space<hbm>>
            tpu.enqueue_indirect_dma source(%dma_start3A_238 : memref<10000x128xf32, #tpu.memory_space<hbm>>) target(%arg5 : memref<128x128xf32, #tpu.memory_space<vmem>>) offsets(%dma_start3A_235 : memref<128xi32, #tpu.memory_space<vmem>>) semaphore(%arg7 : memref<!tpu.dma_semaphore, #tpu.memory_space<semaphore_mem>>)
          } else {
          }
          %add3A_209 = arith.constant 1 : i32
          %add3A_210 = arith.addi %while3A_65, %add3A_209 : i32
          %jit3A_211 = arith.constant 2 : i32
          %eq3A_212 = arith.constant 0 : i32
          %eq3A_213 = arith.cmpi eq, %jit3A_211, %eq3A_212 : i32
          %jit3A_214 = arith.constant 1 : i32
          %select_n3A_215 = arith.select %eq3A_213, %jit3A_214, %jit3A_211 : i32
          %rem3A_216 = arith.remsi %add3A_210, %select_n3A_215 : i32
          %ne3A_217 = arith.constant 0 : i32
          %ne3A_218 = arith.cmpi ne, %rem3A_216, %ne3A_217 : i32
          %lt3A_219 = arith.constant 0 : i32
          %lt3A_220 = arith.cmpi slt, %rem3A_216, %lt3A_219 : i32
          %lt3A_221 = arith.constant 0 : i32
          %lt3A_222 = arith.cmpi slt, %select_n3A_215, %lt3A_221 : i32
          %ne3A_223 = arith.xori %lt3A_220, %lt3A_222 : i1
          %and3A_224 = arith.andi %ne3A_223, %ne3A_218 : i1
          %add3A_225 = arith.addi %rem3A_216, %select_n3A_215 : i32
          %select_n3A_226 = arith.select %and3A_224, %add3A_225, %rem3A_216 : i32
          %eq3A_227 = arith.constant 1 : i32
          %eq3A_228 = arith.cmpi eq, %select_n3A_226, %eq3A_227 : i32
          %convert_element_type3A_229 = arith.extui %eq3A_228 : i1 to i32
          %cond3A_230 = arith.constant 0 : i32
          %cond3A_231 = arith.cmpi ne, %convert_element_type3A_229, %cond3A_230 : i32
          scf.if %cond3A_231 {
            %dma_start3A_232 = arith.constant 0 : i32
            %dma_start3A_233 = arith.constant 0 : i32
            %dma_start3A_234 = tpu.memref_slice %arg11[%dma_start3A_232, %dma_start3A_233] : memref<2x128xi32, #tpu.memory_space<vmem>> -> memref<1x128xi32, #tpu.memory_space<vmem>>
            %dma_start3A_235 = tpu.memref_squeeze %dma_start3A_234 : memref<1x128xi32, #tpu.memory_space<vmem>> -> memref<128xi32, #tpu.memory_space<vmem>>
            %dma_start3A_236 = arith.constant 0 : i32
            %dma_start3A_237 = arith.constant 0 : i32
            %dma_start3A_238 = tpu.memref_slice %arg2[%dma_start3A_236, %dma_start3A_237] : memref<10000x128xf32, #tpu.memory_space<hbm>> -> memref<10000x128xf32, #tpu.memory_space<hbm>>
            tpu.enqueue_indirect_dma source(%dma_start3A_238 : memref<10000x128xf32, #tpu.memory_space<hbm>>) target(%arg6 : memref<128x128xf32, #tpu.memory_space<vmem>>) offsets(%dma_start3A_235 : memref<128xi32, #tpu.memory_space<vmem>>) semaphore(%arg8 : memref<!tpu.dma_semaphore, #tpu.memory_space<semaphore_mem>>)
          } else {
          }
        } else {
        }
        %jit3A_135 = arith.constant 2 : i32
        %eq3A_136 = arith.constant 0 : i32
        %eq3A_137 = arith.cmpi eq, %jit3A_135, %eq3A_136 : i32
        %jit3A_138 = arith.constant 1 : i32
        %select_n3A_139 = arith.select %eq3A_137, %jit3A_138, %jit3A_135 : i32
        %rem3A_140 = arith.remsi %while3A_65, %select_n3A_139 : i32
        %ne3A_141 = arith.constant 0 : i32
        %ne3A_142 = arith.cmpi ne, %rem3A_140, %ne3A_141 : i32
        %lt3A_143 = arith.constant 0 : i32
        %lt3A_144 = arith.cmpi slt, %rem3A_140, %lt3A_143 : i32
        %lt3A_145 = arith.constant 0 : i32
        %lt3A_146 = arith.cmpi slt, %select_n3A_139, %lt3A_145 : i32
        %ne3A_147 = arith.xori %lt3A_144, %lt3A_146 : i1
        %and3A_148 = arith.andi %ne3A_147, %ne3A_142 : i1
        %add3A_149 = arith.addi %rem3A_140, %select_n3A_139 : i32
        %select_n3A_150 = arith.select %and3A_148, %add3A_149, %rem3A_140 : i32
        %eq3A_151 = arith.constant 0 : i32
        %eq3A_152 = arith.cmpi eq, %select_n3A_150, %eq3A_151 : i32
        %convert_element_type3A_153 = arith.extui %eq3A_152 : i1 to i32
        %cond3A_154 = arith.constant 0 : i32
        %cond3A_155 = arith.cmpi ne, %convert_element_type3A_153, %cond3A_154 : i32
        scf.if %cond3A_155 {
          %dma_wait3A_177 = arith.constant 0 : i32
          %dma_wait3A_178 = arith.constant 0 : i32
          %dma_wait3A_179 = tpu.memref_slice %arg10[%dma_wait3A_177, %dma_wait3A_178] : memref<2x128xi32, #tpu.memory_space<vmem>> -> memref<1x128xi32, #tpu.memory_space<vmem>>
          %dma_wait3A_180 = tpu.memref_squeeze %dma_wait3A_179 : memref<1x128xi32, #tpu.memory_space<vmem>> -> memref<128xi32, #tpu.memory_space<vmem>>
          %dma_wait3A_181 = arith.constant 0 : i32
          %dma_wait3A_182 = arith.constant 0 : i32
          %dma_wait3A_183 = tpu.memref_slice %arg2[%dma_wait3A_181, %dma_wait3A_182] : memref<10000x128xf32, #tpu.memory_space<hbm>> -> memref<10000x128xf32, #tpu.memory_space<hbm>>
          tpu.wait_indirect_dma semaphore(%arg7 : memref<!tpu.dma_semaphore, #tpu.memory_space<semaphore_mem>>) src(%dma_wait3A_183 : memref<10000x128xf32, #tpu.memory_space<hbm>>) dst(%arg5 : memref<128x128xf32, #tpu.memory_space<vmem>>)
          %run_scoped3A = arith.constant 1 : i32
          "tpu.region"() ({
            %run_scoped3A_184 = tpu.sem_alloc : memref<!tpu.dma_semaphore, #tpu.memory_space<semaphore_mem>>
            %dma_start3A_185 = arith.constant 0 : i32
            %dma_start3A_186 = tpu.memref_slice %arg10[%run_scoped3A, %dma_start3A_185] : memref<2x128xi32, #tpu.memory_space<vmem>> -> memref<1x128xi32, #tpu.memory_space<vmem>>
            %dma_start3A_187 = tpu.memref_squeeze %dma_start3A_186 : memref<1x128xi32, #tpu.memory_space<vmem>> -> memref<128xi32, #tpu.memory_space<vmem>>
            %dma_start3A_188 = arith.constant 0 : i32
            %dma_start3A_189 = arith.constant 0 : i32
            %dma_start3A_190 = tpu.memref_slice %arg15[%dma_start3A_188, %dma_start3A_189] : memref<10240x128xf32, #tpu.memory_space<vmem_shared>> -> memref<10240x128xf32, #tpu.memory_space<vmem_shared>>
            tpu.enqueue_indirect_dma source(%arg5 : memref<128x128xf32, #tpu.memory_space<vmem>>) target(%dma_start3A_190 : memref<10240x128xf32, #tpu.memory_space<vmem_shared>>) offsets(%dma_start3A_187 : memref<128xi32, #tpu.memory_space<vmem>>) semaphore(%run_scoped3A_184 : memref<!tpu.dma_semaphore, #tpu.memory_space<semaphore_mem>>) {add = true}
            %dma_wait3A_191 = arith.constant 0 : i32
            %dma_wait3A_192 = tpu.memref_slice %arg10[%run_scoped3A, %dma_wait3A_191] : memref<2x128xi32, #tpu.memory_space<vmem>> -> memref<1x128xi32, #tpu.memory_space<vmem>>
            %dma_wait3A_193 = tpu.memref_squeeze %dma_wait3A_192 : memref<1x128xi32, #tpu.memory_space<vmem>> -> memref<128xi32, #tpu.memory_space<vmem>>
            %dma_wait3A_194 = arith.constant 0 : i32
            %dma_wait3A_195 = arith.constant 0 : i32
            %dma_wait3A_196 = tpu.memref_slice %arg15[%dma_wait3A_194, %dma_wait3A_195] : memref<10240x128xf32, #tpu.memory_space<vmem_shared>> -> memref<10240x128xf32, #tpu.memory_space<vmem_shared>>
            tpu.wait_indirect_dma semaphore(%run_scoped3A_184 : memref<!tpu.dma_semaphore, #tpu.memory_space<semaphore_mem>>) src(%arg5 : memref<128x128xf32, #tpu.memory_space<vmem>>) dst(%dma_wait3A_196 : memref<10240x128xf32, #tpu.memory_space<vmem_shared>>)
            tpu.yield
          }) : () -> ()
        } else {
        }
        %jit3A_156 = arith.constant 2 : i32
        %eq3A_157 = arith.constant 0 : i32
        %eq3A_158 = arith.cmpi eq, %jit3A_156, %eq3A_157 : i32
        %jit3A_159 = arith.constant 1 : i32
        %select_n3A_160 = arith.select %eq3A_158, %jit3A_159, %jit3A_156 : i32
        %rem3A_161 = arith.remsi %while3A_65, %select_n3A_160 : i32
        %ne3A_162 = arith.constant 0 : i32
        %ne3A_163 = arith.cmpi ne, %rem3A_161, %ne3A_162 : i32
        %lt3A_164 = arith.constant 0 : i32
        %lt3A_165 = arith.cmpi slt, %rem3A_161, %lt3A_164 : i32
        %lt3A_166 = arith.constant 0 : i32
        %lt3A_167 = arith.cmpi slt, %select_n3A_160, %lt3A_166 : i32
        %ne3A_168 = arith.xori %lt3A_165, %lt3A_167 : i1
        %and3A_169 = arith.andi %ne3A_168, %ne3A_163 : i1
        %add3A_170 = arith.addi %rem3A_161, %select_n3A_160 : i32
        %select_n3A_171 = arith.select %and3A_169, %add3A_170, %rem3A_161 : i32
        %eq3A_172 = arith.constant 1 : i32
        %eq3A_173 = arith.cmpi eq, %select_n3A_171, %eq3A_172 : i32
        %convert_element_type3A_174 = arith.extui %eq3A_173 : i1 to i32
        %cond3A_175 = arith.constant 0 : i32
        %cond3A_176 = arith.cmpi ne, %convert_element_type3A_174, %cond3A_175 : i32
        scf.if %cond3A_176 {
          %dma_wait3A_177 = arith.constant 0 : i32
          %dma_wait3A_178 = arith.constant 0 : i32
          %dma_wait3A_179 = tpu.memref_slice %arg10[%dma_wait3A_177, %dma_wait3A_178] : memref<2x128xi32, #tpu.memory_space<vmem>> -> memref<1x128xi32, #tpu.memory_space<vmem>>
          %dma_wait3A_180 = tpu.memref_squeeze %dma_wait3A_179 : memref<1x128xi32, #tpu.memory_space<vmem>> -> memref<128xi32, #tpu.memory_space<vmem>>
          %dma_wait3A_181 = arith.constant 0 : i32
          %dma_wait3A_182 = arith.constant 0 : i32
          %dma_wait3A_183 = tpu.memref_slice %arg2[%dma_wait3A_181, %dma_wait3A_182] : memref<10000x128xf32, #tpu.memory_space<hbm>> -> memref<10000x128xf32, #tpu.memory_space<hbm>>
          tpu.wait_indirect_dma semaphore(%arg8 : memref<!tpu.dma_semaphore, #tpu.memory_space<semaphore_mem>>) src(%dma_wait3A_183 : memref<10000x128xf32, #tpu.memory_space<hbm>>) dst(%arg6 : memref<128x128xf32, #tpu.memory_space<vmem>>)
          %run_scoped3A = arith.constant 1 : i32
          "tpu.region"() ({
            %run_scoped3A_184 = tpu.sem_alloc : memref<!tpu.dma_semaphore, #tpu.memory_space<semaphore_mem>>
            %dma_start3A_185 = arith.constant 0 : i32
            %dma_start3A_186 = tpu.memref_slice %arg10[%run_scoped3A, %dma_start3A_185] : memref<2x128xi32, #tpu.memory_space<vmem>> -> memref<1x128xi32, #tpu.memory_space<vmem>>
            %dma_start3A_187 = tpu.memref_squeeze %dma_start3A_186 : memref<1x128xi32, #tpu.memory_space<vmem>> -> memref<128xi32, #tpu.memory_space<vmem>>
            %dma_start3A_188 = arith.constant 0 : i32
            %dma_start3A_189 = arith.constant 0 : i32
            %dma_start3A_190 = tpu.memref_slice %arg15[%dma_start3A_188, %dma_start3A_189] : memref<10240x128xf32, #tpu.memory_space<vmem_shared>> -> memref<10240x128xf32, #tpu.memory_space<vmem_shared>>
            tpu.enqueue_indirect_dma source(%arg6 : memref<128x128xf32, #tpu.memory_space<vmem>>) target(%dma_start3A_190 : memref<10240x128xf32, #tpu.memory_space<vmem_shared>>) offsets(%dma_start3A_187 : memref<128xi32, #tpu.memory_space<vmem>>) semaphore(%run_scoped3A_184 : memref<!tpu.dma_semaphore, #tpu.memory_space<semaphore_mem>>) {add = true}
            %dma_wait3A_191 = arith.constant 0 : i32
            %dma_wait3A_192 = tpu.memref_slice %arg10[%run_scoped3A, %dma_wait3A_191] : memref<2x128xi32, #tpu.memory_space<vmem>> -> memref<1x128xi32, #tpu.memory_space<vmem>>
            %dma_wait3A_193 = tpu.memref_squeeze %dma_wait3A_192 : memref<1x128xi32, #tpu.memory_space<vmem>> -> memref<128xi32, #tpu.memory_space<vmem>>
            %dma_wait3A_194 = arith.constant 0 : i32
            %dma_wait3A_195 = arith.constant 0 : i32
            %dma_wait3A_196 = tpu.memref_slice %arg15[%dma_wait3A_194, %dma_wait3A_195] : memref<10240x128xf32, #tpu.memory_space<vmem_shared>> -> memref<10240x128xf32, #tpu.memory_space<vmem_shared>>
            tpu.wait_indirect_dma semaphore(%run_scoped3A_184 : memref<!tpu.dma_semaphore, #tpu.memory_space<semaphore_mem>>) src(%arg6 : memref<128x128xf32, #tpu.memory_space<vmem>>) dst(%dma_wait3A_196 : memref<10240x128xf32, #tpu.memory_space<vmem_shared>>)
            tpu.yield
          }) : () -> ()
        } else {
        }
      } else {
      }
      %jit3A_102 = arith.constant 3 : i32
      %eq3A_103 = arith.constant 0 : i32
      %eq3A_104 = arith.cmpi eq, %jit3A_102, %eq3A_103 : i32
      %jit3A_105 = arith.constant 1 : i32
      %select_n3A_106 = arith.select %eq3A_104, %jit3A_105, %jit3A_102 : i32
      %rem3A_107 = arith.remsi %while3A_65, %select_n3A_106 : i32
      %ne3A_108 = arith.constant 0 : i32
      %ne3A_109 = arith.cmpi ne, %rem3A_107, %ne3A_108 : i32
      %lt3A_110 = arith.constant 0 : i32
      %lt3A_111 = arith.cmpi slt, %rem3A_107, %lt3A_110 : i32
      %lt3A_112 = arith.constant 0 : i32
      %lt3A_113 = arith.cmpi slt, %select_n3A_106, %lt3A_112 : i32
      %ne3A_114 = arith.xori %lt3A_111, %lt3A_113 : i1
      %and3A_115 = arith.andi %ne3A_114, %ne3A_109 : i1
      %add3A_116 = arith.addi %rem3A_107, %select_n3A_106 : i32
      %select_n3A_117 = arith.select %and3A_115, %add3A_116, %rem3A_107 : i32
      %eq3A_118 = arith.constant 2 : i32
      %eq3A_119 = arith.cmpi eq, %select_n3A_117, %eq3A_118 : i32
      %convert_element_type3A_120 = arith.extui %eq3A_119 : i1 to i32
      %cond3A_121 = arith.constant 0 : i32
      %cond3A_122 = arith.cmpi ne, %convert_element_type3A_120, %cond3A_121 : i32
      scf.if %cond3A_122 {
        %add3A_123 = arith.constant 2 : i32
        %add3A_124 = arith.addi %while3A_65, %add3A_123 : i32
        %lt3A_125 = arith.cmpi slt, %add3A_124, %add3A_8 : i32
        %convert_element_type3A_126 = arith.extui %lt3A_125 : i1 to i32
        %cond3A_127 = arith.constant 0 : i32
        %cond3A_128 = arith.cmpi ne, %convert_element_type3A_126, %cond3A_127 : i32
        scf.if %cond3A_128 {
          %add3A_177 = arith.constant 2 : i32
          %add3A_178 = arith.addi %while3A_65, %add3A_177 : i32
          %add3A_179 = arith.addi %add3A_4, %add3A_178 : i32
          %mul3A_180 = arith.constant 128 : i32
          %mul3A_181 = arith.muli %add3A_179, %mul3A_180 : i32
          %dma_start3A_182 = arith.constant 0 : i32
          %dma_start3A_183 = tpu.memref_slice %arg3[%dma_start3A_182, %mul3A_181] : memref<2x320000xi32, #tpu.memory_space<hbm>> -> memref<2x128xi32, #tpu.memory_space<hbm>>
          %dma_start3A_184 = arith.constant 0 : i32
          %dma_start3A_185 = tpu.memref_slice %arg3[%dma_start3A_184, %mul3A_181] : memref<2x320000xi32, #tpu.memory_space<hbm>> -> memref<2x128xi32, #tpu.memory_space<hbm>>
          tpu.enqueue_dma source(%dma_start3A_185 : memref<2x128xi32, #tpu.memory_space<hbm>>) target(%arg10 : memref<2x128xi32, #tpu.memory_space<vmem>>) target_semaphore(%arg13 : memref<!tpu.dma_semaphore, #tpu.memory_space<semaphore_mem>>)
        } else {
        }
        %add3A_129 = arith.constant 1 : i32
        %add3A_130 = arith.addi %while3A_65, %add3A_129 : i32
        %lt3A_131 = arith.cmpi slt, %add3A_130, %add3A_8 : i32
        %convert_element_type3A_132 = arith.extui %lt3A_131 : i1 to i32
        %cond3A_133 = arith.constant 0 : i32
        %cond3A_134 = arith.cmpi ne, %convert_element_type3A_132, %cond3A_133 : i32
        scf.if %cond3A_134 {
          %add3A_177 = arith.constant 1 : i32
          %add3A_178 = arith.addi %while3A_65, %add3A_177 : i32
          %add3A_179 = arith.addi %add3A_4, %add3A_178 : i32
          %mul3A_180 = arith.constant 128 : i32
          %mul3A_181 = arith.muli %add3A_179, %mul3A_180 : i32
          %dma_wait3A_182 = arith.constant 0 : i32
          %dma_wait3A_183 = tpu.memref_slice %arg3[%dma_wait3A_182, %mul3A_181] : memref<2x320000xi32, #tpu.memory_space<hbm>> -> memref<2x128xi32, #tpu.memory_space<hbm>>
          %dma_wait3A_184 = arith.constant 0 : i32
          %dma_wait3A_185 = tpu.memref_slice %arg3[%dma_wait3A_184, %mul3A_181] : memref<2x320000xi32, #tpu.memory_space<hbm>> -> memref<2x128xi32, #tpu.memory_space<hbm>>
          tpu.wait_dma2 semaphore(%arg12 : memref<!tpu.dma_semaphore, #tpu.memory_space<semaphore_mem>>) src(%dma_wait3A_185 : memref<2x128xi32, #tpu.memory_space<hbm>>) dst(%arg9 : memref<2x128xi32, #tpu.memory_space<vmem>>)
          %add3A_186 = arith.constant 1 : i32
          %add3A_187 = arith.addi %while3A_65, %add3A_186 : i32
          %jit3A_188 = arith.constant 2 : i32
          %eq3A_189 = arith.constant 0 : i32
          %eq3A_190 = arith.cmpi eq, %jit3A_188, %eq3A_189 : i32
          %jit3A_191 = arith.constant 1 : i32
          %select_n3A_192 = arith.select %eq3A_190, %jit3A_191, %jit3A_188 : i32
          %rem3A_193 = arith.remsi %add3A_187, %select_n3A_192 : i32
          %ne3A_194 = arith.constant 0 : i32
          %ne3A_195 = arith.cmpi ne, %rem3A_193, %ne3A_194 : i32
          %lt3A_196 = arith.constant 0 : i32
          %lt3A_197 = arith.cmpi slt, %rem3A_193, %lt3A_196 : i32
          %lt3A_198 = arith.constant 0 : i32
          %lt3A_199 = arith.cmpi slt, %select_n3A_192, %lt3A_198 : i32
          %ne3A_200 = arith.xori %lt3A_197, %lt3A_199 : i1
          %and3A_201 = arith.andi %ne3A_200, %ne3A_195 : i1
          %add3A_202 = arith.addi %rem3A_193, %select_n3A_192 : i32
          %select_n3A_203 = arith.select %and3A_201, %add3A_202, %rem3A_193 : i32
          %eq3A_204 = arith.constant 0 : i32
          %eq3A_205 = arith.cmpi eq, %select_n3A_203, %eq3A_204 : i32
          %convert_element_type3A_206 = arith.extui %eq3A_205 : i1 to i32
          %cond3A_207 = arith.constant 0 : i32
          %cond3A_208 = arith.cmpi ne, %convert_element_type3A_206, %cond3A_207 : i32
          scf.if %cond3A_208 {
            %dma_start3A_232 = arith.constant 0 : i32
            %dma_start3A_233 = arith.constant 0 : i32
            %dma_start3A_234 = tpu.memref_slice %arg9[%dma_start3A_232, %dma_start3A_233] : memref<2x128xi32, #tpu.memory_space<vmem>> -> memref<1x128xi32, #tpu.memory_space<vmem>>
            %dma_start3A_235 = tpu.memref_squeeze %dma_start3A_234 : memref<1x128xi32, #tpu.memory_space<vmem>> -> memref<128xi32, #tpu.memory_space<vmem>>
            %dma_start3A_236 = arith.constant 0 : i32
            %dma_start3A_237 = arith.constant 0 : i32
            %dma_start3A_238 = tpu.memref_slice %arg2[%dma_start3A_236, %dma_start3A_237] : memref<10000x128xf32, #tpu.memory_space<hbm>> -> memref<10000x128xf32, #tpu.memory_space<hbm>>
            tpu.enqueue_indirect_dma source(%dma_start3A_238 : memref<10000x128xf32, #tpu.memory_space<hbm>>) target(%arg5 : memref<128x128xf32, #tpu.memory_space<vmem>>) offsets(%dma_start3A_235 : memref<128xi32, #tpu.memory_space<vmem>>) semaphore(%arg7 : memref<!tpu.dma_semaphore, #tpu.memory_space<semaphore_mem>>)
          } else {
          }
          %add3A_209 = arith.constant 1 : i32
          %add3A_210 = arith.addi %while3A_65, %add3A_209 : i32
          %jit3A_211 = arith.constant 2 : i32
          %eq3A_212 = arith.constant 0 : i32
          %eq3A_213 = arith.cmpi eq, %jit3A_211, %eq3A_212 : i32
          %jit3A_214 = arith.constant 1 : i32
          %select_n3A_215 = arith.select %eq3A_213, %jit3A_214, %jit3A_211 : i32
          %rem3A_216 = arith.remsi %add3A_210, %select_n3A_215 : i32
          %ne3A_217 = arith.constant 0 : i32
          %ne3A_218 = arith.cmpi ne, %rem3A_216, %ne3A_217 : i32
          %lt3A_219 = arith.constant 0 : i32
          %lt3A_220 = arith.cmpi slt, %rem3A_216, %lt3A_219 : i32
          %lt3A_221 = arith.constant 0 : i32
          %lt3A_222 = arith.cmpi slt, %select_n3A_215, %lt3A_221 : i32
          %ne3A_223 = arith.xori %lt3A_220, %lt3A_222 : i1
          %and3A_224 = arith.andi %ne3A_223, %ne3A_218 : i1
          %add3A_225 = arith.addi %rem3A_216, %select_n3A_215 : i32
          %select_n3A_226 = arith.select %and3A_224, %add3A_225, %rem3A_216 : i32
          %eq3A_227 = arith.constant 1 : i32
          %eq3A_228 = arith.cmpi eq, %select_n3A_226, %eq3A_227 : i32
          %convert_element_type3A_229 = arith.extui %eq3A_228 : i1 to i32
          %cond3A_230 = arith.constant 0 : i32
          %cond3A_231 = arith.cmpi ne, %convert_element_type3A_229, %cond3A_230 : i32
          scf.if %cond3A_231 {
            %dma_start3A_232 = arith.constant 0 : i32
            %dma_start3A_233 = arith.constant 0 : i32
            %dma_start3A_234 = tpu.memref_slice %arg9[%dma_start3A_232, %dma_start3A_233] : memref<2x128xi32, #tpu.memory_space<vmem>> -> memref<1x128xi32, #tpu.memory_space<vmem>>
            %dma_start3A_235 = tpu.memref_squeeze %dma_start3A_234 : memref<1x128xi32, #tpu.memory_space<vmem>> -> memref<128xi32, #tpu.memory_space<vmem>>
            %dma_start3A_236 = arith.constant 0 : i32
            %dma_start3A_237 = arith.constant 0 : i32
            %dma_start3A_238 = tpu.memref_slice %arg2[%dma_start3A_236, %dma_start3A_237] : memref<10000x128xf32, #tpu.memory_space<hbm>> -> memref<10000x128xf32, #tpu.memory_space<hbm>>
            tpu.enqueue_indirect_dma source(%dma_start3A_238 : memref<10000x128xf32, #tpu.memory_space<hbm>>) target(%arg6 : memref<128x128xf32, #tpu.memory_space<vmem>>) offsets(%dma_start3A_235 : memref<128xi32, #tpu.memory_space<vmem>>) semaphore(%arg8 : memref<!tpu.dma_semaphore, #tpu.memory_space<semaphore_mem>>)
          } else {
          }
        } else {
        }
        %jit3A_135 = arith.constant 2 : i32
        %eq3A_136 = arith.constant 0 : i32
        %eq3A_137 = arith.cmpi eq, %jit3A_135, %eq3A_136 : i32
        %jit3A_138 = arith.constant 1 : i32
        %select_n3A_139 = arith.select %eq3A_137, %jit3A_138, %jit3A_135 : i32
        %rem3A_140 = arith.remsi %while3A_65, %select_n3A_139 : i32
        %ne3A_141 = arith.constant 0 : i32
        %ne3A_142 = arith.cmpi ne, %rem3A_140, %ne3A_141 : i32
        %lt3A_143 = arith.constant 0 : i32
        %lt3A_144 = arith.cmpi slt, %rem3A_140, %lt3A_143 : i32
        %lt3A_145 = arith.constant 0 : i32
        %lt3A_146 = arith.cmpi slt, %select_n3A_139, %lt3A_145 : i32
        %ne3A_147 = arith.xori %lt3A_144, %lt3A_146 : i1
        %and3A_148 = arith.andi %ne3A_147, %ne3A_142 : i1
        %add3A_149 = arith.addi %rem3A_140, %select_n3A_139 : i32
        %select_n3A_150 = arith.select %and3A_148, %add3A_149, %rem3A_140 : i32
        %eq3A_151 = arith.constant 0 : i32
        %eq3A_152 = arith.cmpi eq, %select_n3A_150, %eq3A_151 : i32
        %convert_element_type3A_153 = arith.extui %eq3A_152 : i1 to i32
        %cond3A_154 = arith.constant 0 : i32
        %cond3A_155 = arith.cmpi ne, %convert_element_type3A_153, %cond3A_154 : i32
        scf.if %cond3A_155 {
          %dma_wait3A_177 = arith.constant 0 : i32
          %dma_wait3A_178 = arith.constant 0 : i32
          %dma_wait3A_179 = tpu.memref_slice %arg11[%dma_wait3A_177, %dma_wait3A_178] : memref<2x128xi32, #tpu.memory_space<vmem>> -> memref<1x128xi32, #tpu.memory_space<vmem>>
          %dma_wait3A_180 = tpu.memref_squeeze %dma_wait3A_179 : memref<1x128xi32, #tpu.memory_space<vmem>> -> memref<128xi32, #tpu.memory_space<vmem>>
          %dma_wait3A_181 = arith.constant 0 : i32
          %dma_wait3A_182 = arith.constant 0 : i32
          %dma_wait3A_183 = tpu.memref_slice %arg2[%dma_wait3A_181, %dma_wait3A_182] : memref<10000x128xf32, #tpu.memory_space<hbm>> -> memref<10000x128xf32, #tpu.memory_space<hbm>>
          tpu.wait_indirect_dma semaphore(%arg7 : memref<!tpu.dma_semaphore, #tpu.memory_space<semaphore_mem>>) src(%dma_wait3A_183 : memref<10000x128xf32, #tpu.memory_space<hbm>>) dst(%arg5 : memref<128x128xf32, #tpu.memory_space<vmem>>)
          %run_scoped3A = arith.constant 1 : i32
          "tpu.region"() ({
            %run_scoped3A_184 = tpu.sem_alloc : memref<!tpu.dma_semaphore, #tpu.memory_space<semaphore_mem>>
            %dma_start3A_185 = arith.constant 0 : i32
            %dma_start3A_186 = tpu.memref_slice %arg11[%run_scoped3A, %dma_start3A_185] : memref<2x128xi32, #tpu.memory_space<vmem>> -> memref<1x128xi32, #tpu.memory_space<vmem>>
            %dma_start3A_187 = tpu.memref_squeeze %dma_start3A_186 : memref<1x128xi32, #tpu.memory_space<vmem>> -> memref<128xi32, #tpu.memory_space<vmem>>
            %dma_start3A_188 = arith.constant 0 : i32
            %dma_start3A_189 = arith.constant 0 : i32
            %dma_start3A_190 = tpu.memref_slice %arg15[%dma_start3A_188, %dma_start3A_189] : memref<10240x128xf32, #tpu.memory_space<vmem_shared>> -> memref<10240x128xf32, #tpu.memory_space<vmem_shared>>
            tpu.enqueue_indirect_dma source(%arg5 : memref<128x128xf32, #tpu.memory_space<vmem>>) target(%dma_start3A_190 : memref<10240x128xf32, #tpu.memory_space<vmem_shared>>) offsets(%dma_start3A_187 : memref<128xi32, #tpu.memory_space<vmem>>) semaphore(%run_scoped3A_184 : memref<!tpu.dma_semaphore, #tpu.memory_space<semaphore_mem>>) {add = true}
            %dma_wait3A_191 = arith.constant 0 : i32
            %dma_wait3A_192 = tpu.memref_slice %arg11[%run_scoped3A, %dma_wait3A_191] : memref<2x128xi32, #tpu.memory_space<vmem>> -> memref<1x128xi32, #tpu.memory_space<vmem>>
            %dma_wait3A_193 = tpu.memref_squeeze %dma_wait3A_192 : memref<1x128xi32, #tpu.memory_space<vmem>> -> memref<128xi32, #tpu.memory_space<vmem>>
            %dma_wait3A_194 = arith.constant 0 : i32
            %dma_wait3A_195 = arith.constant 0 : i32
            %dma_wait3A_196 = tpu.memref_slice %arg15[%dma_wait3A_194, %dma_wait3A_195] : memref<10240x128xf32, #tpu.memory_space<vmem_shared>> -> memref<10240x128xf32, #tpu.memory_space<vmem_shared>>
            tpu.wait_indirect_dma semaphore(%run_scoped3A_184 : memref<!tpu.dma_semaphore, #tpu.memory_space<semaphore_mem>>) src(%arg5 : memref<128x128xf32, #tpu.memory_space<vmem>>) dst(%dma_wait3A_196 : memref<10240x128xf32, #tpu.memory_space<vmem_shared>>)
            tpu.yield
          }) : () -> ()
        } else {
        }
        %jit3A_156 = arith.constant 2 : i32
        %eq3A_157 = arith.constant 0 : i32
        %eq3A_158 = arith.cmpi eq, %jit3A_156, %eq3A_157 : i32
        %jit3A_159 = arith.constant 1 : i32
        %select_n3A_160 = arith.select %eq3A_158, %jit3A_159, %jit3A_156 : i32
        %rem3A_161 = arith.remsi %while3A_65, %select_n3A_160 : i32
        %ne3A_162 = arith.constant 0 : i32
        %ne3A_163 = arith.cmpi ne, %rem3A_161, %ne3A_162 : i32
        %lt3A_164 = arith.constant 0 : i32
        %lt3A_165 = arith.cmpi slt, %rem3A_161, %lt3A_164 : i32
        %lt3A_166 = arith.constant 0 : i32
        %lt3A_167 = arith.cmpi slt, %select_n3A_160, %lt3A_166 : i32
        %ne3A_168 = arith.xori %lt3A_165, %lt3A_167 : i1
        %and3A_169 = arith.andi %ne3A_168, %ne3A_163 : i1
        %add3A_170 = arith.addi %rem3A_161, %select_n3A_160 : i32
        %select_n3A_171 = arith.select %and3A_169, %add3A_170, %rem3A_161 : i32
        %eq3A_172 = arith.constant 1 : i32
        %eq3A_173 = arith.cmpi eq, %select_n3A_171, %eq3A_172 : i32
        %convert_element_type3A_174 = arith.extui %eq3A_173 : i1 to i32
        %cond3A_175 = arith.constant 0 : i32
        %cond3A_176 = arith.cmpi ne, %convert_element_type3A_174, %cond3A_175 : i32
        scf.if %cond3A_176 {
          %dma_wait3A_177 = arith.constant 0 : i32
          %dma_wait3A_178 = arith.constant 0 : i32
          %dma_wait3A_179 = tpu.memref_slice %arg11[%dma_wait3A_177, %dma_wait3A_178] : memref<2x128xi32, #tpu.memory_space<vmem>> -> memref<1x128xi32, #tpu.memory_space<vmem>>
          %dma_wait3A_180 = tpu.memref_squeeze %dma_wait3A_179 : memref<1x128xi32, #tpu.memory_space<vmem>> -> memref<128xi32, #tpu.memory_space<vmem>>
          %dma_wait3A_181 = arith.constant 0 : i32
          %dma_wait3A_182 = arith.constant 0 : i32
          %dma_wait3A_183 = tpu.memref_slice %arg2[%dma_wait3A_181, %dma_wait3A_182] : memref<10000x128xf32, #tpu.memory_space<hbm>> -> memref<10000x128xf32, #tpu.memory_space<hbm>>
          tpu.wait_indirect_dma semaphore(%arg8 : memref<!tpu.dma_semaphore, #tpu.memory_space<semaphore_mem>>) src(%dma_wait3A_183 : memref<10000x128xf32, #tpu.memory_space<hbm>>) dst(%arg6 : memref<128x128xf32, #tpu.memory_space<vmem>>)
          %run_scoped3A = arith.constant 1 : i32
          "tpu.region"() ({
            %run_scoped3A_184 = tpu.sem_alloc : memref<!tpu.dma_semaphore, #tpu.memory_space<semaphore_mem>>
            %dma_start3A_185 = arith.constant 0 : i32
            %dma_start3A_186 = tpu.memref_slice %arg11[%run_scoped3A, %dma_start3A_185] : memref<2x128xi32, #tpu.memory_space<vmem>> -> memref<1x128xi32, #tpu.memory_space<vmem>>
            %dma_start3A_187 = tpu.memref_squeeze %dma_start3A_186 : memref<1x128xi32, #tpu.memory_space<vmem>> -> memref<128xi32, #tpu.memory_space<vmem>>
            %dma_start3A_188 = arith.constant 0 : i32
            %dma_start3A_189 = arith.constant 0 : i32
            %dma_start3A_190 = tpu.memref_slice %arg15[%dma_start3A_188, %dma_start3A_189] : memref<10240x128xf32, #tpu.memory_space<vmem_shared>> -> memref<10240x128xf32, #tpu.memory_space<vmem_shared>>
            tpu.enqueue_indirect_dma source(%arg6 : memref<128x128xf32, #tpu.memory_space<vmem>>) target(%dma_start3A_190 : memref<10240x128xf32, #tpu.memory_space<vmem_shared>>) offsets(%dma_start3A_187 : memref<128xi32, #tpu.memory_space<vmem>>) semaphore(%run_scoped3A_184 : memref<!tpu.dma_semaphore, #tpu.memory_space<semaphore_mem>>) {add = true}
            %dma_wait3A_191 = arith.constant 0 : i32
            %dma_wait3A_192 = tpu.memref_slice %arg11[%run_scoped3A, %dma_wait3A_191] : memref<2x128xi32, #tpu.memory_space<vmem>> -> memref<1x128xi32, #tpu.memory_space<vmem>>
            %dma_wait3A_193 = tpu.memref_squeeze %dma_wait3A_192 : memref<1x128xi32, #tpu.memory_space<vmem>> -> memref<128xi32, #tpu.memory_space<vmem>>
            %dma_wait3A_194 = arith.constant 0 : i32
            %dma_wait3A_195 = arith.constant 0 : i32
            %dma_wait3A_196 = tpu.memref_slice %arg15[%dma_wait3A_194, %dma_wait3A_195] : memref<10240x128xf32, #tpu.memory_space<vmem_shared>> -> memref<10240x128xf32, #tpu.memory_space<vmem_shared>>
            tpu.wait_indirect_dma semaphore(%run_scoped3A_184 : memref<!tpu.dma_semaphore, #tpu.memory_space<semaphore_mem>>) src(%arg6 : memref<128x128xf32, #tpu.memory_space<vmem>>) dst(%dma_wait3A_196 : memref<10240x128xf32, #tpu.memory_space<vmem_shared>>)
            tpu.yield
          }) : () -> ()
        } else {
        }
      } else {
      }
    }
    %while3A_63 = arith.constant 1 : i32
    scf.for %while3A_65 = %while3A_61 to %while3A_57 step %while3A_63  : i32 {
      %jit3A_66 = arith.constant 3 : i32
      %eq3A = arith.constant 0 : i32
      %eq3A_67 = arith.cmpi eq, %jit3A_66, %eq3A : i32
      %jit3A_68 = arith.constant 1 : i32
      %select_n3A_69 = arith.select %eq3A_67, %jit3A_68, %jit3A_66 : i32
      %rem3A = arith.remsi %while3A_65, %select_n3A_69 : i32
      %ne3A = arith.constant 0 : i32
      %ne3A_70 = arith.cmpi ne, %rem3A, %ne3A : i32
      %lt3A_71 = arith.constant 0 : i32
      %lt3A_72 = arith.cmpi slt, %rem3A, %lt3A_71 : i32
      %lt3A_73 = arith.constant 0 : i32
      %lt3A_74 = arith.cmpi slt, %select_n3A_69, %lt3A_73 : i32
      %ne3A_75 = arith.xori %lt3A_72, %lt3A_74 : i1
      %and3A = arith.andi %ne3A_75, %ne3A_70 : i1
      %add3A_76 = arith.addi %rem3A, %select_n3A_69 : i32
      %select_n3A_77 = arith.select %and3A, %add3A_76, %rem3A : i32
      %eq3A_78 = arith.constant 0 : i32
      %eq3A_79 = arith.cmpi eq, %select_n3A_77, %eq3A_78 : i32
      %convert_element_type3A = arith.extui %eq3A_79 : i1 to i32
      %cond3A = arith.constant 0 : i32
      %cond3A_80 = arith.cmpi ne, %convert_element_type3A, %cond3A : i32
      scf.if %cond3A_80 {
        %add3A_123 = arith.constant 2 : i32
        %add3A_124 = arith.addi %while3A_65, %add3A_123 : i32
        %lt3A_125 = arith.cmpi slt, %add3A_124, %add3A_8 : i32
        %convert_element_type3A_126 = arith.extui %lt3A_125 : i1 to i32
        %cond3A_127 = arith.constant 0 : i32
        %cond3A_128 = arith.cmpi ne, %convert_element_type3A_126, %cond3A_127 : i32
        scf.if %cond3A_128 {
          %add3A_177 = arith.constant 2 : i32
          %add3A_178 = arith.addi %while3A_65, %add3A_177 : i32
          %add3A_179 = arith.addi %add3A_4, %add3A_178 : i32
          %mul3A_180 = arith.constant 128 : i32
          %mul3A_181 = arith.muli %add3A_179, %mul3A_180 : i32
          %dma_start3A_182 = arith.constant 0 : i32
          %dma_start3A_183 = tpu.memref_slice %arg3[%dma_start3A_182, %mul3A_181] : memref<2x320000xi32, #tpu.memory_space<hbm>> -> memref<2x128xi32, #tpu.memory_space<hbm>>
          %dma_start3A_184 = arith.constant 0 : i32
          %dma_start3A_185 = tpu.memref_slice %arg3[%dma_start3A_184, %mul3A_181] : memref<2x320000xi32, #tpu.memory_space<hbm>> -> memref<2x128xi32, #tpu.memory_space<hbm>>
          tpu.enqueue_dma source(%dma_start3A_185 : memref<2x128xi32, #tpu.memory_space<hbm>>) target(%arg11 : memref<2x128xi32, #tpu.memory_space<vmem>>) target_semaphore(%arg14 : memref<!tpu.dma_semaphore, #tpu.memory_space<semaphore_mem>>)
        } else {
        }
        %add3A_129 = arith.constant 1 : i32
        %add3A_130 = arith.addi %while3A_65, %add3A_129 : i32
        %lt3A_131 = arith.cmpi slt, %add3A_130, %add3A_8 : i32
        %convert_element_type3A_132 = arith.extui %lt3A_131 : i1 to i32
        %cond3A_133 = arith.constant 0 : i32
        %cond3A_134 = arith.cmpi ne, %convert_element_type3A_132, %cond3A_133 : i32
        scf.if %cond3A_134 {
          %add3A_177 = arith.constant 1 : i32
          %add3A_178 = arith.addi %while3A_65, %add3A_177 : i32
          %add3A_179 = arith.addi %add3A_4, %add3A_178 : i32
          %mul3A_180 = arith.constant 128 : i32
          %mul3A_181 = arith.muli %add3A_179, %mul3A_180 : i32
          %dma_wait3A_182 = arith.constant 0 : i32
          %dma_wait3A_183 = tpu.memref_slice %arg3[%dma_wait3A_182, %mul3A_181] : memref<2x320000xi32, #tpu.memory_space<hbm>> -> memref<2x128xi32, #tpu.memory_space<hbm>>
          %dma_wait3A_184 = arith.constant 0 : i32
          %dma_wait3A_185 = tpu.memref_slice %arg3[%dma_wait3A_184, %mul3A_181] : memref<2x320000xi32, #tpu.memory_space<hbm>> -> memref<2x128xi32, #tpu.memory_space<hbm>>
          tpu.wait_dma2 semaphore(%arg13 : memref<!tpu.dma_semaphore, #tpu.memory_space<semaphore_mem>>) src(%dma_wait3A_185 : memref<2x128xi32, #tpu.memory_space<hbm>>) dst(%arg10 : memref<2x128xi32, #tpu.memory_space<vmem>>)
          %add3A_186 = arith.constant 1 : i32
          %add3A_187 = arith.addi %while3A_65, %add3A_186 : i32
          %jit3A_188 = arith.constant 2 : i32
          %eq3A_189 = arith.constant 0 : i32
          %eq3A_190 = arith.cmpi eq, %jit3A_188, %eq3A_189 : i32
          %jit3A_191 = arith.constant 1 : i32
          %select_n3A_192 = arith.select %eq3A_190, %jit3A_191, %jit3A_188 : i32
          %rem3A_193 = arith.remsi %add3A_187, %select_n3A_192 : i32
          %ne3A_194 = arith.constant 0 : i32
          %ne3A_195 = arith.cmpi ne, %rem3A_193, %ne3A_194 : i32
          %lt3A_196 = arith.constant 0 : i32
          %lt3A_197 = arith.cmpi slt, %rem3A_193, %lt3A_196 : i32
          %lt3A_198 = arith.constant 0 : i32
          %lt3A_199 = arith.cmpi slt, %select_n3A_192, %lt3A_198 : i32
          %ne3A_200 = arith.xori %lt3A_197, %lt3A_199 : i1
          %and3A_201 = arith.andi %ne3A_200, %ne3A_195 : i1
          %add3A_202 = arith.addi %rem3A_193, %select_n3A_192 : i32
          %select_n3A_203 = arith.select %and3A_201, %add3A_202, %rem3A_193 : i32
          %eq3A_204 = arith.constant 0 : i32
          %eq3A_205 = arith.cmpi eq, %select_n3A_203, %eq3A_204 : i32
          %convert_element_type3A_206 = arith.extui %eq3A_205 : i1 to i32
          %cond3A_207 = arith.constant 0 : i32
          %cond3A_208 = arith.cmpi ne, %convert_element_type3A_206, %cond3A_207 : i32
          scf.if %cond3A_208 {
            %dma_start3A_232 = arith.constant 0 : i32
            %dma_start3A_233 = arith.constant 0 : i32
            %dma_start3A_234 = tpu.memref_slice %arg10[%dma_start3A_232, %dma_start3A_233] : memref<2x128xi32, #tpu.memory_space<vmem>> -> memref<1x128xi32, #tpu.memory_space<vmem>>
            %dma_start3A_235 = tpu.memref_squeeze %dma_start3A_234 : memref<1x128xi32, #tpu.memory_space<vmem>> -> memref<128xi32, #tpu.memory_space<vmem>>
            %dma_start3A_236 = arith.constant 0 : i32
            %dma_start3A_237 = arith.constant 0 : i32
            %dma_start3A_238 = tpu.memref_slice %arg2[%dma_start3A_236, %dma_start3A_237] : memref<10000x128xf32, #tpu.memory_space<hbm>> -> memref<10000x128xf32, #tpu.memory_space<hbm>>
            tpu.enqueue_indirect_dma source(%dma_start3A_238 : memref<10000x128xf32, #tpu.memory_space<hbm>>) target(%arg5 : memref<128x128xf32, #tpu.memory_space<vmem>>) offsets(%dma_start3A_235 : memref<128xi32, #tpu.memory_space<vmem>>) semaphore(%arg7 : memref<!tpu.dma_semaphore, #tpu.memory_space<semaphore_mem>>)
          } else {
          }
          %add3A_209 = arith.constant 1 : i32
          %add3A_210 = arith.addi %while3A_65, %add3A_209 : i32
          %jit3A_211 = arith.constant 2 : i32
          %eq3A_212 = arith.constant 0 : i32
          %eq3A_213 = arith.cmpi eq, %jit3A_211, %eq3A_212 : i32
          %jit3A_214 = arith.constant 1 : i32
          %select_n3A_215 = arith.select %eq3A_213, %jit3A_214, %jit3A_211 : i32
          %rem3A_216 = arith.remsi %add3A_210, %select_n3A_215 : i32
          %ne3A_217 = arith.constant 0 : i32
          %ne3A_218 = arith.cmpi ne, %rem3A_216, %ne3A_217 : i32
          %lt3A_219 = arith.constant 0 : i32
          %lt3A_220 = arith.cmpi slt, %rem3A_216, %lt3A_219 : i32
          %lt3A_221 = arith.constant 0 : i32
          %lt3A_222 = arith.cmpi slt, %select_n3A_215, %lt3A_221 : i32
          %ne3A_223 = arith.xori %lt3A_220, %lt3A_222 : i1
          %and3A_224 = arith.andi %ne3A_223, %ne3A_218 : i1
          %add3A_225 = arith.addi %rem3A_216, %select_n3A_215 : i32
          %select_n3A_226 = arith.select %and3A_224, %add3A_225, %rem3A_216 : i32
          %eq3A_227 = arith.constant 1 : i32
          %eq3A_228 = arith.cmpi eq, %select_n3A_226, %eq3A_227 : i32
          %convert_element_type3A_229 = arith.extui %eq3A_228 : i1 to i32
          %cond3A_230 = arith.constant 0 : i32
          %cond3A_231 = arith.cmpi ne, %convert_element_type3A_229, %cond3A_230 : i32
          scf.if %cond3A_231 {
            %dma_start3A_232 = arith.constant 0 : i32
            %dma_start3A_233 = arith.constant 0 : i32
            %dma_start3A_234 = tpu.memref_slice %arg10[%dma_start3A_232, %dma_start3A_233] : memref<2x128xi32, #tpu.memory_space<vmem>> -> memref<1x128xi32, #tpu.memory_space<vmem>>
            %dma_start3A_235 = tpu.memref_squeeze %dma_start3A_234 : memref<1x128xi32, #tpu.memory_space<vmem>> -> memref<128xi32, #tpu.memory_space<vmem>>
            %dma_start3A_236 = arith.constant 0 : i32
            %dma_start3A_237 = arith.constant 0 : i32
            %dma_start3A_238 = tpu.memref_slice %arg2[%dma_start3A_236, %dma_start3A_237] : memref<10000x128xf32, #tpu.memory_space<hbm>> -> memref<10000x128xf32, #tpu.memory_space<hbm>>
            tpu.enqueue_indirect_dma source(%dma_start3A_238 : memref<10000x128xf32, #tpu.memory_space<hbm>>) target(%arg6 : memref<128x128xf32, #tpu.memory_space<vmem>>) offsets(%dma_start3A_235 : memref<128xi32, #tpu.memory_space<vmem>>) semaphore(%arg8 : memref<!tpu.dma_semaphore, #tpu.memory_space<semaphore_mem>>)
          } else {
          }
        } else {
        }
        %jit3A_135 = arith.constant 2 : i32
        %eq3A_136 = arith.constant 0 : i32
        %eq3A_137 = arith.cmpi eq, %jit3A_135, %eq3A_136 : i32
        %jit3A_138 = arith.constant 1 : i32
        %select_n3A_139 = arith.select %eq3A_137, %jit3A_138, %jit3A_135 : i32
        %rem3A_140 = arith.remsi %while3A_65, %select_n3A_139 : i32
        %ne3A_141 = arith.constant 0 : i32
        %ne3A_142 = arith.cmpi ne, %rem3A_140, %ne3A_141 : i32
        %lt3A_143 = arith.constant 0 : i32
        %lt3A_144 = arith.cmpi slt, %rem3A_140, %lt3A_143 : i32
        %lt3A_145 = arith.constant 0 : i32
        %lt3A_146 = arith.cmpi slt, %select_n3A_139, %lt3A_145 : i32
        %ne3A_147 = arith.xori %lt3A_144, %lt3A_146 : i1
        %and3A_148 = arith.andi %ne3A_147, %ne3A_142 : i1
        %add3A_149 = arith.addi %rem3A_140, %select_n3A_139 : i32
        %select_n3A_150 = arith.select %and3A_148, %add3A_149, %rem3A_140 : i32
        %eq3A_151 = arith.constant 0 : i32
        %eq3A_152 = arith.cmpi eq, %select_n3A_150, %eq3A_151 : i32
        %convert_element_type3A_153 = arith.extui %eq3A_152 : i1 to i32
        %cond3A_154 = arith.constant 0 : i32
        %cond3A_155 = arith.cmpi ne, %convert_element_type3A_153, %cond3A_154 : i32
        scf.if %cond3A_155 {
          %dma_wait3A_177 = arith.constant 0 : i32
          %dma_wait3A_178 = arith.constant 0 : i32
          %dma_wait3A_179 = tpu.memref_slice %arg9[%dma_wait3A_177, %dma_wait3A_178] : memref<2x128xi32, #tpu.memory_space<vmem>> -> memref<1x128xi32, #tpu.memory_space<vmem>>
          %dma_wait3A_180 = tpu.memref_squeeze %dma_wait3A_179 : memref<1x128xi32, #tpu.memory_space<vmem>> -> memref<128xi32, #tpu.memory_space<vmem>>
          %dma_wait3A_181 = arith.constant 0 : i32
          %dma_wait3A_182 = arith.constant 0 : i32
          %dma_wait3A_183 = tpu.memref_slice %arg2[%dma_wait3A_181, %dma_wait3A_182] : memref<10000x128xf32, #tpu.memory_space<hbm>> -> memref<10000x128xf32, #tpu.memory_space<hbm>>
          tpu.wait_indirect_dma semaphore(%arg7 : memref<!tpu.dma_semaphore, #tpu.memory_space<semaphore_mem>>) src(%dma_wait3A_183 : memref<10000x128xf32, #tpu.memory_space<hbm>>) dst(%arg5 : memref<128x128xf32, #tpu.memory_space<vmem>>)
          %run_scoped3A = arith.constant 1 : i32
          "tpu.region"() ({
            %run_scoped3A_184 = tpu.sem_alloc : memref<!tpu.dma_semaphore, #tpu.memory_space<semaphore_mem>>
            %dma_start3A_185 = arith.constant 0 : i32
            %dma_start3A_186 = tpu.memref_slice %arg9[%run_scoped3A, %dma_start3A_185] : memref<2x128xi32, #tpu.memory_space<vmem>> -> memref<1x128xi32, #tpu.memory_space<vmem>>
            %dma_start3A_187 = tpu.memref_squeeze %dma_start3A_186 : memref<1x128xi32, #tpu.memory_space<vmem>> -> memref<128xi32, #tpu.memory_space<vmem>>
            %dma_start3A_188 = arith.constant 0 : i32
            %dma_start3A_189 = arith.constant 0 : i32
            %dma_start3A_190 = tpu.memref_slice %arg15[%dma_start3A_188, %dma_start3A_189] : memref<10240x128xf32, #tpu.memory_space<vmem_shared>> -> memref<10240x128xf32, #tpu.memory_space<vmem_shared>>
            tpu.enqueue_indirect_dma source(%arg5 : memref<128x128xf32, #tpu.memory_space<vmem>>) target(%dma_start3A_190 : memref<10240x128xf32, #tpu.memory_space<vmem_shared>>) offsets(%dma_start3A_187 : memref<128xi32, #tpu.memory_space<vmem>>) semaphore(%run_scoped3A_184 : memref<!tpu.dma_semaphore, #tpu.memory_space<semaphore_mem>>) {add = true}
            %dma_wait3A_191 = arith.constant 0 : i32
            %dma_wait3A_192 = tpu.memref_slice %arg9[%run_scoped3A, %dma_wait3A_191] : memref<2x128xi32, #tpu.memory_space<vmem>> -> memref<1x128xi32, #tpu.memory_space<vmem>>
            %dma_wait3A_193 = tpu.memref_squeeze %dma_wait3A_192 : memref<1x128xi32, #tpu.memory_space<vmem>> -> memref<128xi32, #tpu.memory_space<vmem>>
            %dma_wait3A_194 = arith.constant 0 : i32
            %dma_wait3A_195 = arith.constant 0 : i32
            %dma_wait3A_196 = tpu.memref_slice %arg15[%dma_wait3A_194, %dma_wait3A_195] : memref<10240x128xf32, #tpu.memory_space<vmem_shared>> -> memref<10240x128xf32, #tpu.memory_space<vmem_shared>>
            tpu.wait_indirect_dma semaphore(%run_scoped3A_184 : memref<!tpu.dma_semaphore, #tpu.memory_space<semaphore_mem>>) src(%arg5 : memref<128x128xf32, #tpu.memory_space<vmem>>) dst(%dma_wait3A_196 : memref<10240x128xf32, #tpu.memory_space<vmem_shared>>)
            tpu.yield
          }) : () -> ()
        } else {
        }
        %jit3A_156 = arith.constant 2 : i32
        %eq3A_157 = arith.constant 0 : i32
        %eq3A_158 = arith.cmpi eq, %jit3A_156, %eq3A_157 : i32
        %jit3A_159 = arith.constant 1 : i32
        %select_n3A_160 = arith.select %eq3A_158, %jit3A_159, %jit3A_156 : i32
        %rem3A_161 = arith.remsi %while3A_65, %select_n3A_160 : i32
        %ne3A_162 = arith.constant 0 : i32
        %ne3A_163 = arith.cmpi ne, %rem3A_161, %ne3A_162 : i32
        %lt3A_164 = arith.constant 0 : i32
        %lt3A_165 = arith.cmpi slt, %rem3A_161, %lt3A_164 : i32
        %lt3A_166 = arith.constant 0 : i32
        %lt3A_167 = arith.cmpi slt, %select_n3A_160, %lt3A_166 : i32
        %ne3A_168 = arith.xori %lt3A_165, %lt3A_167 : i1
        %and3A_169 = arith.andi %ne3A_168, %ne3A_163 : i1
        %add3A_170 = arith.addi %rem3A_161, %select_n3A_160 : i32
        %select_n3A_171 = arith.select %and3A_169, %add3A_170, %rem3A_161 : i32
        %eq3A_172 = arith.constant 1 : i32
        %eq3A_173 = arith.cmpi eq, %select_n3A_171, %eq3A_172 : i32
        %convert_element_type3A_174 = arith.extui %eq3A_173 : i1 to i32
        %cond3A_175 = arith.constant 0 : i32
        %cond3A_176 = arith.cmpi ne, %convert_element_type3A_174, %cond3A_175 : i32
        scf.if %cond3A_176 {
          %dma_wait3A_177 = arith.constant 0 : i32
          %dma_wait3A_178 = arith.constant 0 : i32
          %dma_wait3A_179 = tpu.memref_slice %arg9[%dma_wait3A_177, %dma_wait3A_178] : memref<2x128xi32, #tpu.memory_space<vmem>> -> memref<1x128xi32, #tpu.memory_space<vmem>>
          %dma_wait3A_180 = tpu.memref_squeeze %dma_wait3A_179 : memref<1x128xi32, #tpu.memory_space<vmem>> -> memref<128xi32, #tpu.memory_space<vmem>>
          %dma_wait3A_181 = arith.constant 0 : i32
          %dma_wait3A_182 = arith.constant 0 : i32
          %dma_wait3A_183 = tpu.memref_slice %arg2[%dma_wait3A_181, %dma_wait3A_182] : memref<10000x128xf32, #tpu.memory_space<hbm>> -> memref<10000x128xf32, #tpu.memory_space<hbm>>
          tpu.wait_indirect_dma semaphore(%arg8 : memref<!tpu.dma_semaphore, #tpu.memory_space<semaphore_mem>>) src(%dma_wait3A_183 : memref<10000x128xf32, #tpu.memory_space<hbm>>) dst(%arg6 : memref<128x128xf32, #tpu.memory_space<vmem>>)
          %run_scoped3A = arith.constant 1 : i32
          "tpu.region"() ({
            %run_scoped3A_184 = tpu.sem_alloc : memref<!tpu.dma_semaphore, #tpu.memory_space<semaphore_mem>>
            %dma_start3A_185 = arith.constant 0 : i32
            %dma_start3A_186 = tpu.memref_slice %arg9[%run_scoped3A, %dma_start3A_185] : memref<2x128xi32, #tpu.memory_space<vmem>> -> memref<1x128xi32, #tpu.memory_space<vmem>>
            %dma_start3A_187 = tpu.memref_squeeze %dma_start3A_186 : memref<1x128xi32, #tpu.memory_space<vmem>> -> memref<128xi32, #tpu.memory_space<vmem>>
            %dma_start3A_188 = arith.constant 0 : i32
            %dma_start3A_189 = arith.constant 0 : i32
            %dma_start3A_190 = tpu.memref_slice %arg15[%dma_start3A_188, %dma_start3A_189] : memref<10240x128xf32, #tpu.memory_space<vmem_shared>> -> memref<10240x128xf32, #tpu.memory_space<vmem_shared>>
            tpu.enqueue_indirect_dma source(%arg6 : memref<128x128xf32, #tpu.memory_space<vmem>>) target(%dma_start3A_190 : memref<10240x128xf32, #tpu.memory_space<vmem_shared>>) offsets(%dma_start3A_187 : memref<128xi32, #tpu.memory_space<vmem>>) semaphore(%run_scoped3A_184 : memref<!tpu.dma_semaphore, #tpu.memory_space<semaphore_mem>>) {add = true}
            %dma_wait3A_191 = arith.constant 0 : i32
            %dma_wait3A_192 = tpu.memref_slice %arg9[%run_scoped3A, %dma_wait3A_191] : memref<2x128xi32, #tpu.memory_space<vmem>> -> memref<1x128xi32, #tpu.memory_space<vmem>>
            %dma_wait3A_193 = tpu.memref_squeeze %dma_wait3A_192 : memref<1x128xi32, #tpu.memory_space<vmem>> -> memref<128xi32, #tpu.memory_space<vmem>>
            %dma_wait3A_194 = arith.constant 0 : i32
            %dma_wait3A_195 = arith.constant 0 : i32
            %dma_wait3A_196 = tpu.memref_slice %arg15[%dma_wait3A_194, %dma_wait3A_195] : memref<10240x128xf32, #tpu.memory_space<vmem_shared>> -> memref<10240x128xf32, #tpu.memory_space<vmem_shared>>
            tpu.wait_indirect_dma semaphore(%run_scoped3A_184 : memref<!tpu.dma_semaphore, #tpu.memory_space<semaphore_mem>>) src(%arg6 : memref<128x128xf32, #tpu.memory_space<vmem>>) dst(%dma_wait3A_196 : memref<10240x128xf32, #tpu.memory_space<vmem_shared>>)
            tpu.yield
          }) : () -> ()
        } else {
        }
      } else {
      }
      %jit3A_81 = arith.constant 3 : i32
      %eq3A_82 = arith.constant 0 : i32
      %eq3A_83 = arith.cmpi eq, %jit3A_81, %eq3A_82 : i32
      %jit3A_84 = arith.constant 1 : i32
      %select_n3A_85 = arith.select %eq3A_83, %jit3A_84, %jit3A_81 : i32
      %rem3A_86 = arith.remsi %while3A_65, %select_n3A_85 : i32
      %ne3A_87 = arith.constant 0 : i32
      %ne3A_88 = arith.cmpi ne, %rem3A_86, %ne3A_87 : i32
      %lt3A_89 = arith.constant 0 : i32
      %lt3A_90 = arith.cmpi slt, %rem3A_86, %lt3A_89 : i32
      %lt3A_91 = arith.constant 0 : i32
      %lt3A_92 = arith.cmpi slt, %select_n3A_85, %lt3A_91 : i32
      %ne3A_93 = arith.xori %lt3A_90, %lt3A_92 : i1
      %and3A_94 = arith.andi %ne3A_93, %ne3A_88 : i1
      %add3A_95 = arith.addi %rem3A_86, %select_n3A_85 : i32
      %select_n3A_96 = arith.select %and3A_94, %add3A_95, %rem3A_86 : i32
      %eq3A_97 = arith.constant 1 : i32
      %eq3A_98 = arith.cmpi eq, %select_n3A_96, %eq3A_97 : i32
      %convert_element_type3A_99 = arith.extui %eq3A_98 : i1 to i32
      %cond3A_100 = arith.constant 0 : i32
      %cond3A_101 = arith.cmpi ne, %convert_element_type3A_99, %cond3A_100 : i32
      scf.if %cond3A_101 {
        %add3A_123 = arith.constant 2 : i32
        %add3A_124 = arith.addi %while3A_65, %add3A_123 : i32
        %lt3A_125 = arith.cmpi slt, %add3A_124, %add3A_8 : i32
        %convert_element_type3A_126 = arith.extui %lt3A_125 : i1 to i32
        %cond3A_127 = arith.constant 0 : i32
        %cond3A_128 = arith.cmpi ne, %convert_element_type3A_126, %cond3A_127 : i32
        scf.if %cond3A_128 {
          %add3A_177 = arith.constant 2 : i32
          %add3A_178 = arith.addi %while3A_65, %add3A_177 : i32
          %add3A_179 = arith.addi %add3A_4, %add3A_178 : i32
          %mul3A_180 = arith.constant 128 : i32
          %mul3A_181 = arith.muli %add3A_179, %mul3A_180 : i32
          %dma_start3A_182 = arith.constant 0 : i32
          %dma_start3A_183 = tpu.memref_slice %arg3[%dma_start3A_182, %mul3A_181] : memref<2x320000xi32, #tpu.memory_space<hbm>> -> memref<2x128xi32, #tpu.memory_space<hbm>>
          %dma_start3A_184 = arith.constant 0 : i32
          %dma_start3A_185 = tpu.memref_slice %arg3[%dma_start3A_184, %mul3A_181] : memref<2x320000xi32, #tpu.memory_space<hbm>> -> memref<2x128xi32, #tpu.memory_space<hbm>>
          tpu.enqueue_dma source(%dma_start3A_185 : memref<2x128xi32, #tpu.memory_space<hbm>>) target(%arg9 : memref<2x128xi32, #tpu.memory_space<vmem>>) target_semaphore(%arg12 : memref<!tpu.dma_semaphore, #tpu.memory_space<semaphore_mem>>)
        } else {
        }
        %add3A_129 = arith.constant 1 : i32
        %add3A_130 = arith.addi %while3A_65, %add3A_129 : i32
        %lt3A_131 = arith.cmpi slt, %add3A_130, %add3A_8 : i32
        %convert_element_type3A_132 = arith.extui %lt3A_131 : i1 to i32
        %cond3A_133 = arith.constant 0 : i32
        %cond3A_134 = arith.cmpi ne, %convert_element_type3A_132, %cond3A_133 : i32
        scf.if %cond3A_134 {
          %add3A_177 = arith.constant 1 : i32
          %add3A_178 = arith.addi %while3A_65, %add3A_177 : i32
          %add3A_179 = arith.addi %add3A_4, %add3A_178 : i32
          %mul3A_180 = arith.constant 128 : i32
          %mul3A_181 = arith.muli %add3A_179, %mul3A_180 : i32
          %dma_wait3A_182 = arith.constant 0 : i32
          %dma_wait3A_183 = tpu.memref_slice %arg3[%dma_wait3A_182, %mul3A_181] : memref<2x320000xi32, #tpu.memory_space<hbm>> -> memref<2x128xi32, #tpu.memory_space<hbm>>
          %dma_wait3A_184 = arith.constant 0 : i32
          %dma_wait3A_185 = tpu.memref_slice %arg3[%dma_wait3A_184, %mul3A_181] : memref<2x320000xi32, #tpu.memory_space<hbm>> -> memref<2x128xi32, #tpu.memory_space<hbm>>
          tpu.wait_dma2 semaphore(%arg14 : memref<!tpu.dma_semaphore, #tpu.memory_space<semaphore_mem>>) src(%dma_wait3A_185 : memref<2x128xi32, #tpu.memory_space<hbm>>) dst(%arg11 : memref<2x128xi32, #tpu.memory_space<vmem>>)
          %add3A_186 = arith.constant 1 : i32
          %add3A_187 = arith.addi %while3A_65, %add3A_186 : i32
          %jit3A_188 = arith.constant 2 : i32
          %eq3A_189 = arith.constant 0 : i32
          %eq3A_190 = arith.cmpi eq, %jit3A_188, %eq3A_189 : i32
          %jit3A_191 = arith.constant 1 : i32
          %select_n3A_192 = arith.select %eq3A_190, %jit3A_191, %jit3A_188 : i32
          %rem3A_193 = arith.remsi %add3A_187, %select_n3A_192 : i32
          %ne3A_194 = arith.constant 0 : i32
          %ne3A_195 = arith.cmpi ne, %rem3A_193, %ne3A_194 : i32
          %lt3A_196 = arith.constant 0 : i32
          %lt3A_197 = arith.cmpi slt, %rem3A_193, %lt3A_196 : i32
          %lt3A_198 = arith.constant 0 : i32
          %lt3A_199 = arith.cmpi slt, %select_n3A_192, %lt3A_198 : i32
          %ne3A_200 = arith.xori %lt3A_197, %lt3A_199 : i1
          %and3A_201 = arith.andi %ne3A_200, %ne3A_195 : i1
          %add3A_202 = arith.addi %rem3A_193, %select_n3A_192 : i32
          %select_n3A_203 = arith.select %and3A_201, %add3A_202, %rem3A_193 : i32
          %eq3A_204 = arith.constant 0 : i32
          %eq3A_205 = arith.cmpi eq, %select_n3A_203, %eq3A_204 : i32
          %convert_element_type3A_206 = arith.extui %eq3A_205 : i1 to i32
          %cond3A_207 = arith.constant 0 : i32
          %cond3A_208 = arith.cmpi ne, %convert_element_type3A_206, %cond3A_207 : i32
          scf.if %cond3A_208 {
            %dma_start3A_232 = arith.constant 0 : i32
            %dma_start3A_233 = arith.constant 0 : i32
            %dma_start3A_234 = tpu.memref_slice %arg11[%dma_start3A_232, %dma_start3A_233] : memref<2x128xi32, #tpu.memory_space<vmem>> -> memref<1x128xi32, #tpu.memory_space<vmem>>
            %dma_start3A_235 = tpu.memref_squeeze %dma_start3A_234 : memref<1x128xi32, #tpu.memory_space<vmem>> -> memref<128xi32, #tpu.memory_space<vmem>>
            %dma_start3A_236 = arith.constant 0 : i32
            %dma_start3A_237 = arith.constant 0 : i32
            %dma_start3A_238 = tpu.memref_slice %arg2[%dma_start3A_236, %dma_start3A_237] : memref<10000x128xf32, #tpu.memory_space<hbm>> -> memref<10000x128xf32, #tpu.memory_space<hbm>>
            tpu.enqueue_indirect_dma source(%dma_start3A_238 : memref<10000x128xf32, #tpu.memory_space<hbm>>) target(%arg5 : memref<128x128xf32, #tpu.memory_space<vmem>>) offsets(%dma_start3A_235 : memref<128xi32, #tpu.memory_space<vmem>>) semaphore(%arg7 : memref<!tpu.dma_semaphore, #tpu.memory_space<semaphore_mem>>)
          } else {
          }
          %add3A_209 = arith.constant 1 : i32
          %add3A_210 = arith.addi %while3A_65, %add3A_209 : i32
          %jit3A_211 = arith.constant 2 : i32
          %eq3A_212 = arith.constant 0 : i32
          %eq3A_213 = arith.cmpi eq, %jit3A_211, %eq3A_212 : i32
          %jit3A_214 = arith.constant 1 : i32
          %select_n3A_215 = arith.select %eq3A_213, %jit3A_214, %jit3A_211 : i32
          %rem3A_216 = arith.remsi %add3A_210, %select_n3A_215 : i32
          %ne3A_217 = arith.constant 0 : i32
          %ne3A_218 = arith.cmpi ne, %rem3A_216, %ne3A_217 : i32
          %lt3A_219 = arith.constant 0 : i32
          %lt3A_220 = arith.cmpi slt, %rem3A_216, %lt3A_219 : i32
          %lt3A_221 = arith.constant 0 : i32
          %lt3A_222 = arith.cmpi slt, %select_n3A_215, %lt3A_221 : i32
          %ne3A_223 = arith.xori %lt3A_220, %lt3A_222 : i1
          %and3A_224 = arith.andi %ne3A_223, %ne3A_218 : i1
          %add3A_225 = arith.addi %rem3A_216, %select_n3A_215 : i32
          %select_n3A_226 = arith.select %and3A_224, %add3A_225, %rem3A_216 : i32
          %eq3A_227 = arith.constant 1 : i32
          %eq3A_228 = arith.cmpi eq, %select_n3A_226, %eq3A_227 : i32
          %convert_element_type3A_229 = arith.extui %eq3A_228 : i1 to i32
          %cond3A_230 = arith.constant 0 : i32
          %cond3A_231 = arith.cmpi ne, %convert_element_type3A_229, %cond3A_230 : i32
          scf.if %cond3A_231 {
            %dma_start3A_232 = arith.constant 0 : i32
            %dma_start3A_233 = arith.constant 0 : i32
            %dma_start3A_234 = tpu.memref_slice %arg11[%dma_start3A_232, %dma_start3A_233] : memref<2x128xi32, #tpu.memory_space<vmem>> -> memref<1x128xi32, #tpu.memory_space<vmem>>
            %dma_start3A_235 = tpu.memref_squeeze %dma_start3A_234 : memref<1x128xi32, #tpu.memory_space<vmem>> -> memref<128xi32, #tpu.memory_space<vmem>>
            %dma_start3A_236 = arith.constant 0 : i32
            %dma_start3A_237 = arith.constant 0 : i32
            %dma_start3A_238 = tpu.memref_slice %arg2[%dma_start3A_236, %dma_start3A_237] : memref<10000x128xf32, #tpu.memory_space<hbm>> -> memref<10000x128xf32, #tpu.memory_space<hbm>>
            tpu.enqueue_indirect_dma source(%dma_start3A_238 : memref<10000x128xf32, #tpu.memory_space<hbm>>) target(%arg6 : memref<128x128xf32, #tpu.memory_space<vmem>>) offsets(%dma_start3A_235 : memref<128xi32, #tpu.memory_space<vmem>>) semaphore(%arg8 : memref<!tpu.dma_semaphore, #tpu.memory_space<semaphore_mem>>)
          } else {
          }
        } else {
        }
        %jit3A_135 = arith.constant 2 : i32
        %eq3A_136 = arith.constant 0 : i32
        %eq3A_137 = arith.cmpi eq, %jit3A_135, %eq3A_136 : i32
        %jit3A_138 = arith.constant 1 : i32
        %select_n3A_139 = arith.select %eq3A_137, %jit3A_138, %jit3A_135 : i32
        %rem3A_140 = arith.remsi %while3A_65, %select_n3A_139 : i32
        %ne3A_141 = arith.constant 0 : i32
        %ne3A_142 = arith.cmpi ne, %rem3A_140, %ne3A_141 : i32
        %lt3A_143 = arith.constant 0 : i32
        %lt3A_144 = arith.cmpi slt, %rem3A_140, %lt3A_143 : i32
        %lt3A_145 = arith.constant 0 : i32
        %lt3A_146 = arith.cmpi slt, %select_n3A_139, %lt3A_145 : i32
        %ne3A_147 = arith.xori %lt3A_144, %lt3A_146 : i1
        %and3A_148 = arith.andi %ne3A_147, %ne3A_142 : i1
        %add3A_149 = arith.addi %rem3A_140, %select_n3A_139 : i32
        %select_n3A_150 = arith.select %and3A_148, %add3A_149, %rem3A_140 : i32
        %eq3A_151 = arith.constant 0 : i32
        %eq3A_152 = arith.cmpi eq, %select_n3A_150, %eq3A_151 : i32
        %convert_element_type3A_153 = arith.extui %eq3A_152 : i1 to i32
        %cond3A_154 = arith.constant 0 : i32
        %cond3A_155 = arith.cmpi ne, %convert_element_type3A_153, %cond3A_154 : i32
        scf.if %cond3A_155 {
          %dma_wait3A_177 = arith.constant 0 : i32
          %dma_wait3A_178 = arith.constant 0 : i32
          %dma_wait3A_179 = tpu.memref_slice %arg10[%dma_wait3A_177, %dma_wait3A_178] : memref<2x128xi32, #tpu.memory_space<vmem>> -> memref<1x128xi32, #tpu.memory_space<vmem>>
          %dma_wait3A_180 = tpu.memref_squeeze %dma_wait3A_179 : memref<1x128xi32, #tpu.memory_space<vmem>> -> memref<128xi32, #tpu.memory_space<vmem>>
          %dma_wait3A_181 = arith.constant 0 : i32
          %dma_wait3A_182 = arith.constant 0 : i32
          %dma_wait3A_183 = tpu.memref_slice %arg2[%dma_wait3A_181, %dma_wait3A_182] : memref<10000x128xf32, #tpu.memory_space<hbm>> -> memref<10000x128xf32, #tpu.memory_space<hbm>>
          tpu.wait_indirect_dma semaphore(%arg7 : memref<!tpu.dma_semaphore, #tpu.memory_space<semaphore_mem>>) src(%dma_wait3A_183 : memref<10000x128xf32, #tpu.memory_space<hbm>>) dst(%arg5 : memref<128x128xf32, #tpu.memory_space<vmem>>)
          %run_scoped3A = arith.constant 1 : i32
          "tpu.region"() ({
            %run_scoped3A_184 = tpu.sem_alloc : memref<!tpu.dma_semaphore, #tpu.memory_space<semaphore_mem>>
            %dma_start3A_185 = arith.constant 0 : i32
            %dma_start3A_186 = tpu.memref_slice %arg10[%run_scoped3A, %dma_start3A_185] : memref<2x128xi32, #tpu.memory_space<vmem>> -> memref<1x128xi32, #tpu.memory_space<vmem>>
            %dma_start3A_187 = tpu.memref_squeeze %dma_start3A_186 : memref<1x128xi32, #tpu.memory_space<vmem>> -> memref<128xi32, #tpu.memory_space<vmem>>
            %dma_start3A_188 = arith.constant 0 : i32
            %dma_start3A_189 = arith.constant 0 : i32
            %dma_start3A_190 = tpu.memref_slice %arg15[%dma_start3A_188, %dma_start3A_189] : memref<10240x128xf32, #tpu.memory_space<vmem_shared>> -> memref<10240x128xf32, #tpu.memory_space<vmem_shared>>
            tpu.enqueue_indirect_dma source(%arg5 : memref<128x128xf32, #tpu.memory_space<vmem>>) target(%dma_start3A_190 : memref<10240x128xf32, #tpu.memory_space<vmem_shared>>) offsets(%dma_start3A_187 : memref<128xi32, #tpu.memory_space<vmem>>) semaphore(%run_scoped3A_184 : memref<!tpu.dma_semaphore, #tpu.memory_space<semaphore_mem>>) {add = true}
            %dma_wait3A_191 = arith.constant 0 : i32
            %dma_wait3A_192 = tpu.memref_slice %arg10[%run_scoped3A, %dma_wait3A_191] : memref<2x128xi32, #tpu.memory_space<vmem>> -> memref<1x128xi32, #tpu.memory_space<vmem>>
            %dma_wait3A_193 = tpu.memref_squeeze %dma_wait3A_192 : memref<1x128xi32, #tpu.memory_space<vmem>> -> memref<128xi32, #tpu.memory_space<vmem>>
            %dma_wait3A_194 = arith.constant 0 : i32
            %dma_wait3A_195 = arith.constant 0 : i32
            %dma_wait3A_196 = tpu.memref_slice %arg15[%dma_wait3A_194, %dma_wait3A_195] : memref<10240x128xf32, #tpu.memory_space<vmem_shared>> -> memref<10240x128xf32, #tpu.memory_space<vmem_shared>>
            tpu.wait_indirect_dma semaphore(%run_scoped3A_184 : memref<!tpu.dma_semaphore, #tpu.memory_space<semaphore_mem>>) src(%arg5 : memref<128x128xf32, #tpu.memory_space<vmem>>) dst(%dma_wait3A_196 : memref<10240x128xf32, #tpu.memory_space<vmem_shared>>)
            tpu.yield
          }) : () -> ()
        } else {
        }
        %jit3A_156 = arith.constant 2 : i32
        %eq3A_157 = arith.constant 0 : i32
        %eq3A_158 = arith.cmpi eq, %jit3A_156, %eq3A_157 : i32
        %jit3A_159 = arith.constant 1 : i32
        %select_n3A_160 = arith.select %eq3A_158, %jit3A_159, %jit3A_156 : i32
        %rem3A_161 = arith.remsi %while3A_65, %select_n3A_160 : i32
        %ne3A_162 = arith.constant 0 : i32
        %ne3A_163 = arith.cmpi ne, %rem3A_161, %ne3A_162 : i32
        %lt3A_164 = arith.constant 0 : i32
        %lt3A_165 = arith.cmpi slt, %rem3A_161, %lt3A_164 : i32
        %lt3A_166 = arith.constant 0 : i32
        %lt3A_167 = arith.cmpi slt, %select_n3A_160, %lt3A_166 : i32
        %ne3A_168 = arith.xori %lt3A_165, %lt3A_167 : i1
        %and3A_169 = arith.andi %ne3A_168, %ne3A_163 : i1
        %add3A_170 = arith.addi %rem3A_161, %select_n3A_160 : i32
        %select_n3A_171 = arith.select %and3A_169, %add3A_170, %rem3A_161 : i32
        %eq3A_172 = arith.constant 1 : i32
        %eq3A_173 = arith.cmpi eq, %select_n3A_171, %eq3A_172 : i32
        %convert_element_type3A_174 = arith.extui %eq3A_173 : i1 to i32
        %cond3A_175 = arith.constant 0 : i32
        %cond3A_176 = arith.cmpi ne, %convert_element_type3A_174, %cond3A_175 : i32
        scf.if %cond3A_176 {
          %dma_wait3A_177 = arith.constant 0 : i32
          %dma_wait3A_178 = arith.constant 0 : i32
          %dma_wait3A_179 = tpu.memref_slice %arg10[%dma_wait3A_177, %dma_wait3A_178] : memref<2x128xi32, #tpu.memory_space<vmem>> -> memref<1x128xi32, #tpu.memory_space<vmem>>
          %dma_wait3A_180 = tpu.memref_squeeze %dma_wait3A_179 : memref<1x128xi32, #tpu.memory_space<vmem>> -> memref<128xi32, #tpu.memory_space<vmem>>
          %dma_wait3A_181 = arith.constant 0 : i32
          %dma_wait3A_182 = arith.constant 0 : i32
          %dma_wait3A_183 = tpu.memref_slice %arg2[%dma_wait3A_181, %dma_wait3A_182] : memref<10000x128xf32, #tpu.memory_space<hbm>> -> memref<10000x128xf32, #tpu.memory_space<hbm>>
          tpu.wait_indirect_dma semaphore(%arg8 : memref<!tpu.dma_semaphore, #tpu.memory_space<semaphore_mem>>) src(%dma_wait3A_183 : memref<10000x128xf32, #tpu.memory_space<hbm>>) dst(%arg6 : memref<128x128xf32, #tpu.memory_space<vmem>>)
          %run_scoped3A = arith.constant 1 : i32
          "tpu.region"() ({
            %run_scoped3A_184 = tpu.sem_alloc : memref<!tpu.dma_semaphore, #tpu.memory_space<semaphore_mem>>
            %dma_start3A_185 = arith.constant 0 : i32
            %dma_start3A_186 = tpu.memref_slice %arg10[%run_scoped3A, %dma_start3A_185] : memref<2x128xi32, #tpu.memory_space<vmem>> -> memref<1x128xi32, #tpu.memory_space<vmem>>
            %dma_start3A_187 = tpu.memref_squeeze %dma_start3A_186 : memref<1x128xi32, #tpu.memory_space<vmem>> -> memref<128xi32, #tpu.memory_space<vmem>>
            %dma_start3A_188 = arith.constant 0 : i32
            %dma_start3A_189 = arith.constant 0 : i32
            %dma_start3A_190 = tpu.memref_slice %arg15[%dma_start3A_188, %dma_start3A_189] : memref<10240x128xf32, #tpu.memory_space<vmem_shared>> -> memref<10240x128xf32, #tpu.memory_space<vmem_shared>>
            tpu.enqueue_indirect_dma source(%arg6 : memref<128x128xf32, #tpu.memory_space<vmem>>) target(%dma_start3A_190 : memref<10240x128xf32, #tpu.memory_space<vmem_shared>>) offsets(%dma_start3A_187 : memref<128xi32, #tpu.memory_space<vmem>>) semaphore(%run_scoped3A_184 : memref<!tpu.dma_semaphore, #tpu.memory_space<semaphore_mem>>) {add = true}
            %dma_wait3A_191 = arith.constant 0 : i32
            %dma_wait3A_192 = tpu.memref_slice %arg10[%run_scoped3A, %dma_wait3A_191] : memref<2x128xi32, #tpu.memory_space<vmem>> -> memref<1x128xi32, #tpu.memory_space<vmem>>
            %dma_wait3A_193 = tpu.memref_squeeze %dma_wait3A_192 : memref<1x128xi32, #tpu.memory_space<vmem>> -> memref<128xi32, #tpu.memory_space<vmem>>
            %dma_wait3A_194 = arith.constant 0 : i32
            %dma_wait3A_195 = arith.constant 0 : i32
            %dma_wait3A_196 = tpu.memref_slice %arg15[%dma_wait3A_194, %dma_wait3A_195] : memref<10240x128xf32, #tpu.memory_space<vmem_shared>> -> memref<10240x128xf32, #tpu.memory_space<vmem_shared>>
            tpu.wait_indirect_dma semaphore(%run_scoped3A_184 : memref<!tpu.dma_semaphore, #tpu.memory_space<semaphore_mem>>) src(%arg6 : memref<128x128xf32, #tpu.memory_space<vmem>>) dst(%dma_wait3A_196 : memref<10240x128xf32, #tpu.memory_space<vmem_shared>>)
            tpu.yield
          }) : () -> ()
        } else {
        }
      } else {
      }
      %jit3A_102 = arith.constant 3 : i32
      %eq3A_103 = arith.constant 0 : i32
      %eq3A_104 = arith.cmpi eq, %jit3A_102, %eq3A_103 : i32
      %jit3A_105 = arith.constant 1 : i32
      %select_n3A_106 = arith.select %eq3A_104, %jit3A_105, %jit3A_102 : i32
      %rem3A_107 = arith.remsi %while3A_65, %select_n3A_106 : i32
      %ne3A_108 = arith.constant 0 : i32
      %ne3A_109 = arith.cmpi ne, %rem3A_107, %ne3A_108 : i32
      %lt3A_110 = arith.constant 0 : i32
      %lt3A_111 = arith.cmpi slt, %rem3A_107, %lt3A_110 : i32
      %lt3A_112 = arith.constant 0 : i32
      %lt3A_113 = arith.cmpi slt, %select_n3A_106, %lt3A_112 : i32
      %ne3A_114 = arith.xori %lt3A_111, %lt3A_113 : i1
      %and3A_115 = arith.andi %ne3A_114, %ne3A_109 : i1
      %add3A_116 = arith.addi %rem3A_107, %select_n3A_106 : i32
      %select_n3A_117 = arith.select %and3A_115, %add3A_116, %rem3A_107 : i32
      %eq3A_118 = arith.constant 2 : i32
      %eq3A_119 = arith.cmpi eq, %select_n3A_117, %eq3A_118 : i32
      %convert_element_type3A_120 = arith.extui %eq3A_119 : i1 to i32
      %cond3A_121 = arith.constant 0 : i32
      %cond3A_122 = arith.cmpi ne, %convert_element_type3A_120, %cond3A_121 : i32
      scf.if %cond3A_122 {
        %add3A_123 = arith.constant 2 : i32
        %add3A_124 = arith.addi %while3A_65, %add3A_123 : i32
        %lt3A_125 = arith.cmpi slt, %add3A_124, %add3A_8 : i32
        %convert_element_type3A_126 = arith.extui %lt3A_125 : i1 to i32
        %cond3A_127 = arith.constant 0 : i32
        %cond3A_128 = arith.cmpi ne, %convert_element_type3A_126, %cond3A_127 : i32
        scf.if %cond3A_128 {
          %add3A_177 = arith.constant 2 : i32
          %add3A_178 = arith.addi %while3A_65, %add3A_177 : i32
          %add3A_179 = arith.addi %add3A_4, %add3A_178 : i32
          %mul3A_180 = arith.constant 128 : i32
          %mul3A_181 = arith.muli %add3A_179, %mul3A_180 : i32
          %dma_start3A_182 = arith.constant 0 : i32
          %dma_start3A_183 = tpu.memref_slice %arg3[%dma_start3A_182, %mul3A_181] : memref<2x320000xi32, #tpu.memory_space<hbm>> -> memref<2x128xi32, #tpu.memory_space<hbm>>
          %dma_start3A_184 = arith.constant 0 : i32
          %dma_start3A_185 = tpu.memref_slice %arg3[%dma_start3A_184, %mul3A_181] : memref<2x320000xi32, #tpu.memory_space<hbm>> -> memref<2x128xi32, #tpu.memory_space<hbm>>
          tpu.enqueue_dma source(%dma_start3A_185 : memref<2x128xi32, #tpu.memory_space<hbm>>) target(%arg10 : memref<2x128xi32, #tpu.memory_space<vmem>>) target_semaphore(%arg13 : memref<!tpu.dma_semaphore, #tpu.memory_space<semaphore_mem>>)
        } else {
        }
        %add3A_129 = arith.constant 1 : i32
        %add3A_130 = arith.addi %while3A_65, %add3A_129 : i32
        %lt3A_131 = arith.cmpi slt, %add3A_130, %add3A_8 : i32
        %convert_element_type3A_132 = arith.extui %lt3A_131 : i1 to i32
        %cond3A_133 = arith.constant 0 : i32
        %cond3A_134 = arith.cmpi ne, %convert_element_type3A_132, %cond3A_133 : i32
        scf.if %cond3A_134 {
          %add3A_177 = arith.constant 1 : i32
          %add3A_178 = arith.addi %while3A_65, %add3A_177 : i32
          %add3A_179 = arith.addi %add3A_4, %add3A_178 : i32
          %mul3A_180 = arith.constant 128 : i32
          %mul3A_181 = arith.muli %add3A_179, %mul3A_180 : i32
          %dma_wait3A_182 = arith.constant 0 : i32
          %dma_wait3A_183 = tpu.memref_slice %arg3[%dma_wait3A_182, %mul3A_181] : memref<2x320000xi32, #tpu.memory_space<hbm>> -> memref<2x128xi32, #tpu.memory_space<hbm>>
          %dma_wait3A_184 = arith.constant 0 : i32
          %dma_wait3A_185 = tpu.memref_slice %arg3[%dma_wait3A_184, %mul3A_181] : memref<2x320000xi32, #tpu.memory_space<hbm>> -> memref<2x128xi32, #tpu.memory_space<hbm>>
          tpu.wait_dma2 semaphore(%arg12 : memref<!tpu.dma_semaphore, #tpu.memory_space<semaphore_mem>>) src(%dma_wait3A_185 : memref<2x128xi32, #tpu.memory_space<hbm>>) dst(%arg9 : memref<2x128xi32, #tpu.memory_space<vmem>>)
          %add3A_186 = arith.constant 1 : i32
          %add3A_187 = arith.addi %while3A_65, %add3A_186 : i32
          %jit3A_188 = arith.constant 2 : i32
          %eq3A_189 = arith.constant 0 : i32
          %eq3A_190 = arith.cmpi eq, %jit3A_188, %eq3A_189 : i32
          %jit3A_191 = arith.constant 1 : i32
          %select_n3A_192 = arith.select %eq3A_190, %jit3A_191, %jit3A_188 : i32
          %rem3A_193 = arith.remsi %add3A_187, %select_n3A_192 : i32
          %ne3A_194 = arith.constant 0 : i32
          %ne3A_195 = arith.cmpi ne, %rem3A_193, %ne3A_194 : i32
          %lt3A_196 = arith.constant 0 : i32
          %lt3A_197 = arith.cmpi slt, %rem3A_193, %lt3A_196 : i32
          %lt3A_198 = arith.constant 0 : i32
          %lt3A_199 = arith.cmpi slt, %select_n3A_192, %lt3A_198 : i32
          %ne3A_200 = arith.xori %lt3A_197, %lt3A_199 : i1
          %and3A_201 = arith.andi %ne3A_200, %ne3A_195 : i1
          %add3A_202 = arith.addi %rem3A_193, %select_n3A_192 : i32
          %select_n3A_203 = arith.select %and3A_201, %add3A_202, %rem3A_193 : i32
          %eq3A_204 = arith.constant 0 : i32
          %eq3A_205 = arith.cmpi eq, %select_n3A_203, %eq3A_204 : i32
          %convert_element_type3A_206 = arith.extui %eq3A_205 : i1 to i32
          %cond3A_207 = arith.constant 0 : i32
          %cond3A_208 = arith.cmpi ne, %convert_element_type3A_206, %cond3A_207 : i32
          scf.if %cond3A_208 {
            %dma_start3A_232 = arith.constant 0 : i32
            %dma_start3A_233 = arith.constant 0 : i32
            %dma_start3A_234 = tpu.memref_slice %arg9[%dma_start3A_232, %dma_start3A_233] : memref<2x128xi32, #tpu.memory_space<vmem>> -> memref<1x128xi32, #tpu.memory_space<vmem>>
            %dma_start3A_235 = tpu.memref_squeeze %dma_start3A_234 : memref<1x128xi32, #tpu.memory_space<vmem>> -> memref<128xi32, #tpu.memory_space<vmem>>
            %dma_start3A_236 = arith.constant 0 : i32
            %dma_start3A_237 = arith.constant 0 : i32
            %dma_start3A_238 = tpu.memref_slice %arg2[%dma_start3A_236, %dma_start3A_237] : memref<10000x128xf32, #tpu.memory_space<hbm>> -> memref<10000x128xf32, #tpu.memory_space<hbm>>
            tpu.enqueue_indirect_dma source(%dma_start3A_238 : memref<10000x128xf32, #tpu.memory_space<hbm>>) target(%arg5 : memref<128x128xf32, #tpu.memory_space<vmem>>) offsets(%dma_start3A_235 : memref<128xi32, #tpu.memory_space<vmem>>) semaphore(%arg7 : memref<!tpu.dma_semaphore, #tpu.memory_space<semaphore_mem>>)
          } else {
          }
          %add3A_209 = arith.constant 1 : i32
          %add3A_210 = arith.addi %while3A_65, %add3A_209 : i32
          %jit3A_211 = arith.constant 2 : i32
          %eq3A_212 = arith.constant 0 : i32
          %eq3A_213 = arith.cmpi eq, %jit3A_211, %eq3A_212 : i32
          %jit3A_214 = arith.constant 1 : i32
          %select_n3A_215 = arith.select %eq3A_213, %jit3A_214, %jit3A_211 : i32
          %rem3A_216 = arith.remsi %add3A_210, %select_n3A_215 : i32
          %ne3A_217 = arith.constant 0 : i32
          %ne3A_218 = arith.cmpi ne, %rem3A_216, %ne3A_217 : i32
          %lt3A_219 = arith.constant 0 : i32
          %lt3A_220 = arith.cmpi slt, %rem3A_216, %lt3A_219 : i32
          %lt3A_221 = arith.constant 0 : i32
          %lt3A_222 = arith.cmpi slt, %select_n3A_215, %lt3A_221 : i32
          %ne3A_223 = arith.xori %lt3A_220, %lt3A_222 : i1
          %and3A_224 = arith.andi %ne3A_223, %ne3A_218 : i1
          %add3A_225 = arith.addi %rem3A_216, %select_n3A_215 : i32
          %select_n3A_226 = arith.select %and3A_224, %add3A_225, %rem3A_216 : i32
          %eq3A_227 = arith.constant 1 : i32
          %eq3A_228 = arith.cmpi eq, %select_n3A_226, %eq3A_227 : i32
          %convert_element_type3A_229 = arith.extui %eq3A_228 : i1 to i32
          %cond3A_230 = arith.constant 0 : i32
          %cond3A_231 = arith.cmpi ne, %convert_element_type3A_229, %cond3A_230 : i32
          scf.if %cond3A_231 {
            %dma_start3A_232 = arith.constant 0 : i32
            %dma_start3A_233 = arith.constant 0 : i32
            %dma_start3A_234 = tpu.memref_slice %arg9[%dma_start3A_232, %dma_start3A_233] : memref<2x128xi32, #tpu.memory_space<vmem>> -> memref<1x128xi32, #tpu.memory_space<vmem>>
            %dma_start3A_235 = tpu.memref_squeeze %dma_start3A_234 : memref<1x128xi32, #tpu.memory_space<vmem>> -> memref<128xi32, #tpu.memory_space<vmem>>
            %dma_start3A_236 = arith.constant 0 : i32
            %dma_start3A_237 = arith.constant 0 : i32
            %dma_start3A_238 = tpu.memref_slice %arg2[%dma_start3A_236, %dma_start3A_237] : memref<10000x128xf32, #tpu.memory_space<hbm>> -> memref<10000x128xf32, #tpu.memory_space<hbm>>
            tpu.enqueue_indirect_dma source(%dma_start3A_238 : memref<10000x128xf32, #tpu.memory_space<hbm>>) target(%arg6 : memref<128x128xf32, #tpu.memory_space<vmem>>) offsets(%dma_start3A_235 : memref<128xi32, #tpu.memory_space<vmem>>) semaphore(%arg8 : memref<!tpu.dma_semaphore, #tpu.memory_space<semaphore_mem>>)
          } else {
          }
        } else {
        }
        %jit3A_135 = arith.constant 2 : i32
        %eq3A_136 = arith.constant 0 : i32
        %eq3A_137 = arith.cmpi eq, %jit3A_135, %eq3A_136 : i32
        %jit3A_138 = arith.constant 1 : i32
        %select_n3A_139 = arith.select %eq3A_137, %jit3A_138, %jit3A_135 : i32
        %rem3A_140 = arith.remsi %while3A_65, %select_n3A_139 : i32
        %ne3A_141 = arith.constant 0 : i32
        %ne3A_142 = arith.cmpi ne, %rem3A_140, %ne3A_141 : i32
        %lt3A_143 = arith.constant 0 : i32
        %lt3A_144 = arith.cmpi slt, %rem3A_140, %lt3A_143 : i32
        %lt3A_145 = arith.constant 0 : i32
        %lt3A_146 = arith.cmpi slt, %select_n3A_139, %lt3A_145 : i32
        %ne3A_147 = arith.xori %lt3A_144, %lt3A_146 : i1
        %and3A_148 = arith.andi %ne3A_147, %ne3A_142 : i1
        %add3A_149 = arith.addi %rem3A_140, %select_n3A_139 : i32
        %select_n3A_150 = arith.select %and3A_148, %add3A_149, %rem3A_140 : i32
        %eq3A_151 = arith.constant 0 : i32
        %eq3A_152 = arith.cmpi eq, %select_n3A_150, %eq3A_151 : i32
        %convert_element_type3A_153 = arith.extui %eq3A_152 : i1 to i32
        %cond3A_154 = arith.constant 0 : i32
        %cond3A_155 = arith.cmpi ne, %convert_element_type3A_153, %cond3A_154 : i32
        scf.if %cond3A_155 {
          %dma_wait3A_177 = arith.constant 0 : i32
          %dma_wait3A_178 = arith.constant 0 : i32
          %dma_wait3A_179 = tpu.memref_slice %arg11[%dma_wait3A_177, %dma_wait3A_178] : memref<2x128xi32, #tpu.memory_space<vmem>> -> memref<1x128xi32, #tpu.memory_space<vmem>>
          %dma_wait3A_180 = tpu.memref_squeeze %dma_wait3A_179 : memref<1x128xi32, #tpu.memory_space<vmem>> -> memref<128xi32, #tpu.memory_space<vmem>>
          %dma_wait3A_181 = arith.constant 0 : i32
          %dma_wait3A_182 = arith.constant 0 : i32
          %dma_wait3A_183 = tpu.memref_slice %arg2[%dma_wait3A_181, %dma_wait3A_182] : memref<10000x128xf32, #tpu.memory_space<hbm>> -> memref<10000x128xf32, #tpu.memory_space<hbm>>
          tpu.wait_indirect_dma semaphore(%arg7 : memref<!tpu.dma_semaphore, #tpu.memory_space<semaphore_mem>>) src(%dma_wait3A_183 : memref<10000x128xf32, #tpu.memory_space<hbm>>) dst(%arg5 : memref<128x128xf32, #tpu.memory_space<vmem>>)
          %run_scoped3A = arith.constant 1 : i32
          "tpu.region"() ({
            %run_scoped3A_184 = tpu.sem_alloc : memref<!tpu.dma_semaphore, #tpu.memory_space<semaphore_mem>>
            %dma_start3A_185 = arith.constant 0 : i32
            %dma_start3A_186 = tpu.memref_slice %arg11[%run_scoped3A, %dma_start3A_185] : memref<2x128xi32, #tpu.memory_space<vmem>> -> memref<1x128xi32, #tpu.memory_space<vmem>>
            %dma_start3A_187 = tpu.memref_squeeze %dma_start3A_186 : memref<1x128xi32, #tpu.memory_space<vmem>> -> memref<128xi32, #tpu.memory_space<vmem>>
            %dma_start3A_188 = arith.constant 0 : i32
            %dma_start3A_189 = arith.constant 0 : i32
            %dma_start3A_190 = tpu.memref_slice %arg15[%dma_start3A_188, %dma_start3A_189] : memref<10240x128xf32, #tpu.memory_space<vmem_shared>> -> memref<10240x128xf32, #tpu.memory_space<vmem_shared>>
            tpu.enqueue_indirect_dma source(%arg5 : memref<128x128xf32, #tpu.memory_space<vmem>>) target(%dma_start3A_190 : memref<10240x128xf32, #tpu.memory_space<vmem_shared>>) offsets(%dma_start3A_187 : memref<128xi32, #tpu.memory_space<vmem>>) semaphore(%run_scoped3A_184 : memref<!tpu.dma_semaphore, #tpu.memory_space<semaphore_mem>>) {add = true}
            %dma_wait3A_191 = arith.constant 0 : i32
            %dma_wait3A_192 = tpu.memref_slice %arg11[%run_scoped3A, %dma_wait3A_191] : memref<2x128xi32, #tpu.memory_space<vmem>> -> memref<1x128xi32, #tpu.memory_space<vmem>>
            %dma_wait3A_193 = tpu.memref_squeeze %dma_wait3A_192 : memref<1x128xi32, #tpu.memory_space<vmem>> -> memref<128xi32, #tpu.memory_space<vmem>>
            %dma_wait3A_194 = arith.constant 0 : i32
            %dma_wait3A_195 = arith.constant 0 : i32
            %dma_wait3A_196 = tpu.memref_slice %arg15[%dma_wait3A_194, %dma_wait3A_195] : memref<10240x128xf32, #tpu.memory_space<vmem_shared>> -> memref<10240x128xf32, #tpu.memory_space<vmem_shared>>
            tpu.wait_indirect_dma semaphore(%run_scoped3A_184 : memref<!tpu.dma_semaphore, #tpu.memory_space<semaphore_mem>>) src(%arg5 : memref<128x128xf32, #tpu.memory_space<vmem>>) dst(%dma_wait3A_196 : memref<10240x128xf32, #tpu.memory_space<vmem_shared>>)
            tpu.yield
          }) : () -> ()
        } else {
        }
        %jit3A_156 = arith.constant 2 : i32
        %eq3A_157 = arith.constant 0 : i32
        %eq3A_158 = arith.cmpi eq, %jit3A_156, %eq3A_157 : i32
        %jit3A_159 = arith.constant 1 : i32
        %select_n3A_160 = arith.select %eq3A_158, %jit3A_159, %jit3A_156 : i32
        %rem3A_161 = arith.remsi %while3A_65, %select_n3A_160 : i32
        %ne3A_162 = arith.constant 0 : i32
        %ne3A_163 = arith.cmpi ne, %rem3A_161, %ne3A_162 : i32
        %lt3A_164 = arith.constant 0 : i32
        %lt3A_165 = arith.cmpi slt, %rem3A_161, %lt3A_164 : i32
        %lt3A_166 = arith.constant 0 : i32
        %lt3A_167 = arith.cmpi slt, %select_n3A_160, %lt3A_166 : i32
        %ne3A_168 = arith.xori %lt3A_165, %lt3A_167 : i1
        %and3A_169 = arith.andi %ne3A_168, %ne3A_163 : i1
        %add3A_170 = arith.addi %rem3A_161, %select_n3A_160 : i32
        %select_n3A_171 = arith.select %and3A_169, %add3A_170, %rem3A_161 : i32
        %eq3A_172 = arith.constant 1 : i32
        %eq3A_173 = arith.cmpi eq, %select_n3A_171, %eq3A_172 : i32
        %convert_element_type3A_174 = arith.extui %eq3A_173 : i1 to i32
        %cond3A_175 = arith.constant 0 : i32
        %cond3A_176 = arith.cmpi ne, %convert_element_type3A_174, %cond3A_175 : i32
        scf.if %cond3A_176 {
          %dma_wait3A_177 = arith.constant 0 : i32
          %dma_wait3A_178 = arith.constant 0 : i32
          %dma_wait3A_179 = tpu.memref_slice %arg11[%dma_wait3A_177, %dma_wait3A_178] : memref<2x128xi32, #tpu.memory_space<vmem>> -> memref<1x128xi32, #tpu.memory_space<vmem>>
          %dma_wait3A_180 = tpu.memref_squeeze %dma_wait3A_179 : memref<1x128xi32, #tpu.memory_space<vmem>> -> memref<128xi32, #tpu.memory_space<vmem>>
          %dma_wait3A_181 = arith.constant 0 : i32
          %dma_wait3A_182 = arith.constant 0 : i32
          %dma_wait3A_183 = tpu.memref_slice %arg2[%dma_wait3A_181, %dma_wait3A_182] : memref<10000x128xf32, #tpu.memory_space<hbm>> -> memref<10000x128xf32, #tpu.memory_space<hbm>>
          tpu.wait_indirect_dma semaphore(%arg8 : memref<!tpu.dma_semaphore, #tpu.memory_space<semaphore_mem>>) src(%dma_wait3A_183 : memref<10000x128xf32, #tpu.memory_space<hbm>>) dst(%arg6 : memref<128x128xf32, #tpu.memory_space<vmem>>)
          %run_scoped3A = arith.constant 1 : i32
          "tpu.region"() ({
            %run_scoped3A_184 = tpu.sem_alloc : memref<!tpu.dma_semaphore, #tpu.memory_space<semaphore_mem>>
            %dma_start3A_185 = arith.constant 0 : i32
            %dma_start3A_186 = tpu.memref_slice %arg11[%run_scoped3A, %dma_start3A_185] : memref<2x128xi32, #tpu.memory_space<vmem>> -> memref<1x128xi32, #tpu.memory_space<vmem>>
            %dma_start3A_187 = tpu.memref_squeeze %dma_start3A_186 : memref<1x128xi32, #tpu.memory_space<vmem>> -> memref<128xi32, #tpu.memory_space<vmem>>
            %dma_start3A_188 = arith.constant 0 : i32
            %dma_start3A_189 = arith.constant 0 : i32
            %dma_start3A_190 = tpu.memref_slice %arg15[%dma_start3A_188, %dma_start3A_189] : memref<10240x128xf32, #tpu.memory_space<vmem_shared>> -> memref<10240x128xf32, #tpu.memory_space<vmem_shared>>
            tpu.enqueue_indirect_dma source(%arg6 : memref<128x128xf32, #tpu.memory_space<vmem>>) target(%dma_start3A_190 : memref<10240x128xf32, #tpu.memory_space<vmem_shared>>) offsets(%dma_start3A_187 : memref<128xi32, #tpu.memory_space<vmem>>) semaphore(%run_scoped3A_184 : memref<!tpu.dma_semaphore, #tpu.memory_space<semaphore_mem>>) {add = true}
            %dma_wait3A_191 = arith.constant 0 : i32
            %dma_wait3A_192 = tpu.memref_slice %arg11[%run_scoped3A, %dma_wait3A_191] : memref<2x128xi32, #tpu.memory_space<vmem>> -> memref<1x128xi32, #tpu.memory_space<vmem>>
            %dma_wait3A_193 = tpu.memref_squeeze %dma_wait3A_192 : memref<1x128xi32, #tpu.memory_space<vmem>> -> memref<128xi32, #tpu.memory_space<vmem>>
            %dma_wait3A_194 = arith.constant 0 : i32
            %dma_wait3A_195 = arith.constant 0 : i32
            %dma_wait3A_196 = tpu.memref_slice %arg15[%dma_wait3A_194, %dma_wait3A_195] : memref<10240x128xf32, #tpu.memory_space<vmem_shared>> -> memref<10240x128xf32, #tpu.memory_space<vmem_shared>>
            tpu.wait_indirect_dma semaphore(%run_scoped3A_184 : memref<!tpu.dma_semaphore, #tpu.memory_space<semaphore_mem>>) src(%arg6 : memref<128x128xf32, #tpu.memory_space<vmem>>) dst(%dma_wait3A_196 : memref<10240x128xf32, #tpu.memory_space<vmem_shared>>)
            tpu.yield
          }) : () -> ()
        } else {
        }
      } else {
      }
    }
    %barrier3A_64 = arith.constant 0 : index
    tpu.barrier barrier_id(%barrier3A_64)
    "tpu.region"() ({
      %run_scoped3A = tpu.sem_alloc : memref<!tpu.dma_semaphore, #tpu.memory_space<semaphore_mem>>
      %dma_start3A_65 = arith.constant 0 : i32
      %dma_start3A_66 = tpu.memref_slice %arg4[%arg0, %mul3A_10, %dma_start3A_65] : memref<2x10240x128xf32, #tpu.memory_space<hbm>> -> memref<1x640x128xf32, #tpu.memory_space<hbm>>
      %dma_start3A_67 = tpu.memref_squeeze %dma_start3A_66 : memref<1x640x128xf32, #tpu.memory_space<hbm>> -> memref<640x128xf32, #tpu.memory_space<hbm>>
      %dma_start3A_68 = arith.constant 0 : i32
      %dma_start3A_69 = tpu.memref_slice %arg15[%mul3A_10, %dma_start3A_68] : memref<10240x128xf32, #tpu.memory_space<vmem_shared>> -> memref<640x128xf32, #tpu.memory_space<vmem_shared>>
      tpu.enqueue_dma source(%dma_start3A_69 : memref<640x128xf32, #tpu.memory_space<vmem_shared>>) target(%dma_start3A_67 : memref<640x128xf32, #tpu.memory_space<hbm>>) target_semaphore(%run_scoped3A : memref<!tpu.dma_semaphore, #tpu.memory_space<semaphore_mem>>)
      %dma_wait3A_70 = arith.constant 0 : i32
      %dma_wait3A_71 = tpu.memref_slice %arg4[%arg0, %mul3A_10, %dma_wait3A_70] : memref<2x10240x128xf32, #tpu.memory_space<hbm>> -> memref<1x640x128xf32, #tpu.memory_space<hbm>>
      %dma_wait3A_72 = tpu.memref_squeeze %dma_wait3A_71 : memref<1x640x128xf32, #tpu.memory_space<hbm>> -> memref<640x128xf32, #tpu.memory_space<hbm>>
      %dma_wait3A_73 = arith.constant 0 : i32
      %dma_wait3A_74 = tpu.memref_slice %arg15[%mul3A_10, %dma_wait3A_73] : memref<10240x128xf32, #tpu.memory_space<vmem_shared>> -> memref<640x128xf32, #tpu.memory_space<vmem_shared>>
      tpu.wait_dma2 semaphore(%run_scoped3A : memref<!tpu.dma_semaphore, #tpu.memory_space<semaphore_mem>>) src(%dma_wait3A_74 : memref<640x128xf32, #tpu.memory_space<vmem_shared>>) dst(%dma_wait3A_72 : memref<640x128xf32, #tpu.memory_space<hbm>>)
      tpu.yield
    }) : () -> ()
    return
  }
}

#map = affine_map<(d0, d1) -> (0, 0)>
module attributes {stable_mosaic.version = 14 : i64} {
  func.func @k(%arg0: i32, %arg1: i32, %arg2: memref<2x320000xi32, #tpu.memory_space<hbm>>, %arg3: memref<2x10240xf32, #tpu.memory_space<hbm>>, %arg4: memref<2x10112xi32, #tpu.memory_space<vmem>>, %arg5: memref<128xf32, #tpu.memory_space<vmem>>, %arg6: memref<640xf32, #tpu.memory_space<vmem>>, %arg7: memref<10240xf32, #tpu.memory_space<vmem_shared>>, %arg8: memref<!tpu.dma_semaphore, #tpu.memory_space<semaphore_mem>>) attributes {dimension_semantics = [#tpu.dimension_semantics<core_parallel>, #tpu.dimension_semantics<subcore_parallel>], iteration_bounds = array<i64: 2, 16>, scalar_prefetch = 0 : i64, scratch_operands = 5 : i64, tpu.core_type = #tpu.core_type<sc_vector_subcore>, window_params = [{transform_indices = #map}, {transform_indices = #map}]} {
    %mul3A = arith.constant 2 : i32
    %mul3A_0 = arith.muli %arg1, %mul3A : i32
    %add3A = arith.addi %mul3A_0, %arg0 : i32
    %min3A = arith.constant 4 : i32
    %min3A_1 = arith.minsi %add3A, %min3A : i32
    %mul3A_2 = arith.constant 78 : i32
    %mul3A_3 = arith.muli %add3A, %mul3A_2 : i32
    %add3A_4 = arith.addi %mul3A_3, %min3A_1 : i32
    %lt3A = arith.constant 4 : i32
    %lt3A_5 = arith.cmpi slt, %add3A, %lt3A : i32
    %convert_element_type3A = arith.extui %lt3A_5 : i1 to i32
    %cond3A = arith.constant 0 : i32
    %cond3A_6 = arith.cmpi ne, %convert_element_type3A, %cond3A : i32
    scf.if %cond3A_6 {
      %mul3A_80 = arith.constant 128 : i32
      %mul3A_81 = arith.muli %add3A_4, %mul3A_80 : i32
      "tpu.region"() ({
        %run_scoped3A = tpu.sem_alloc : memref<!tpu.dma_semaphore, #tpu.memory_space<semaphore_mem>>
        %dma_start3A = arith.constant 0 : i32
        %dma_start3A_82 = tpu.memref_slice %arg2[%dma_start3A, %mul3A_81] : memref<2x320000xi32, #tpu.memory_space<hbm>> -> memref<2x10112xi32, #tpu.memory_space<hbm>>
        %dma_start3A_83 = arith.constant 0 : i32
        %dma_start3A_84 = tpu.memref_slice %arg2[%dma_start3A_83, %mul3A_81] : memref<2x320000xi32, #tpu.memory_space<hbm>> -> memref<2x10112xi32, #tpu.memory_space<hbm>>
        tpu.enqueue_dma source(%dma_start3A_84 : memref<2x10112xi32, #tpu.memory_space<hbm>>) target(%arg4 : memref<2x10112xi32, #tpu.memory_space<vmem>>) target_semaphore(%run_scoped3A : memref<!tpu.dma_semaphore, #tpu.memory_space<semaphore_mem>>)
        %dma_wait3A = arith.constant 0 : i32
        %dma_wait3A_85 = tpu.memref_slice %arg2[%dma_wait3A, %mul3A_81] : memref<2x320000xi32, #tpu.memory_space<hbm>> -> memref<2x10112xi32, #tpu.memory_space<hbm>>
        %dma_wait3A_86 = arith.constant 0 : i32
        %dma_wait3A_87 = tpu.memref_slice %arg2[%dma_wait3A_86, %mul3A_81] : memref<2x320000xi32, #tpu.memory_space<hbm>> -> memref<2x10112xi32, #tpu.memory_space<hbm>>
        tpu.wait_dma2 semaphore(%run_scoped3A : memref<!tpu.dma_semaphore, #tpu.memory_space<semaphore_mem>>) src(%dma_wait3A_87 : memref<2x10112xi32, #tpu.memory_space<hbm>>) dst(%arg4 : memref<2x10112xi32, #tpu.memory_space<vmem>>)
        tpu.yield
      }) : () -> ()
    } else {
    }
    %ge3A = arith.constant 4 : i32
    %ge3A_7 = arith.cmpi sge, %add3A, %ge3A : i32
    %convert_element_type3A_8 = arith.extui %ge3A_7 : i1 to i32
    %cond3A_9 = arith.constant 0 : i32
    %cond3A_10 = arith.cmpi ne, %convert_element_type3A_8, %cond3A_9 : i32
    scf.if %cond3A_10 {
      %mul3A_80 = arith.constant 128 : i32
      %mul3A_81 = arith.muli %add3A_4, %mul3A_80 : i32
      "tpu.region"() ({
        %run_scoped3A = tpu.sem_alloc : memref<!tpu.dma_semaphore, #tpu.memory_space<semaphore_mem>>
        %dma_start3A = arith.constant 0 : i32
        %dma_start3A_82 = arith.constant 0 : i32
        %dma_start3A_83 = tpu.memref_slice %arg4[%dma_start3A, %dma_start3A_82] : memref<2x10112xi32, #tpu.memory_space<vmem>> -> memref<2x9984xi32, #tpu.memory_space<vmem>>
        %dma_start3A_84 = arith.constant 0 : i32
        %dma_start3A_85 = tpu.memref_slice %arg2[%dma_start3A_84, %mul3A_81] : memref<2x320000xi32, #tpu.memory_space<hbm>> -> memref<2x9984xi32, #tpu.memory_space<hbm>>
        %dma_start3A_86 = arith.constant 0 : i32
        %dma_start3A_87 = arith.constant 0 : i32
        %dma_start3A_88 = tpu.memref_slice %arg4[%dma_start3A_86, %dma_start3A_87] : memref<2x10112xi32, #tpu.memory_space<vmem>> -> memref<2x9984xi32, #tpu.memory_space<vmem>>
        %dma_start3A_89 = arith.constant 0 : i32
        %dma_start3A_90 = tpu.memref_slice %arg2[%dma_start3A_89, %mul3A_81] : memref<2x320000xi32, #tpu.memory_space<hbm>> -> memref<2x9984xi32, #tpu.memory_space<hbm>>
        tpu.enqueue_dma source(%dma_start3A_90 : memref<2x9984xi32, #tpu.memory_space<hbm>>) target(%dma_start3A_88 : memref<2x9984xi32, #tpu.memory_space<vmem>>) target_semaphore(%run_scoped3A : memref<!tpu.dma_semaphore, #tpu.memory_space<semaphore_mem>>)
        %dma_wait3A = arith.constant 0 : i32
        %dma_wait3A_91 = arith.constant 0 : i32
        %dma_wait3A_92 = tpu.memref_slice %arg4[%dma_wait3A, %dma_wait3A_91] : memref<2x10112xi32, #tpu.memory_space<vmem>> -> memref<2x9984xi32, #tpu.memory_space<vmem>>
        %dma_wait3A_93 = arith.constant 0 : i32
        %dma_wait3A_94 = tpu.memref_slice %arg2[%dma_wait3A_93, %mul3A_81] : memref<2x320000xi32, #tpu.memory_space<hbm>> -> memref<2x9984xi32, #tpu.memory_space<hbm>>
        %dma_wait3A_95 = arith.constant 0 : i32
        %dma_wait3A_96 = arith.constant 0 : i32
        %dma_wait3A_97 = tpu.memref_slice %arg4[%dma_wait3A_95, %dma_wait3A_96] : memref<2x10112xi32, #tpu.memory_space<vmem>> -> memref<2x9984xi32, #tpu.memory_space<vmem>>
        %dma_wait3A_98 = arith.constant 0 : i32
        %dma_wait3A_99 = tpu.memref_slice %arg2[%dma_wait3A_98, %mul3A_81] : memref<2x320000xi32, #tpu.memory_space<hbm>> -> memref<2x9984xi32, #tpu.memory_space<hbm>>
        tpu.wait_dma2 semaphore(%run_scoped3A : memref<!tpu.dma_semaphore, #tpu.memory_space<semaphore_mem>>) src(%dma_wait3A_99 : memref<2x9984xi32, #tpu.memory_space<hbm>>) dst(%dma_wait3A_97 : memref<2x9984xi32, #tpu.memory_space<vmem>>)
        tpu.yield
      }) : () -> ()
    } else {
    }
    %broadcast_in_dim3A = arith.constant 1.000000e+00 : f32
    %broadcast_in_dim3A_11 = vector.broadcast %broadcast_in_dim3A : f32 to vector<16xf32>
    %swap3A = arith.constant 0 : index
    %swap3A_12 = tpu.vector_load %arg5[%swap3A] {strides = array<i32>} : memref<128xf32, #tpu.memory_space<vmem>>, vector<16xf32>,
    %swap3A_13 = vector.shape_cast %swap3A_12 : vector<16xf32> to vector<16xf32>
    %swap3A_14 = vector.shape_cast %broadcast_in_dim3A_11 : vector<16xf32> to vector<16xf32>
    tpu.vector_store %arg5[%swap3A], %swap3A_14 {strides = array<i32>} : memref<128xf32, #tpu.memory_space<vmem>>, vector<16xf32>,
    %broadcast_in_dim3A_15 = arith.constant 1.000000e+00 : f32
    %broadcast_in_dim3A_16 = vector.broadcast %broadcast_in_dim3A_15 : f32 to vector<16xf32>
    %swap3A_17 = arith.constant 16 : index
    %swap3A_18 = tpu.vector_load %arg5[%swap3A_17] {strides = array<i32>} : memref<128xf32, #tpu.memory_space<vmem>>, vector<16xf32>,
    %swap3A_19 = vector.shape_cast %swap3A_18 : vector<16xf32> to vector<16xf32>
    %swap3A_20 = vector.shape_cast %broadcast_in_dim3A_16 : vector<16xf32> to vector<16xf32>
    tpu.vector_store %arg5[%swap3A_17], %swap3A_20 {strides = array<i32>} : memref<128xf32, #tpu.memory_space<vmem>>, vector<16xf32>,
    %broadcast_in_dim3A_21 = arith.constant 1.000000e+00 : f32
    %broadcast_in_dim3A_22 = vector.broadcast %broadcast_in_dim3A_21 : f32 to vector<16xf32>
    %swap3A_23 = arith.constant 32 : index
    %swap3A_24 = tpu.vector_load %arg5[%swap3A_23] {strides = array<i32>} : memref<128xf32, #tpu.memory_space<vmem>>, vector<16xf32>,
    %swap3A_25 = vector.shape_cast %swap3A_24 : vector<16xf32> to vector<16xf32>
    %swap3A_26 = vector.shape_cast %broadcast_in_dim3A_22 : vector<16xf32> to vector<16xf32>
    tpu.vector_store %arg5[%swap3A_23], %swap3A_26 {strides = array<i32>} : memref<128xf32, #tpu.memory_space<vmem>>, vector<16xf32>,
    %broadcast_in_dim3A_27 = arith.constant 1.000000e+00 : f32
    %broadcast_in_dim3A_28 = vector.broadcast %broadcast_in_dim3A_27 : f32 to vector<16xf32>
    %swap3A_29 = arith.constant 48 : index
    %swap3A_30 = tpu.vector_load %arg5[%swap3A_29] {strides = array<i32>} : memref<128xf32, #tpu.memory_space<vmem>>, vector<16xf32>,
    %swap3A_31 = vector.shape_cast %swap3A_30 : vector<16xf32> to vector<16xf32>
    %swap3A_32 = vector.shape_cast %broadcast_in_dim3A_28 : vector<16xf32> to vector<16xf32>
    tpu.vector_store %arg5[%swap3A_29], %swap3A_32 {strides = array<i32>} : memref<128xf32, #tpu.memory_space<vmem>>, vector<16xf32>,
    %broadcast_in_dim3A_33 = arith.constant 1.000000e+00 : f32
    %broadcast_in_dim3A_34 = vector.broadcast %broadcast_in_dim3A_33 : f32 to vector<16xf32>
    %swap3A_35 = arith.constant 64 : index
    %swap3A_36 = tpu.vector_load %arg5[%swap3A_35] {strides = array<i32>} : memref<128xf32, #tpu.memory_space<vmem>>, vector<16xf32>,
    %swap3A_37 = vector.shape_cast %swap3A_36 : vector<16xf32> to vector<16xf32>
    %swap3A_38 = vector.shape_cast %broadcast_in_dim3A_34 : vector<16xf32> to vector<16xf32>
    tpu.vector_store %arg5[%swap3A_35], %swap3A_38 {strides = array<i32>} : memref<128xf32, #tpu.memory_space<vmem>>, vector<16xf32>,
    %broadcast_in_dim3A_39 = arith.constant 1.000000e+00 : f32
    %broadcast_in_dim3A_40 = vector.broadcast %broadcast_in_dim3A_39 : f32 to vector<16xf32>
    %swap3A_41 = arith.constant 80 : index
    %swap3A_42 = tpu.vector_load %arg5[%swap3A_41] {strides = array<i32>} : memref<128xf32, #tpu.memory_space<vmem>>, vector<16xf32>,
    %swap3A_43 = vector.shape_cast %swap3A_42 : vector<16xf32> to vector<16xf32>
    %swap3A_44 = vector.shape_cast %broadcast_in_dim3A_40 : vector<16xf32> to vector<16xf32>
    tpu.vector_store %arg5[%swap3A_41], %swap3A_44 {strides = array<i32>} : memref<128xf32, #tpu.memory_space<vmem>>, vector<16xf32>,
    %broadcast_in_dim3A_45 = arith.constant 1.000000e+00 : f32
    %broadcast_in_dim3A_46 = vector.broadcast %broadcast_in_dim3A_45 : f32 to vector<16xf32>
    %swap3A_47 = arith.constant 96 : index
    %swap3A_48 = tpu.vector_load %arg5[%swap3A_47] {strides = array<i32>} : memref<128xf32, #tpu.memory_space<vmem>>, vector<16xf32>,
    %swap3A_49 = vector.shape_cast %swap3A_48 : vector<16xf32> to vector<16xf32>
    %swap3A_50 = vector.shape_cast %broadcast_in_dim3A_46 : vector<16xf32> to vector<16xf32>
    tpu.vector_store %arg5[%swap3A_47], %swap3A_50 {strides = array<i32>} : memref<128xf32, #tpu.memory_space<vmem>>, vector<16xf32>,
    %broadcast_in_dim3A_51 = arith.constant 1.000000e+00 : f32
    %broadcast_in_dim3A_52 = vector.broadcast %broadcast_in_dim3A_51 : f32 to vector<16xf32>
    %swap3A_53 = arith.constant 112 : index
    %swap3A_54 = tpu.vector_load %arg5[%swap3A_53] {strides = array<i32>} : memref<128xf32, #tpu.memory_space<vmem>>, vector<16xf32>,
    %swap3A_55 = vector.shape_cast %swap3A_54 : vector<16xf32> to vector<16xf32>
    %swap3A_56 = vector.shape_cast %broadcast_in_dim3A_52 : vector<16xf32> to vector<16xf32>
    tpu.vector_store %arg5[%swap3A_53], %swap3A_56 {strides = array<i32>} : memref<128xf32, #tpu.memory_space<vmem>>, vector<16xf32>,
    %scan3A = arith.constant 0 : i32
    %scan3A_57 = arith.constant 0 : i32
    %scan3A_58 = arith.constant 40 : i32
    %scan3A_59 = arith.addi %scan3A_57, %scan3A_58 : i32
    %scan3A_60 = arith.constant 1 : i32
    scf.for %scan3A_80 = %scan3A_57 to %scan3A_59 step %scan3A_60  : i32 {
      %broadcast_in_dim3A_81 = arith.constant 0.000000e+00 : f32
      %broadcast_in_dim3A_82 = vector.broadcast %broadcast_in_dim3A_81 : f32 to vector<16xf32>
      %mul3A_83 = arith.constant 16 : i32
      %mul3A_84 = arith.muli %scan3A_80, %mul3A_83 : i32
      %swap3A_85 = arith.index_cast %mul3A_84 : i32 to index
      %swap3A_86 = tpu.vector_load %arg6[%swap3A_85] {strides = array<i32>} : memref<640xf32, #tpu.memory_space<vmem>>, vector<16xf32>,
      %swap3A_87 = vector.shape_cast %swap3A_86 : vector<16xf32> to vector<16xf32>
      %swap3A_88 = vector.shape_cast %broadcast_in_dim3A_82 : vector<16xf32> to vector<16xf32>
      tpu.vector_store %arg6[%swap3A_85], %swap3A_88 {strides = array<i32>} : memref<640xf32, #tpu.memory_space<vmem>>, vector<16xf32>,
    }
    %scan3A_61 = arith.constant 40 : i32
    %mul3A_62 = arith.constant 640 : i32
    %mul3A_63 = arith.muli %arg1, %mul3A_62 : i32
    "tpu.region"() ({
      %run_scoped3A = tpu.sem_alloc : memref<!tpu.dma_semaphore, #tpu.memory_space<semaphore_mem>>
      %dma_start3A = tpu.memref_slice %arg7[%mul3A_63] : memref<10240xf32, #tpu.memory_space<vmem_shared>> -> memref<640xf32, #tpu.memory_space<vmem_shared>>
      %dma_start3A_80 = tpu.memref_slice %arg7[%mul3A_63] : memref<10240xf32, #tpu.memory_space<vmem_shared>> -> memref<640xf32, #tpu.memory_space<vmem_shared>>
      tpu.enqueue_dma source(%arg6 : memref<640xf32, #tpu.memory_space<vmem>>) target(%dma_start3A_80 : memref<640xf32, #tpu.memory_space<vmem_shared>>) target_semaphore(%run_scoped3A : memref<!tpu.dma_semaphore, #tpu.memory_space<semaphore_mem>>)
      %dma_wait3A = tpu.memref_slice %arg7[%mul3A_63] : memref<10240xf32, #tpu.memory_space<vmem_shared>> -> memref<640xf32, #tpu.memory_space<vmem_shared>>
      %dma_wait3A_81 = tpu.memref_slice %arg7[%mul3A_63] : memref<10240xf32, #tpu.memory_space<vmem_shared>> -> memref<640xf32, #tpu.memory_space<vmem_shared>>
      tpu.wait_dma2 semaphore(%run_scoped3A : memref<!tpu.dma_semaphore, #tpu.memory_space<semaphore_mem>>) src(%arg6 : memref<640xf32, #tpu.memory_space<vmem>>) dst(%dma_wait3A_81 : memref<640xf32, #tpu.memory_space<vmem_shared>>)
      tpu.yield
    }) : () -> ()
    %barrier3A = arith.constant 0 : index
    tpu.barrier barrier_id(%barrier3A)
    %scan3A_64 = arith.constant 0 : i32
    %scan3A_65 = arith.constant 0 : i32
    %scan3A_66 = arith.constant 3 : i32
    %scan3A_67 = arith.addi %scan3A_65, %scan3A_66 : i32
    %scan3A_68 = arith.constant 1 : i32
    scf.for %scan3A_80 = %scan3A_65 to %scan3A_67 step %scan3A_68  : i32 {
      %mul3A_81 = arith.constant 26 : i32
      %mul3A_82 = arith.muli %scan3A_80, %mul3A_81 : i32
      %add3A_83 = arith.constant 0 : i32
      %add3A_84 = arith.addi %mul3A_82, %add3A_83 : i32
      %mul3A_85 = arith.constant 128 : i32
      %mul3A_86 = arith.muli %add3A_84, %mul3A_85 : i32
      %dma_start3A = arith.constant 1 : i32
      %dma_start3A_87 = tpu.memref_slice %arg4[%dma_start3A, %mul3A_86] : memref<2x10112xi32, #tpu.memory_space<vmem>> -> memref<1x128xi32, #tpu.memory_space<vmem>>
      %dma_start3A_88 = tpu.memref_squeeze %dma_start3A_87 : memref<1x128xi32, #tpu.memory_space<vmem>> -> memref<128xi32, #tpu.memory_space<vmem>>
      %dma_start3A_89 = arith.constant 0 : i32
      %dma_start3A_90 = tpu.memref_slice %arg7[%dma_start3A_89] : memref<10240xf32, #tpu.memory_space<vmem_shared>> -> memref<10240xf32, #tpu.memory_space<vmem_shared>>
      tpu.enqueue_indirect_dma source(%arg5 : memref<128xf32, #tpu.memory_space<vmem>>) target(%dma_start3A_90 : memref<10240xf32, #tpu.memory_space<vmem_shared>>) offsets(%dma_start3A_88 : memref<128xi32, #tpu.memory_space<vmem>>) semaphore(%arg8 : memref<!tpu.dma_semaphore, #tpu.memory_space<semaphore_mem>>) {add = true}
      %mul3A_91 = arith.constant 26 : i32
      %mul3A_92 = arith.muli %scan3A_80, %mul3A_91 : i32
      %add3A_93 = arith.constant 1 : i32
      %add3A_94 = arith.addi %mul3A_92, %add3A_93 : i32
      %mul3A_95 = arith.constant 128 : i32
      %mul3A_96 = arith.muli %add3A_94, %mul3A_95 : i32
      %dma_start3A_97 = arith.constant 1 : i32
      %dma_start3A_98 = tpu.memref_slice %arg4[%dma_start3A_97, %mul3A_96] : memref<2x10112xi32, #tpu.memory_space<vmem>> -> memref<1x128xi32, #tpu.memory_space<vmem>>
      %dma_start3A_99 = tpu.memref_squeeze %dma_start3A_98 : memref<1x128xi32, #tpu.memory_space<vmem>> -> memref<128xi32, #tpu.memory_space<vmem>>
      %dma_start3A_100 = arith.constant 0 : i32
      %dma_start3A_101 = tpu.memref_slice %arg7[%dma_start3A_100] : memref<10240xf32, #tpu.memory_space<vmem_shared>> -> memref<10240xf32, #tpu.memory_space<vmem_shared>>
      tpu.enqueue_indirect_dma source(%arg5 : memref<128xf32, #tpu.memory_space<vmem>>) target(%dma_start3A_101 : memref<10240xf32, #tpu.memory_space<vmem_shared>>) offsets(%dma_start3A_99 : memref<128xi32, #tpu.memory_space<vmem>>) semaphore(%arg8 : memref<!tpu.dma_semaphore, #tpu.memory_space<semaphore_mem>>) {add = true}
      %mul3A_102 = arith.constant 26 : i32
      %mul3A_103 = arith.muli %scan3A_80, %mul3A_102 : i32
      %add3A_104 = arith.constant 2 : i32
      %add3A_105 = arith.addi %mul3A_103, %add3A_104 : i32
      %mul3A_106 = arith.constant 128 : i32
      %mul3A_107 = arith.muli %add3A_105, %mul3A_106 : i32
      %dma_start3A_108 = arith.constant 1 : i32
      %dma_start3A_109 = tpu.memref_slice %arg4[%dma_start3A_108, %mul3A_107] : memref<2x10112xi32, #tpu.memory_space<vmem>> -> memref<1x128xi32, #tpu.memory_space<vmem>>
      %dma_start3A_110 = tpu.memref_squeeze %dma_start3A_109 : memref<1x128xi32, #tpu.memory_space<vmem>> -> memref<128xi32, #tpu.memory_space<vmem>>
      %dma_start3A_111 = arith.constant 0 : i32
      %dma_start3A_112 = tpu.memref_slice %arg7[%dma_start3A_111] : memref<10240xf32, #tpu.memory_space<vmem_shared>> -> memref<10240xf32, #tpu.memory_space<vmem_shared>>
      tpu.enqueue_indirect_dma source(%arg5 : memref<128xf32, #tpu.memory_space<vmem>>) target(%dma_start3A_112 : memref<10240xf32, #tpu.memory_space<vmem_shared>>) offsets(%dma_start3A_110 : memref<128xi32, #tpu.memory_space<vmem>>) semaphore(%arg8 : memref<!tpu.dma_semaphore, #tpu.memory_space<semaphore_mem>>) {add = true}
      %mul3A_113 = arith.constant 26 : i32
      %mul3A_114 = arith.muli %scan3A_80, %mul3A_113 : i32
      %add3A_115 = arith.constant 3 : i32
      %add3A_116 = arith.addi %mul3A_114, %add3A_115 : i32
      %mul3A_117 = arith.constant 128 : i32
      %mul3A_118 = arith.muli %add3A_116, %mul3A_117 : i32
      %dma_start3A_119 = arith.constant 1 : i32
      %dma_start3A_120 = tpu.memref_slice %arg4[%dma_start3A_119, %mul3A_118] : memref<2x10112xi32, #tpu.memory_space<vmem>> -> memref<1x128xi32, #tpu.memory_space<vmem>>
      %dma_start3A_121 = tpu.memref_squeeze %dma_start3A_120 : memref<1x128xi32, #tpu.memory_space<vmem>> -> memref<128xi32, #tpu.memory_space<vmem>>
      %dma_start3A_122 = arith.constant 0 : i32
      %dma_start3A_123 = tpu.memref_slice %arg7[%dma_start3A_122] : memref<10240xf32, #tpu.memory_space<vmem_shared>> -> memref<10240xf32, #tpu.memory_space<vmem_shared>>
      tpu.enqueue_indirect_dma source(%arg5 : memref<128xf32, #tpu.memory_space<vmem>>) target(%dma_start3A_123 : memref<10240xf32, #tpu.memory_space<vmem_shared>>) offsets(%dma_start3A_121 : memref<128xi32, #tpu.memory_space<vmem>>) semaphore(%arg8 : memref<!tpu.dma_semaphore, #tpu.memory_space<semaphore_mem>>) {add = true}
      %mul3A_124 = arith.constant 26 : i32
      %mul3A_125 = arith.muli %scan3A_80, %mul3A_124 : i32
      %add3A_126 = arith.constant 4 : i32
      %add3A_127 = arith.addi %mul3A_125, %add3A_126 : i32
      %mul3A_128 = arith.constant 128 : i32
      %mul3A_129 = arith.muli %add3A_127, %mul3A_128 : i32
      %dma_start3A_130 = arith.constant 1 : i32
      %dma_start3A_131 = tpu.memref_slice %arg4[%dma_start3A_130, %mul3A_129] : memref<2x10112xi32, #tpu.memory_space<vmem>> -> memref<1x128xi32, #tpu.memory_space<vmem>>
      %dma_start3A_132 = tpu.memref_squeeze %dma_start3A_131 : memref<1x128xi32, #tpu.memory_space<vmem>> -> memref<128xi32, #tpu.memory_space<vmem>>
      %dma_start3A_133 = arith.constant 0 : i32
      %dma_start3A_134 = tpu.memref_slice %arg7[%dma_start3A_133] : memref<10240xf32, #tpu.memory_space<vmem_shared>> -> memref<10240xf32, #tpu.memory_space<vmem_shared>>
      tpu.enqueue_indirect_dma source(%arg5 : memref<128xf32, #tpu.memory_space<vmem>>) target(%dma_start3A_134 : memref<10240xf32, #tpu.memory_space<vmem_shared>>) offsets(%dma_start3A_132 : memref<128xi32, #tpu.memory_space<vmem>>) semaphore(%arg8 : memref<!tpu.dma_semaphore, #tpu.memory_space<semaphore_mem>>) {add = true}
      %mul3A_135 = arith.constant 26 : i32
      %mul3A_136 = arith.muli %scan3A_80, %mul3A_135 : i32
      %add3A_137 = arith.constant 5 : i32
      %add3A_138 = arith.addi %mul3A_136, %add3A_137 : i32
      %mul3A_139 = arith.constant 128 : i32
      %mul3A_140 = arith.muli %add3A_138, %mul3A_139 : i32
      %dma_start3A_141 = arith.constant 1 : i32
      %dma_start3A_142 = tpu.memref_slice %arg4[%dma_start3A_141, %mul3A_140] : memref<2x10112xi32, #tpu.memory_space<vmem>> -> memref<1x128xi32, #tpu.memory_space<vmem>>
      %dma_start3A_143 = tpu.memref_squeeze %dma_start3A_142 : memref<1x128xi32, #tpu.memory_space<vmem>> -> memref<128xi32, #tpu.memory_space<vmem>>
      %dma_start3A_144 = arith.constant 0 : i32
      %dma_start3A_145 = tpu.memref_slice %arg7[%dma_start3A_144] : memref<10240xf32, #tpu.memory_space<vmem_shared>> -> memref<10240xf32, #tpu.memory_space<vmem_shared>>
      tpu.enqueue_indirect_dma source(%arg5 : memref<128xf32, #tpu.memory_space<vmem>>) target(%dma_start3A_145 : memref<10240xf32, #tpu.memory_space<vmem_shared>>) offsets(%dma_start3A_143 : memref<128xi32, #tpu.memory_space<vmem>>) semaphore(%arg8 : memref<!tpu.dma_semaphore, #tpu.memory_space<semaphore_mem>>) {add = true}
      %mul3A_146 = arith.constant 26 : i32
      %mul3A_147 = arith.muli %scan3A_80, %mul3A_146 : i32
      %add3A_148 = arith.constant 6 : i32
      %add3A_149 = arith.addi %mul3A_147, %add3A_148 : i32
      %mul3A_150 = arith.constant 128 : i32
      %mul3A_151 = arith.muli %add3A_149, %mul3A_150 : i32
      %dma_start3A_152 = arith.constant 1 : i32
      %dma_start3A_153 = tpu.memref_slice %arg4[%dma_start3A_152, %mul3A_151] : memref<2x10112xi32, #tpu.memory_space<vmem>> -> memref<1x128xi32, #tpu.memory_space<vmem>>
      %dma_start3A_154 = tpu.memref_squeeze %dma_start3A_153 : memref<1x128xi32, #tpu.memory_space<vmem>> -> memref<128xi32, #tpu.memory_space<vmem>>
      %dma_start3A_155 = arith.constant 0 : i32
      %dma_start3A_156 = tpu.memref_slice %arg7[%dma_start3A_155] : memref<10240xf32, #tpu.memory_space<vmem_shared>> -> memref<10240xf32, #tpu.memory_space<vmem_shared>>
      tpu.enqueue_indirect_dma source(%arg5 : memref<128xf32, #tpu.memory_space<vmem>>) target(%dma_start3A_156 : memref<10240xf32, #tpu.memory_space<vmem_shared>>) offsets(%dma_start3A_154 : memref<128xi32, #tpu.memory_space<vmem>>) semaphore(%arg8 : memref<!tpu.dma_semaphore, #tpu.memory_space<semaphore_mem>>) {add = true}
      %mul3A_157 = arith.constant 26 : i32
      %mul3A_158 = arith.muli %scan3A_80, %mul3A_157 : i32
      %add3A_159 = arith.constant 7 : i32
      %add3A_160 = arith.addi %mul3A_158, %add3A_159 : i32
      %mul3A_161 = arith.constant 128 : i32
      %mul3A_162 = arith.muli %add3A_160, %mul3A_161 : i32
      %dma_start3A_163 = arith.constant 1 : i32
      %dma_start3A_164 = tpu.memref_slice %arg4[%dma_start3A_163, %mul3A_162] : memref<2x10112xi32, #tpu.memory_space<vmem>> -> memref<1x128xi32, #tpu.memory_space<vmem>>
      %dma_start3A_165 = tpu.memref_squeeze %dma_start3A_164 : memref<1x128xi32, #tpu.memory_space<vmem>> -> memref<128xi32, #tpu.memory_space<vmem>>
      %dma_start3A_166 = arith.constant 0 : i32
      %dma_start3A_167 = tpu.memref_slice %arg7[%dma_start3A_166] : memref<10240xf32, #tpu.memory_space<vmem_shared>> -> memref<10240xf32, #tpu.memory_space<vmem_shared>>
      tpu.enqueue_indirect_dma source(%arg5 : memref<128xf32, #tpu.memory_space<vmem>>) target(%dma_start3A_167 : memref<10240xf32, #tpu.memory_space<vmem_shared>>) offsets(%dma_start3A_165 : memref<128xi32, #tpu.memory_space<vmem>>) semaphore(%arg8 : memref<!tpu.dma_semaphore, #tpu.memory_space<semaphore_mem>>) {add = true}
      %mul3A_168 = arith.constant 26 : i32
      %mul3A_169 = arith.muli %scan3A_80, %mul3A_168 : i32
      %add3A_170 = arith.constant 8 : i32
      %add3A_171 = arith.addi %mul3A_169, %add3A_170 : i32
      %mul3A_172 = arith.constant 128 : i32
      %mul3A_173 = arith.muli %add3A_171, %mul3A_172 : i32
      %dma_start3A_174 = arith.constant 1 : i32
      %dma_start3A_175 = tpu.memref_slice %arg4[%dma_start3A_174, %mul3A_173] : memref<2x10112xi32, #tpu.memory_space<vmem>> -> memref<1x128xi32, #tpu.memory_space<vmem>>
      %dma_start3A_176 = tpu.memref_squeeze %dma_start3A_175 : memref<1x128xi32, #tpu.memory_space<vmem>> -> memref<128xi32, #tpu.memory_space<vmem>>
      %dma_start3A_177 = arith.constant 0 : i32
      %dma_start3A_178 = tpu.memref_slice %arg7[%dma_start3A_177] : memref<10240xf32, #tpu.memory_space<vmem_shared>> -> memref<10240xf32, #tpu.memory_space<vmem_shared>>
      tpu.enqueue_indirect_dma source(%arg5 : memref<128xf32, #tpu.memory_space<vmem>>) target(%dma_start3A_178 : memref<10240xf32, #tpu.memory_space<vmem_shared>>) offsets(%dma_start3A_176 : memref<128xi32, #tpu.memory_space<vmem>>) semaphore(%arg8 : memref<!tpu.dma_semaphore, #tpu.memory_space<semaphore_mem>>) {add = true}
      %mul3A_179 = arith.constant 26 : i32
      %mul3A_180 = arith.muli %scan3A_80, %mul3A_179 : i32
      %add3A_181 = arith.constant 9 : i32
      %add3A_182 = arith.addi %mul3A_180, %add3A_181 : i32
      %mul3A_183 = arith.constant 128 : i32
      %mul3A_184 = arith.muli %add3A_182, %mul3A_183 : i32
      %dma_start3A_185 = arith.constant 1 : i32
      %dma_start3A_186 = tpu.memref_slice %arg4[%dma_start3A_185, %mul3A_184] : memref<2x10112xi32, #tpu.memory_space<vmem>> -> memref<1x128xi32, #tpu.memory_space<vmem>>
      %dma_start3A_187 = tpu.memref_squeeze %dma_start3A_186 : memref<1x128xi32, #tpu.memory_space<vmem>> -> memref<128xi32, #tpu.memory_space<vmem>>
      %dma_start3A_188 = arith.constant 0 : i32
      %dma_start3A_189 = tpu.memref_slice %arg7[%dma_start3A_188] : memref<10240xf32, #tpu.memory_space<vmem_shared>> -> memref<10240xf32, #tpu.memory_space<vmem_shared>>
      tpu.enqueue_indirect_dma source(%arg5 : memref<128xf32, #tpu.memory_space<vmem>>) target(%dma_start3A_189 : memref<10240xf32, #tpu.memory_space<vmem_shared>>) offsets(%dma_start3A_187 : memref<128xi32, #tpu.memory_space<vmem>>) semaphore(%arg8 : memref<!tpu.dma_semaphore, #tpu.memory_space<semaphore_mem>>) {add = true}
      %mul3A_190 = arith.constant 26 : i32
      %mul3A_191 = arith.muli %scan3A_80, %mul3A_190 : i32
      %add3A_192 = arith.constant 10 : i32
      %add3A_193 = arith.addi %mul3A_191, %add3A_192 : i32
      %mul3A_194 = arith.constant 128 : i32
      %mul3A_195 = arith.muli %add3A_193, %mul3A_194 : i32
      %dma_start3A_196 = arith.constant 1 : i32
      %dma_start3A_197 = tpu.memref_slice %arg4[%dma_start3A_196, %mul3A_195] : memref<2x10112xi32, #tpu.memory_space<vmem>> -> memref<1x128xi32, #tpu.memory_space<vmem>>
      %dma_start3A_198 = tpu.memref_squeeze %dma_start3A_197 : memref<1x128xi32, #tpu.memory_space<vmem>> -> memref<128xi32, #tpu.memory_space<vmem>>
      %dma_start3A_199 = arith.constant 0 : i32
      %dma_start3A_200 = tpu.memref_slice %arg7[%dma_start3A_199] : memref<10240xf32, #tpu.memory_space<vmem_shared>> -> memref<10240xf32, #tpu.memory_space<vmem_shared>>
      tpu.enqueue_indirect_dma source(%arg5 : memref<128xf32, #tpu.memory_space<vmem>>) target(%dma_start3A_200 : memref<10240xf32, #tpu.memory_space<vmem_shared>>) offsets(%dma_start3A_198 : memref<128xi32, #tpu.memory_space<vmem>>) semaphore(%arg8 : memref<!tpu.dma_semaphore, #tpu.memory_space<semaphore_mem>>) {add = true}
      %mul3A_201 = arith.constant 26 : i32
      %mul3A_202 = arith.muli %scan3A_80, %mul3A_201 : i32
      %add3A_203 = arith.constant 11 : i32
      %add3A_204 = arith.addi %mul3A_202, %add3A_203 : i32
      %mul3A_205 = arith.constant 128 : i32
      %mul3A_206 = arith.muli %add3A_204, %mul3A_205 : i32
      %dma_start3A_207 = arith.constant 1 : i32
      %dma_start3A_208 = tpu.memref_slice %arg4[%dma_start3A_207, %mul3A_206] : memref<2x10112xi32, #tpu.memory_space<vmem>> -> memref<1x128xi32, #tpu.memory_space<vmem>>
      %dma_start3A_209 = tpu.memref_squeeze %dma_start3A_208 : memref<1x128xi32, #tpu.memory_space<vmem>> -> memref<128xi32, #tpu.memory_space<vmem>>
      %dma_start3A_210 = arith.constant 0 : i32
      %dma_start3A_211 = tpu.memref_slice %arg7[%dma_start3A_210] : memref<10240xf32, #tpu.memory_space<vmem_shared>> -> memref<10240xf32, #tpu.memory_space<vmem_shared>>
      tpu.enqueue_indirect_dma source(%arg5 : memref<128xf32, #tpu.memory_space<vmem>>) target(%dma_start3A_211 : memref<10240xf32, #tpu.memory_space<vmem_shared>>) offsets(%dma_start3A_209 : memref<128xi32, #tpu.memory_space<vmem>>) semaphore(%arg8 : memref<!tpu.dma_semaphore, #tpu.memory_space<semaphore_mem>>) {add = true}
      %mul3A_212 = arith.constant 26 : i32
      %mul3A_213 = arith.muli %scan3A_80, %mul3A_212 : i32
      %add3A_214 = arith.constant 12 : i32
      %add3A_215 = arith.addi %mul3A_213, %add3A_214 : i32
      %mul3A_216 = arith.constant 128 : i32
      %mul3A_217 = arith.muli %add3A_215, %mul3A_216 : i32
      %dma_start3A_218 = arith.constant 1 : i32
      %dma_start3A_219 = tpu.memref_slice %arg4[%dma_start3A_218, %mul3A_217] : memref<2x10112xi32, #tpu.memory_space<vmem>> -> memref<1x128xi32, #tpu.memory_space<vmem>>
      %dma_start3A_220 = tpu.memref_squeeze %dma_start3A_219 : memref<1x128xi32, #tpu.memory_space<vmem>> -> memref<128xi32, #tpu.memory_space<vmem>>
      %dma_start3A_221 = arith.constant 0 : i32
      %dma_start3A_222 = tpu.memref_slice %arg7[%dma_start3A_221] : memref<10240xf32, #tpu.memory_space<vmem_shared>> -> memref<10240xf32, #tpu.memory_space<vmem_shared>>
      tpu.enqueue_indirect_dma source(%arg5 : memref<128xf32, #tpu.memory_space<vmem>>) target(%dma_start3A_222 : memref<10240xf32, #tpu.memory_space<vmem_shared>>) offsets(%dma_start3A_220 : memref<128xi32, #tpu.memory_space<vmem>>) semaphore(%arg8 : memref<!tpu.dma_semaphore, #tpu.memory_space<semaphore_mem>>) {add = true}
      %mul3A_223 = arith.constant 26 : i32
      %mul3A_224 = arith.muli %scan3A_80, %mul3A_223 : i32
      %add3A_225 = arith.constant 13 : i32
      %add3A_226 = arith.addi %mul3A_224, %add3A_225 : i32
      %mul3A_227 = arith.constant 128 : i32
      %mul3A_228 = arith.muli %add3A_226, %mul3A_227 : i32
      %dma_start3A_229 = arith.constant 1 : i32
      %dma_start3A_230 = tpu.memref_slice %arg4[%dma_start3A_229, %mul3A_228] : memref<2x10112xi32, #tpu.memory_space<vmem>> -> memref<1x128xi32, #tpu.memory_space<vmem>>
      %dma_start3A_231 = tpu.memref_squeeze %dma_start3A_230 : memref<1x128xi32, #tpu.memory_space<vmem>> -> memref<128xi32, #tpu.memory_space<vmem>>
      %dma_start3A_232 = arith.constant 0 : i32
      %dma_start3A_233 = tpu.memref_slice %arg7[%dma_start3A_232] : memref<10240xf32, #tpu.memory_space<vmem_shared>> -> memref<10240xf32, #tpu.memory_space<vmem_shared>>
      tpu.enqueue_indirect_dma source(%arg5 : memref<128xf32, #tpu.memory_space<vmem>>) target(%dma_start3A_233 : memref<10240xf32, #tpu.memory_space<vmem_shared>>) offsets(%dma_start3A_231 : memref<128xi32, #tpu.memory_space<vmem>>) semaphore(%arg8 : memref<!tpu.dma_semaphore, #tpu.memory_space<semaphore_mem>>) {add = true}
      %mul3A_234 = arith.constant 26 : i32
      %mul3A_235 = arith.muli %scan3A_80, %mul3A_234 : i32
      %add3A_236 = arith.constant 14 : i32
      %add3A_237 = arith.addi %mul3A_235, %add3A_236 : i32
      %mul3A_238 = arith.constant 128 : i32
      %mul3A_239 = arith.muli %add3A_237, %mul3A_238 : i32
      %dma_start3A_240 = arith.constant 1 : i32
      %dma_start3A_241 = tpu.memref_slice %arg4[%dma_start3A_240, %mul3A_239] : memref<2x10112xi32, #tpu.memory_space<vmem>> -> memref<1x128xi32, #tpu.memory_space<vmem>>
      %dma_start3A_242 = tpu.memref_squeeze %dma_start3A_241 : memref<1x128xi32, #tpu.memory_space<vmem>> -> memref<128xi32, #tpu.memory_space<vmem>>
      %dma_start3A_243 = arith.constant 0 : i32
      %dma_start3A_244 = tpu.memref_slice %arg7[%dma_start3A_243] : memref<10240xf32, #tpu.memory_space<vmem_shared>> -> memref<10240xf32, #tpu.memory_space<vmem_shared>>
      tpu.enqueue_indirect_dma source(%arg5 : memref<128xf32, #tpu.memory_space<vmem>>) target(%dma_start3A_244 : memref<10240xf32, #tpu.memory_space<vmem_shared>>) offsets(%dma_start3A_242 : memref<128xi32, #tpu.memory_space<vmem>>) semaphore(%arg8 : memref<!tpu.dma_semaphore, #tpu.memory_space<semaphore_mem>>) {add = true}
      %mul3A_245 = arith.constant 26 : i32
      %mul3A_246 = arith.muli %scan3A_80, %mul3A_245 : i32
      %add3A_247 = arith.constant 15 : i32
      %add3A_248 = arith.addi %mul3A_246, %add3A_247 : i32
      %mul3A_249 = arith.constant 128 : i32
      %mul3A_250 = arith.muli %add3A_248, %mul3A_249 : i32
      %dma_start3A_251 = arith.constant 1 : i32
      %dma_start3A_252 = tpu.memref_slice %arg4[%dma_start3A_251, %mul3A_250] : memref<2x10112xi32, #tpu.memory_space<vmem>> -> memref<1x128xi32, #tpu.memory_space<vmem>>
      %dma_start3A_253 = tpu.memref_squeeze %dma_start3A_252 : memref<1x128xi32, #tpu.memory_space<vmem>> -> memref<128xi32, #tpu.memory_space<vmem>>
      %dma_start3A_254 = arith.constant 0 : i32
      %dma_start3A_255 = tpu.memref_slice %arg7[%dma_start3A_254] : memref<10240xf32, #tpu.memory_space<vmem_shared>> -> memref<10240xf32, #tpu.memory_space<vmem_shared>>
      tpu.enqueue_indirect_dma source(%arg5 : memref<128xf32, #tpu.memory_space<vmem>>) target(%dma_start3A_255 : memref<10240xf32, #tpu.memory_space<vmem_shared>>) offsets(%dma_start3A_253 : memref<128xi32, #tpu.memory_space<vmem>>) semaphore(%arg8 : memref<!tpu.dma_semaphore, #tpu.memory_space<semaphore_mem>>) {add = true}
      %mul3A_256 = arith.constant 26 : i32
      %mul3A_257 = arith.muli %scan3A_80, %mul3A_256 : i32
      %add3A_258 = arith.constant 16 : i32
      %add3A_259 = arith.addi %mul3A_257, %add3A_258 : i32
      %mul3A_260 = arith.constant 128 : i32
      %mul3A_261 = arith.muli %add3A_259, %mul3A_260 : i32
      %dma_start3A_262 = arith.constant 1 : i32
      %dma_start3A_263 = tpu.memref_slice %arg4[%dma_start3A_262, %mul3A_261] : memref<2x10112xi32, #tpu.memory_space<vmem>> -> memref<1x128xi32, #tpu.memory_space<vmem>>
      %dma_start3A_264 = tpu.memref_squeeze %dma_start3A_263 : memref<1x128xi32, #tpu.memory_space<vmem>> -> memref<128xi32, #tpu.memory_space<vmem>>
      %dma_start3A_265 = arith.constant 0 : i32
      %dma_start3A_266 = tpu.memref_slice %arg7[%dma_start3A_265] : memref<10240xf32, #tpu.memory_space<vmem_shared>> -> memref<10240xf32, #tpu.memory_space<vmem_shared>>
      tpu.enqueue_indirect_dma source(%arg5 : memref<128xf32, #tpu.memory_space<vmem>>) target(%dma_start3A_266 : memref<10240xf32, #tpu.memory_space<vmem_shared>>) offsets(%dma_start3A_264 : memref<128xi32, #tpu.memory_space<vmem>>) semaphore(%arg8 : memref<!tpu.dma_semaphore, #tpu.memory_space<semaphore_mem>>) {add = true}
      %mul3A_267 = arith.constant 26 : i32
      %mul3A_268 = arith.muli %scan3A_80, %mul3A_267 : i32
      %add3A_269 = arith.constant 17 : i32
      %add3A_270 = arith.addi %mul3A_268, %add3A_269 : i32
      %mul3A_271 = arith.constant 128 : i32
      %mul3A_272 = arith.muli %add3A_270, %mul3A_271 : i32
      %dma_start3A_273 = arith.constant 1 : i32
      %dma_start3A_274 = tpu.memref_slice %arg4[%dma_start3A_273, %mul3A_272] : memref<2x10112xi32, #tpu.memory_space<vmem>> -> memref<1x128xi32, #tpu.memory_space<vmem>>
      %dma_start3A_275 = tpu.memref_squeeze %dma_start3A_274 : memref<1x128xi32, #tpu.memory_space<vmem>> -> memref<128xi32, #tpu.memory_space<vmem>>
      %dma_start3A_276 = arith.constant 0 : i32
      %dma_start3A_277 = tpu.memref_slice %arg7[%dma_start3A_276] : memref<10240xf32, #tpu.memory_space<vmem_shared>> -> memref<10240xf32, #tpu.memory_space<vmem_shared>>
      tpu.enqueue_indirect_dma source(%arg5 : memref<128xf32, #tpu.memory_space<vmem>>) target(%dma_start3A_277 : memref<10240xf32, #tpu.memory_space<vmem_shared>>) offsets(%dma_start3A_275 : memref<128xi32, #tpu.memory_space<vmem>>) semaphore(%arg8 : memref<!tpu.dma_semaphore, #tpu.memory_space<semaphore_mem>>) {add = true}
      %mul3A_278 = arith.constant 26 : i32
      %mul3A_279 = arith.muli %scan3A_80, %mul3A_278 : i32
      %add3A_280 = arith.constant 18 : i32
      %add3A_281 = arith.addi %mul3A_279, %add3A_280 : i32
      %mul3A_282 = arith.constant 128 : i32
      %mul3A_283 = arith.muli %add3A_281, %mul3A_282 : i32
      %dma_start3A_284 = arith.constant 1 : i32
      %dma_start3A_285 = tpu.memref_slice %arg4[%dma_start3A_284, %mul3A_283] : memref<2x10112xi32, #tpu.memory_space<vmem>> -> memref<1x128xi32, #tpu.memory_space<vmem>>
      %dma_start3A_286 = tpu.memref_squeeze %dma_start3A_285 : memref<1x128xi32, #tpu.memory_space<vmem>> -> memref<128xi32, #tpu.memory_space<vmem>>
      %dma_start3A_287 = arith.constant 0 : i32
      %dma_start3A_288 = tpu.memref_slice %arg7[%dma_start3A_287] : memref<10240xf32, #tpu.memory_space<vmem_shared>> -> memref<10240xf32, #tpu.memory_space<vmem_shared>>
      tpu.enqueue_indirect_dma source(%arg5 : memref<128xf32, #tpu.memory_space<vmem>>) target(%dma_start3A_288 : memref<10240xf32, #tpu.memory_space<vmem_shared>>) offsets(%dma_start3A_286 : memref<128xi32, #tpu.memory_space<vmem>>) semaphore(%arg8 : memref<!tpu.dma_semaphore, #tpu.memory_space<semaphore_mem>>) {add = true}
      %mul3A_289 = arith.constant 26 : i32
      %mul3A_290 = arith.muli %scan3A_80, %mul3A_289 : i32
      %add3A_291 = arith.constant 19 : i32
      %add3A_292 = arith.addi %mul3A_290, %add3A_291 : i32
      %mul3A_293 = arith.constant 128 : i32
      %mul3A_294 = arith.muli %add3A_292, %mul3A_293 : i32
      %dma_start3A_295 = arith.constant 1 : i32
      %dma_start3A_296 = tpu.memref_slice %arg4[%dma_start3A_295, %mul3A_294] : memref<2x10112xi32, #tpu.memory_space<vmem>> -> memref<1x128xi32, #tpu.memory_space<vmem>>
      %dma_start3A_297 = tpu.memref_squeeze %dma_start3A_296 : memref<1x128xi32, #tpu.memory_space<vmem>> -> memref<128xi32, #tpu.memory_space<vmem>>
      %dma_start3A_298 = arith.constant 0 : i32
      %dma_start3A_299 = tpu.memref_slice %arg7[%dma_start3A_298] : memref<10240xf32, #tpu.memory_space<vmem_shared>> -> memref<10240xf32, #tpu.memory_space<vmem_shared>>
      tpu.enqueue_indirect_dma source(%arg5 : memref<128xf32, #tpu.memory_space<vmem>>) target(%dma_start3A_299 : memref<10240xf32, #tpu.memory_space<vmem_shared>>) offsets(%dma_start3A_297 : memref<128xi32, #tpu.memory_space<vmem>>) semaphore(%arg8 : memref<!tpu.dma_semaphore, #tpu.memory_space<semaphore_mem>>) {add = true}
      %mul3A_300 = arith.constant 26 : i32
      %mul3A_301 = arith.muli %scan3A_80, %mul3A_300 : i32
      %add3A_302 = arith.constant 20 : i32
      %add3A_303 = arith.addi %mul3A_301, %add3A_302 : i32
      %mul3A_304 = arith.constant 128 : i32
      %mul3A_305 = arith.muli %add3A_303, %mul3A_304 : i32
      %dma_start3A_306 = arith.constant 1 : i32
      %dma_start3A_307 = tpu.memref_slice %arg4[%dma_start3A_306, %mul3A_305] : memref<2x10112xi32, #tpu.memory_space<vmem>> -> memref<1x128xi32, #tpu.memory_space<vmem>>
      %dma_start3A_308 = tpu.memref_squeeze %dma_start3A_307 : memref<1x128xi32, #tpu.memory_space<vmem>> -> memref<128xi32, #tpu.memory_space<vmem>>
      %dma_start3A_309 = arith.constant 0 : i32
      %dma_start3A_310 = tpu.memref_slice %arg7[%dma_start3A_309] : memref<10240xf32, #tpu.memory_space<vmem_shared>> -> memref<10240xf32, #tpu.memory_space<vmem_shared>>
      tpu.enqueue_indirect_dma source(%arg5 : memref<128xf32, #tpu.memory_space<vmem>>) target(%dma_start3A_310 : memref<10240xf32, #tpu.memory_space<vmem_shared>>) offsets(%dma_start3A_308 : memref<128xi32, #tpu.memory_space<vmem>>) semaphore(%arg8 : memref<!tpu.dma_semaphore, #tpu.memory_space<semaphore_mem>>) {add = true}
      %mul3A_311 = arith.constant 26 : i32
      %mul3A_312 = arith.muli %scan3A_80, %mul3A_311 : i32
      %add3A_313 = arith.constant 21 : i32
      %add3A_314 = arith.addi %mul3A_312, %add3A_313 : i32
      %mul3A_315 = arith.constant 128 : i32
      %mul3A_316 = arith.muli %add3A_314, %mul3A_315 : i32
      %dma_start3A_317 = arith.constant 1 : i32
      %dma_start3A_318 = tpu.memref_slice %arg4[%dma_start3A_317, %mul3A_316] : memref<2x10112xi32, #tpu.memory_space<vmem>> -> memref<1x128xi32, #tpu.memory_space<vmem>>
      %dma_start3A_319 = tpu.memref_squeeze %dma_start3A_318 : memref<1x128xi32, #tpu.memory_space<vmem>> -> memref<128xi32, #tpu.memory_space<vmem>>
      %dma_start3A_320 = arith.constant 0 : i32
      %dma_start3A_321 = tpu.memref_slice %arg7[%dma_start3A_320] : memref<10240xf32, #tpu.memory_space<vmem_shared>> -> memref<10240xf32, #tpu.memory_space<vmem_shared>>
      tpu.enqueue_indirect_dma source(%arg5 : memref<128xf32, #tpu.memory_space<vmem>>) target(%dma_start3A_321 : memref<10240xf32, #tpu.memory_space<vmem_shared>>) offsets(%dma_start3A_319 : memref<128xi32, #tpu.memory_space<vmem>>) semaphore(%arg8 : memref<!tpu.dma_semaphore, #tpu.memory_space<semaphore_mem>>) {add = true}
      %mul3A_322 = arith.constant 26 : i32
      %mul3A_323 = arith.muli %scan3A_80, %mul3A_322 : i32
      %add3A_324 = arith.constant 22 : i32
      %add3A_325 = arith.addi %mul3A_323, %add3A_324 : i32
      %mul3A_326 = arith.constant 128 : i32
      %mul3A_327 = arith.muli %add3A_325, %mul3A_326 : i32
      %dma_start3A_328 = arith.constant 1 : i32
      %dma_start3A_329 = tpu.memref_slice %arg4[%dma_start3A_328, %mul3A_327] : memref<2x10112xi32, #tpu.memory_space<vmem>> -> memref<1x128xi32, #tpu.memory_space<vmem>>
      %dma_start3A_330 = tpu.memref_squeeze %dma_start3A_329 : memref<1x128xi32, #tpu.memory_space<vmem>> -> memref<128xi32, #tpu.memory_space<vmem>>
      %dma_start3A_331 = arith.constant 0 : i32
      %dma_start3A_332 = tpu.memref_slice %arg7[%dma_start3A_331] : memref<10240xf32, #tpu.memory_space<vmem_shared>> -> memref<10240xf32, #tpu.memory_space<vmem_shared>>
      tpu.enqueue_indirect_dma source(%arg5 : memref<128xf32, #tpu.memory_space<vmem>>) target(%dma_start3A_332 : memref<10240xf32, #tpu.memory_space<vmem_shared>>) offsets(%dma_start3A_330 : memref<128xi32, #tpu.memory_space<vmem>>) semaphore(%arg8 : memref<!tpu.dma_semaphore, #tpu.memory_space<semaphore_mem>>) {add = true}
      %mul3A_333 = arith.constant 26 : i32
      %mul3A_334 = arith.muli %scan3A_80, %mul3A_333 : i32
      %add3A_335 = arith.constant 23 : i32
      %add3A_336 = arith.addi %mul3A_334, %add3A_335 : i32
      %mul3A_337 = arith.constant 128 : i32
      %mul3A_338 = arith.muli %add3A_336, %mul3A_337 : i32
      %dma_start3A_339 = arith.constant 1 : i32
      %dma_start3A_340 = tpu.memref_slice %arg4[%dma_start3A_339, %mul3A_338] : memref<2x10112xi32, #tpu.memory_space<vmem>> -> memref<1x128xi32, #tpu.memory_space<vmem>>
      %dma_start3A_341 = tpu.memref_squeeze %dma_start3A_340 : memref<1x128xi32, #tpu.memory_space<vmem>> -> memref<128xi32, #tpu.memory_space<vmem>>
      %dma_start3A_342 = arith.constant 0 : i32
      %dma_start3A_343 = tpu.memref_slice %arg7[%dma_start3A_342] : memref<10240xf32, #tpu.memory_space<vmem_shared>> -> memref<10240xf32, #tpu.memory_space<vmem_shared>>
      tpu.enqueue_indirect_dma source(%arg5 : memref<128xf32, #tpu.memory_space<vmem>>) target(%dma_start3A_343 : memref<10240xf32, #tpu.memory_space<vmem_shared>>) offsets(%dma_start3A_341 : memref<128xi32, #tpu.memory_space<vmem>>) semaphore(%arg8 : memref<!tpu.dma_semaphore, #tpu.memory_space<semaphore_mem>>) {add = true}
      %mul3A_344 = arith.constant 26 : i32
      %mul3A_345 = arith.muli %scan3A_80, %mul3A_344 : i32
      %add3A_346 = arith.constant 24 : i32
      %add3A_347 = arith.addi %mul3A_345, %add3A_346 : i32
      %mul3A_348 = arith.constant 128 : i32
      %mul3A_349 = arith.muli %add3A_347, %mul3A_348 : i32
      %dma_start3A_350 = arith.constant 1 : i32
      %dma_start3A_351 = tpu.memref_slice %arg4[%dma_start3A_350, %mul3A_349] : memref<2x10112xi32, #tpu.memory_space<vmem>> -> memref<1x128xi32, #tpu.memory_space<vmem>>
      %dma_start3A_352 = tpu.memref_squeeze %dma_start3A_351 : memref<1x128xi32, #tpu.memory_space<vmem>> -> memref<128xi32, #tpu.memory_space<vmem>>
      %dma_start3A_353 = arith.constant 0 : i32
      %dma_start3A_354 = tpu.memref_slice %arg7[%dma_start3A_353] : memref<10240xf32, #tpu.memory_space<vmem_shared>> -> memref<10240xf32, #tpu.memory_space<vmem_shared>>
      tpu.enqueue_indirect_dma source(%arg5 : memref<128xf32, #tpu.memory_space<vmem>>) target(%dma_start3A_354 : memref<10240xf32, #tpu.memory_space<vmem_shared>>) offsets(%dma_start3A_352 : memref<128xi32, #tpu.memory_space<vmem>>) semaphore(%arg8 : memref<!tpu.dma_semaphore, #tpu.memory_space<semaphore_mem>>) {add = true}
      %mul3A_355 = arith.constant 26 : i32
      %mul3A_356 = arith.muli %scan3A_80, %mul3A_355 : i32
      %add3A_357 = arith.constant 25 : i32
      %add3A_358 = arith.addi %mul3A_356, %add3A_357 : i32
      %mul3A_359 = arith.constant 128 : i32
      %mul3A_360 = arith.muli %add3A_358, %mul3A_359 : i32
      %dma_start3A_361 = arith.constant 1 : i32
      %dma_start3A_362 = tpu.memref_slice %arg4[%dma_start3A_361, %mul3A_360] : memref<2x10112xi32, #tpu.memory_space<vmem>> -> memref<1x128xi32, #tpu.memory_space<vmem>>
      %dma_start3A_363 = tpu.memref_squeeze %dma_start3A_362 : memref<1x128xi32, #tpu.memory_space<vmem>> -> memref<128xi32, #tpu.memory_space<vmem>>
      %dma_start3A_364 = arith.constant 0 : i32
      %dma_start3A_365 = tpu.memref_slice %arg7[%dma_start3A_364] : memref<10240xf32, #tpu.memory_space<vmem_shared>> -> memref<10240xf32, #tpu.memory_space<vmem_shared>>
      tpu.enqueue_indirect_dma source(%arg5 : memref<128xf32, #tpu.memory_space<vmem>>) target(%dma_start3A_365 : memref<10240xf32, #tpu.memory_space<vmem_shared>>) offsets(%dma_start3A_363 : memref<128xi32, #tpu.memory_space<vmem>>) semaphore(%arg8 : memref<!tpu.dma_semaphore, #tpu.memory_space<semaphore_mem>>) {add = true}
      %mul3A_366 = arith.constant 26 : i32
      %mul3A_367 = arith.muli %scan3A_80, %mul3A_366 : i32
      %add3A_368 = arith.constant 0 : i32
      %add3A_369 = arith.addi %mul3A_367, %add3A_368 : i32
      %mul3A_370 = arith.constant 128 : i32
      %mul3A_371 = arith.muli %add3A_369, %mul3A_370 : i32
      %dma_wait3A = arith.constant 1 : i32
      %dma_wait3A_372 = tpu.memref_slice %arg4[%dma_wait3A, %mul3A_371] : memref<2x10112xi32, #tpu.memory_space<vmem>> -> memref<1x128xi32, #tpu.memory_space<vmem>>
      %dma_wait3A_373 = tpu.memref_squeeze %dma_wait3A_372 : memref<1x128xi32, #tpu.memory_space<vmem>> -> memref<128xi32, #tpu.memory_space<vmem>>
      %dma_wait3A_374 = arith.constant 0 : i32
      %dma_wait3A_375 = tpu.memref_slice %arg7[%dma_wait3A_374] : memref<10240xf32, #tpu.memory_space<vmem_shared>> -> memref<10240xf32, #tpu.memory_space<vmem_shared>>
      tpu.wait_indirect_dma semaphore(%arg8 : memref<!tpu.dma_semaphore, #tpu.memory_space<semaphore_mem>>) src(%arg5 : memref<128xf32, #tpu.memory_space<vmem>>) dst(%dma_wait3A_375 : memref<10240xf32, #tpu.memory_space<vmem_shared>>)
      %mul3A_376 = arith.constant 26 : i32
      %mul3A_377 = arith.muli %scan3A_80, %mul3A_376 : i32
      %add3A_378 = arith.constant 1 : i32
      %add3A_379 = arith.addi %mul3A_377, %add3A_378 : i32
      %mul3A_380 = arith.constant 128 : i32
      %mul3A_381 = arith.muli %add3A_379, %mul3A_380 : i32
      %dma_wait3A_382 = arith.constant 1 : i32
      %dma_wait3A_383 = tpu.memref_slice %arg4[%dma_wait3A_382, %mul3A_381] : memref<2x10112xi32, #tpu.memory_space<vmem>> -> memref<1x128xi32, #tpu.memory_space<vmem>>
      %dma_wait3A_384 = tpu.memref_squeeze %dma_wait3A_383 : memref<1x128xi32, #tpu.memory_space<vmem>> -> memref<128xi32, #tpu.memory_space<vmem>>
      %dma_wait3A_385 = arith.constant 0 : i32
      %dma_wait3A_386 = tpu.memref_slice %arg7[%dma_wait3A_385] : memref<10240xf32, #tpu.memory_space<vmem_shared>> -> memref<10240xf32, #tpu.memory_space<vmem_shared>>
      tpu.wait_indirect_dma semaphore(%arg8 : memref<!tpu.dma_semaphore, #tpu.memory_space<semaphore_mem>>) src(%arg5 : memref<128xf32, #tpu.memory_space<vmem>>) dst(%dma_wait3A_386 : memref<10240xf32, #tpu.memory_space<vmem_shared>>)
      %mul3A_387 = arith.constant 26 : i32
      %mul3A_388 = arith.muli %scan3A_80, %mul3A_387 : i32
      %add3A_389 = arith.constant 2 : i32
      %add3A_390 = arith.addi %mul3A_388, %add3A_389 : i32
      %mul3A_391 = arith.constant 128 : i32
      %mul3A_392 = arith.muli %add3A_390, %mul3A_391 : i32
      %dma_wait3A_393 = arith.constant 1 : i32
      %dma_wait3A_394 = tpu.memref_slice %arg4[%dma_wait3A_393, %mul3A_392] : memref<2x10112xi32, #tpu.memory_space<vmem>> -> memref<1x128xi32, #tpu.memory_space<vmem>>
      %dma_wait3A_395 = tpu.memref_squeeze %dma_wait3A_394 : memref<1x128xi32, #tpu.memory_space<vmem>> -> memref<128xi32, #tpu.memory_space<vmem>>
      %dma_wait3A_396 = arith.constant 0 : i32
      %dma_wait3A_397 = tpu.memref_slice %arg7[%dma_wait3A_396] : memref<10240xf32, #tpu.memory_space<vmem_shared>> -> memref<10240xf32, #tpu.memory_space<vmem_shared>>
      tpu.wait_indirect_dma semaphore(%arg8 : memref<!tpu.dma_semaphore, #tpu.memory_space<semaphore_mem>>) src(%arg5 : memref<128xf32, #tpu.memory_space<vmem>>) dst(%dma_wait3A_397 : memref<10240xf32, #tpu.memory_space<vmem_shared>>)
      %mul3A_398 = arith.constant 26 : i32
      %mul3A_399 = arith.muli %scan3A_80, %mul3A_398 : i32
      %add3A_400 = arith.constant 3 : i32
      %add3A_401 = arith.addi %mul3A_399, %add3A_400 : i32
      %mul3A_402 = arith.constant 128 : i32
      %mul3A_403 = arith.muli %add3A_401, %mul3A_402 : i32
      %dma_wait3A_404 = arith.constant 1 : i32
      %dma_wait3A_405 = tpu.memref_slice %arg4[%dma_wait3A_404, %mul3A_403] : memref<2x10112xi32, #tpu.memory_space<vmem>> -> memref<1x128xi32, #tpu.memory_space<vmem>>
      %dma_wait3A_406 = tpu.memref_squeeze %dma_wait3A_405 : memref<1x128xi32, #tpu.memory_space<vmem>> -> memref<128xi32, #tpu.memory_space<vmem>>
      %dma_wait3A_407 = arith.constant 0 : i32
      %dma_wait3A_408 = tpu.memref_slice %arg7[%dma_wait3A_407] : memref<10240xf32, #tpu.memory_space<vmem_shared>> -> memref<10240xf32, #tpu.memory_space<vmem_shared>>
      tpu.wait_indirect_dma semaphore(%arg8 : memref<!tpu.dma_semaphore, #tpu.memory_space<semaphore_mem>>) src(%arg5 : memref<128xf32, #tpu.memory_space<vmem>>) dst(%dma_wait3A_408 : memref<10240xf32, #tpu.memory_space<vmem_shared>>)
      %mul3A_409 = arith.constant 26 : i32
      %mul3A_410 = arith.muli %scan3A_80, %mul3A_409 : i32
      %add3A_411 = arith.constant 4 : i32
      %add3A_412 = arith.addi %mul3A_410, %add3A_411 : i32
      %mul3A_413 = arith.constant 128 : i32
      %mul3A_414 = arith.muli %add3A_412, %mul3A_413 : i32
      %dma_wait3A_415 = arith.constant 1 : i32
      %dma_wait3A_416 = tpu.memref_slice %arg4[%dma_wait3A_415, %mul3A_414] : memref<2x10112xi32, #tpu.memory_space<vmem>> -> memref<1x128xi32, #tpu.memory_space<vmem>>
      %dma_wait3A_417 = tpu.memref_squeeze %dma_wait3A_416 : memref<1x128xi32, #tpu.memory_space<vmem>> -> memref<128xi32, #tpu.memory_space<vmem>>
      %dma_wait3A_418 = arith.constant 0 : i32
      %dma_wait3A_419 = tpu.memref_slice %arg7[%dma_wait3A_418] : memref<10240xf32, #tpu.memory_space<vmem_shared>> -> memref<10240xf32, #tpu.memory_space<vmem_shared>>
      tpu.wait_indirect_dma semaphore(%arg8 : memref<!tpu.dma_semaphore, #tpu.memory_space<semaphore_mem>>) src(%arg5 : memref<128xf32, #tpu.memory_space<vmem>>) dst(%dma_wait3A_419 : memref<10240xf32, #tpu.memory_space<vmem_shared>>)
      %mul3A_420 = arith.constant 26 : i32
      %mul3A_421 = arith.muli %scan3A_80, %mul3A_420 : i32
      %add3A_422 = arith.constant 5 : i32
      %add3A_423 = arith.addi %mul3A_421, %add3A_422 : i32
      %mul3A_424 = arith.constant 128 : i32
      %mul3A_425 = arith.muli %add3A_423, %mul3A_424 : i32
      %dma_wait3A_426 = arith.constant 1 : i32
      %dma_wait3A_427 = tpu.memref_slice %arg4[%dma_wait3A_426, %mul3A_425] : memref<2x10112xi32, #tpu.memory_space<vmem>> -> memref<1x128xi32, #tpu.memory_space<vmem>>
      %dma_wait3A_428 = tpu.memref_squeeze %dma_wait3A_427 : memref<1x128xi32, #tpu.memory_space<vmem>> -> memref<128xi32, #tpu.memory_space<vmem>>
      %dma_wait3A_429 = arith.constant 0 : i32
      %dma_wait3A_430 = tpu.memref_slice %arg7[%dma_wait3A_429] : memref<10240xf32, #tpu.memory_space<vmem_shared>> -> memref<10240xf32, #tpu.memory_space<vmem_shared>>
      tpu.wait_indirect_dma semaphore(%arg8 : memref<!tpu.dma_semaphore, #tpu.memory_space<semaphore_mem>>) src(%arg5 : memref<128xf32, #tpu.memory_space<vmem>>) dst(%dma_wait3A_430 : memref<10240xf32, #tpu.memory_space<vmem_shared>>)
      %mul3A_431 = arith.constant 26 : i32
      %mul3A_432 = arith.muli %scan3A_80, %mul3A_431 : i32
      %add3A_433 = arith.constant 6 : i32
      %add3A_434 = arith.addi %mul3A_432, %add3A_433 : i32
      %mul3A_435 = arith.constant 128 : i32
      %mul3A_436 = arith.muli %add3A_434, %mul3A_435 : i32
      %dma_wait3A_437 = arith.constant 1 : i32
      %dma_wait3A_438 = tpu.memref_slice %arg4[%dma_wait3A_437, %mul3A_436] : memref<2x10112xi32, #tpu.memory_space<vmem>> -> memref<1x128xi32, #tpu.memory_space<vmem>>
      %dma_wait3A_439 = tpu.memref_squeeze %dma_wait3A_438 : memref<1x128xi32, #tpu.memory_space<vmem>> -> memref<128xi32, #tpu.memory_space<vmem>>
      %dma_wait3A_440 = arith.constant 0 : i32
      %dma_wait3A_441 = tpu.memref_slice %arg7[%dma_wait3A_440] : memref<10240xf32, #tpu.memory_space<vmem_shared>> -> memref<10240xf32, #tpu.memory_space<vmem_shared>>
      tpu.wait_indirect_dma semaphore(%arg8 : memref<!tpu.dma_semaphore, #tpu.memory_space<semaphore_mem>>) src(%arg5 : memref<128xf32, #tpu.memory_space<vmem>>) dst(%dma_wait3A_441 : memref<10240xf32, #tpu.memory_space<vmem_shared>>)
      %mul3A_442 = arith.constant 26 : i32
      %mul3A_443 = arith.muli %scan3A_80, %mul3A_442 : i32
      %add3A_444 = arith.constant 7 : i32
      %add3A_445 = arith.addi %mul3A_443, %add3A_444 : i32
      %mul3A_446 = arith.constant 128 : i32
      %mul3A_447 = arith.muli %add3A_445, %mul3A_446 : i32
      %dma_wait3A_448 = arith.constant 1 : i32
      %dma_wait3A_449 = tpu.memref_slice %arg4[%dma_wait3A_448, %mul3A_447] : memref<2x10112xi32, #tpu.memory_space<vmem>> -> memref<1x128xi32, #tpu.memory_space<vmem>>
      %dma_wait3A_450 = tpu.memref_squeeze %dma_wait3A_449 : memref<1x128xi32, #tpu.memory_space<vmem>> -> memref<128xi32, #tpu.memory_space<vmem>>
      %dma_wait3A_451 = arith.constant 0 : i32
      %dma_wait3A_452 = tpu.memref_slice %arg7[%dma_wait3A_451] : memref<10240xf32, #tpu.memory_space<vmem_shared>> -> memref<10240xf32, #tpu.memory_space<vmem_shared>>
      tpu.wait_indirect_dma semaphore(%arg8 : memref<!tpu.dma_semaphore, #tpu.memory_space<semaphore_mem>>) src(%arg5 : memref<128xf32, #tpu.memory_space<vmem>>) dst(%dma_wait3A_452 : memref<10240xf32, #tpu.memory_space<vmem_shared>>)
      %mul3A_453 = arith.constant 26 : i32
      %mul3A_454 = arith.muli %scan3A_80, %mul3A_453 : i32
      %add3A_455 = arith.constant 8 : i32
      %add3A_456 = arith.addi %mul3A_454, %add3A_455 : i32
      %mul3A_457 = arith.constant 128 : i32
      %mul3A_458 = arith.muli %add3A_456, %mul3A_457 : i32
      %dma_wait3A_459 = arith.constant 1 : i32
      %dma_wait3A_460 = tpu.memref_slice %arg4[%dma_wait3A_459, %mul3A_458] : memref<2x10112xi32, #tpu.memory_space<vmem>> -> memref<1x128xi32, #tpu.memory_space<vmem>>
      %dma_wait3A_461 = tpu.memref_squeeze %dma_wait3A_460 : memref<1x128xi32, #tpu.memory_space<vmem>> -> memref<128xi32, #tpu.memory_space<vmem>>
      %dma_wait3A_462 = arith.constant 0 : i32
      %dma_wait3A_463 = tpu.memref_slice %arg7[%dma_wait3A_462] : memref<10240xf32, #tpu.memory_space<vmem_shared>> -> memref<10240xf32, #tpu.memory_space<vmem_shared>>
      tpu.wait_indirect_dma semaphore(%arg8 : memref<!tpu.dma_semaphore, #tpu.memory_space<semaphore_mem>>) src(%arg5 : memref<128xf32, #tpu.memory_space<vmem>>) dst(%dma_wait3A_463 : memref<10240xf32, #tpu.memory_space<vmem_shared>>)
      %mul3A_464 = arith.constant 26 : i32
      %mul3A_465 = arith.muli %scan3A_80, %mul3A_464 : i32
      %add3A_466 = arith.constant 9 : i32
      %add3A_467 = arith.addi %mul3A_465, %add3A_466 : i32
      %mul3A_468 = arith.constant 128 : i32
      %mul3A_469 = arith.muli %add3A_467, %mul3A_468 : i32
      %dma_wait3A_470 = arith.constant 1 : i32
      %dma_wait3A_471 = tpu.memref_slice %arg4[%dma_wait3A_470, %mul3A_469] : memref<2x10112xi32, #tpu.memory_space<vmem>> -> memref<1x128xi32, #tpu.memory_space<vmem>>
      %dma_wait3A_472 = tpu.memref_squeeze %dma_wait3A_471 : memref<1x128xi32, #tpu.memory_space<vmem>> -> memref<128xi32, #tpu.memory_space<vmem>>
      %dma_wait3A_473 = arith.constant 0 : i32
      %dma_wait3A_474 = tpu.memref_slice %arg7[%dma_wait3A_473] : memref<10240xf32, #tpu.memory_space<vmem_shared>> -> memref<10240xf32, #tpu.memory_space<vmem_shared>>
      tpu.wait_indirect_dma semaphore(%arg8 : memref<!tpu.dma_semaphore, #tpu.memory_space<semaphore_mem>>) src(%arg5 : memref<128xf32, #tpu.memory_space<vmem>>) dst(%dma_wait3A_474 : memref<10240xf32, #tpu.memory_space<vmem_shared>>)
      %mul3A_475 = arith.constant 26 : i32
      %mul3A_476 = arith.muli %scan3A_80, %mul3A_475 : i32
      %add3A_477 = arith.constant 10 : i32
      %add3A_478 = arith.addi %mul3A_476, %add3A_477 : i32
      %mul3A_479 = arith.constant 128 : i32
      %mul3A_480 = arith.muli %add3A_478, %mul3A_479 : i32
      %dma_wait3A_481 = arith.constant 1 : i32
      %dma_wait3A_482 = tpu.memref_slice %arg4[%dma_wait3A_481, %mul3A_480] : memref<2x10112xi32, #tpu.memory_space<vmem>> -> memref<1x128xi32, #tpu.memory_space<vmem>>
      %dma_wait3A_483 = tpu.memref_squeeze %dma_wait3A_482 : memref<1x128xi32, #tpu.memory_space<vmem>> -> memref<128xi32, #tpu.memory_space<vmem>>
      %dma_wait3A_484 = arith.constant 0 : i32
      %dma_wait3A_485 = tpu.memref_slice %arg7[%dma_wait3A_484] : memref<10240xf32, #tpu.memory_space<vmem_shared>> -> memref<10240xf32, #tpu.memory_space<vmem_shared>>
      tpu.wait_indirect_dma semaphore(%arg8 : memref<!tpu.dma_semaphore, #tpu.memory_space<semaphore_mem>>) src(%arg5 : memref<128xf32, #tpu.memory_space<vmem>>) dst(%dma_wait3A_485 : memref<10240xf32, #tpu.memory_space<vmem_shared>>)
      %mul3A_486 = arith.constant 26 : i32
      %mul3A_487 = arith.muli %scan3A_80, %mul3A_486 : i32
      %add3A_488 = arith.constant 11 : i32
      %add3A_489 = arith.addi %mul3A_487, %add3A_488 : i32
      %mul3A_490 = arith.constant 128 : i32
      %mul3A_491 = arith.muli %add3A_489, %mul3A_490 : i32
      %dma_wait3A_492 = arith.constant 1 : i32
      %dma_wait3A_493 = tpu.memref_slice %arg4[%dma_wait3A_492, %mul3A_491] : memref<2x10112xi32, #tpu.memory_space<vmem>> -> memref<1x128xi32, #tpu.memory_space<vmem>>
      %dma_wait3A_494 = tpu.memref_squeeze %dma_wait3A_493 : memref<1x128xi32, #tpu.memory_space<vmem>> -> memref<128xi32, #tpu.memory_space<vmem>>
      %dma_wait3A_495 = arith.constant 0 : i32
      %dma_wait3A_496 = tpu.memref_slice %arg7[%dma_wait3A_495] : memref<10240xf32, #tpu.memory_space<vmem_shared>> -> memref<10240xf32, #tpu.memory_space<vmem_shared>>
      tpu.wait_indirect_dma semaphore(%arg8 : memref<!tpu.dma_semaphore, #tpu.memory_space<semaphore_mem>>) src(%arg5 : memref<128xf32, #tpu.memory_space<vmem>>) dst(%dma_wait3A_496 : memref<10240xf32, #tpu.memory_space<vmem_shared>>)
      %mul3A_497 = arith.constant 26 : i32
      %mul3A_498 = arith.muli %scan3A_80, %mul3A_497 : i32
      %add3A_499 = arith.constant 12 : i32
      %add3A_500 = arith.addi %mul3A_498, %add3A_499 : i32
      %mul3A_501 = arith.constant 128 : i32
      %mul3A_502 = arith.muli %add3A_500, %mul3A_501 : i32
      %dma_wait3A_503 = arith.constant 1 : i32
      %dma_wait3A_504 = tpu.memref_slice %arg4[%dma_wait3A_503, %mul3A_502] : memref<2x10112xi32, #tpu.memory_space<vmem>> -> memref<1x128xi32, #tpu.memory_space<vmem>>
      %dma_wait3A_505 = tpu.memref_squeeze %dma_wait3A_504 : memref<1x128xi32, #tpu.memory_space<vmem>> -> memref<128xi32, #tpu.memory_space<vmem>>
      %dma_wait3A_506 = arith.constant 0 : i32
      %dma_wait3A_507 = tpu.memref_slice %arg7[%dma_wait3A_506] : memref<10240xf32, #tpu.memory_space<vmem_shared>> -> memref<10240xf32, #tpu.memory_space<vmem_shared>>
      tpu.wait_indirect_dma semaphore(%arg8 : memref<!tpu.dma_semaphore, #tpu.memory_space<semaphore_mem>>) src(%arg5 : memref<128xf32, #tpu.memory_space<vmem>>) dst(%dma_wait3A_507 : memref<10240xf32, #tpu.memory_space<vmem_shared>>)
      %mul3A_508 = arith.constant 26 : i32
      %mul3A_509 = arith.muli %scan3A_80, %mul3A_508 : i32
      %add3A_510 = arith.constant 13 : i32
      %add3A_511 = arith.addi %mul3A_509, %add3A_510 : i32
      %mul3A_512 = arith.constant 128 : i32
      %mul3A_513 = arith.muli %add3A_511, %mul3A_512 : i32
      %dma_wait3A_514 = arith.constant 1 : i32
      %dma_wait3A_515 = tpu.memref_slice %arg4[%dma_wait3A_514, %mul3A_513] : memref<2x10112xi32, #tpu.memory_space<vmem>> -> memref<1x128xi32, #tpu.memory_space<vmem>>
      %dma_wait3A_516 = tpu.memref_squeeze %dma_wait3A_515 : memref<1x128xi32, #tpu.memory_space<vmem>> -> memref<128xi32, #tpu.memory_space<vmem>>
      %dma_wait3A_517 = arith.constant 0 : i32
      %dma_wait3A_518 = tpu.memref_slice %arg7[%dma_wait3A_517] : memref<10240xf32, #tpu.memory_space<vmem_shared>> -> memref<10240xf32, #tpu.memory_space<vmem_shared>>
      tpu.wait_indirect_dma semaphore(%arg8 : memref<!tpu.dma_semaphore, #tpu.memory_space<semaphore_mem>>) src(%arg5 : memref<128xf32, #tpu.memory_space<vmem>>) dst(%dma_wait3A_518 : memref<10240xf32, #tpu.memory_space<vmem_shared>>)
      %mul3A_519 = arith.constant 26 : i32
      %mul3A_520 = arith.muli %scan3A_80, %mul3A_519 : i32
      %add3A_521 = arith.constant 14 : i32
      %add3A_522 = arith.addi %mul3A_520, %add3A_521 : i32
      %mul3A_523 = arith.constant 128 : i32
      %mul3A_524 = arith.muli %add3A_522, %mul3A_523 : i32
      %dma_wait3A_525 = arith.constant 1 : i32
      %dma_wait3A_526 = tpu.memref_slice %arg4[%dma_wait3A_525, %mul3A_524] : memref<2x10112xi32, #tpu.memory_space<vmem>> -> memref<1x128xi32, #tpu.memory_space<vmem>>
      %dma_wait3A_527 = tpu.memref_squeeze %dma_wait3A_526 : memref<1x128xi32, #tpu.memory_space<vmem>> -> memref<128xi32, #tpu.memory_space<vmem>>
      %dma_wait3A_528 = arith.constant 0 : i32
      %dma_wait3A_529 = tpu.memref_slice %arg7[%dma_wait3A_528] : memref<10240xf32, #tpu.memory_space<vmem_shared>> -> memref<10240xf32, #tpu.memory_space<vmem_shared>>
      tpu.wait_indirect_dma semaphore(%arg8 : memref<!tpu.dma_semaphore, #tpu.memory_space<semaphore_mem>>) src(%arg5 : memref<128xf32, #tpu.memory_space<vmem>>) dst(%dma_wait3A_529 : memref<10240xf32, #tpu.memory_space<vmem_shared>>)
      %mul3A_530 = arith.constant 26 : i32
      %mul3A_531 = arith.muli %scan3A_80, %mul3A_530 : i32
      %add3A_532 = arith.constant 15 : i32
      %add3A_533 = arith.addi %mul3A_531, %add3A_532 : i32
      %mul3A_534 = arith.constant 128 : i32
      %mul3A_535 = arith.muli %add3A_533, %mul3A_534 : i32
      %dma_wait3A_536 = arith.constant 1 : i32
      %dma_wait3A_537 = tpu.memref_slice %arg4[%dma_wait3A_536, %mul3A_535] : memref<2x10112xi32, #tpu.memory_space<vmem>> -> memref<1x128xi32, #tpu.memory_space<vmem>>
      %dma_wait3A_538 = tpu.memref_squeeze %dma_wait3A_537 : memref<1x128xi32, #tpu.memory_space<vmem>> -> memref<128xi32, #tpu.memory_space<vmem>>
      %dma_wait3A_539 = arith.constant 0 : i32
      %dma_wait3A_540 = tpu.memref_slice %arg7[%dma_wait3A_539] : memref<10240xf32, #tpu.memory_space<vmem_shared>> -> memref<10240xf32, #tpu.memory_space<vmem_shared>>
      tpu.wait_indirect_dma semaphore(%arg8 : memref<!tpu.dma_semaphore, #tpu.memory_space<semaphore_mem>>) src(%arg5 : memref<128xf32, #tpu.memory_space<vmem>>) dst(%dma_wait3A_540 : memref<10240xf32, #tpu.memory_space<vmem_shared>>)
      %mul3A_541 = arith.constant 26 : i32
      %mul3A_542 = arith.muli %scan3A_80, %mul3A_541 : i32
      %add3A_543 = arith.constant 16 : i32
      %add3A_544 = arith.addi %mul3A_542, %add3A_543 : i32
      %mul3A_545 = arith.constant 128 : i32
      %mul3A_546 = arith.muli %add3A_544, %mul3A_545 : i32
      %dma_wait3A_547 = arith.constant 1 : i32
      %dma_wait3A_548 = tpu.memref_slice %arg4[%dma_wait3A_547, %mul3A_546] : memref<2x10112xi32, #tpu.memory_space<vmem>> -> memref<1x128xi32, #tpu.memory_space<vmem>>
      %dma_wait3A_549 = tpu.memref_squeeze %dma_wait3A_548 : memref<1x128xi32, #tpu.memory_space<vmem>> -> memref<128xi32, #tpu.memory_space<vmem>>
      %dma_wait3A_550 = arith.constant 0 : i32
      %dma_wait3A_551 = tpu.memref_slice %arg7[%dma_wait3A_550] : memref<10240xf32, #tpu.memory_space<vmem_shared>> -> memref<10240xf32, #tpu.memory_space<vmem_shared>>
      tpu.wait_indirect_dma semaphore(%arg8 : memref<!tpu.dma_semaphore, #tpu.memory_space<semaphore_mem>>) src(%arg5 : memref<128xf32, #tpu.memory_space<vmem>>) dst(%dma_wait3A_551 : memref<10240xf32, #tpu.memory_space<vmem_shared>>)
      %mul3A_552 = arith.constant 26 : i32
      %mul3A_553 = arith.muli %scan3A_80, %mul3A_552 : i32
      %add3A_554 = arith.constant 17 : i32
      %add3A_555 = arith.addi %mul3A_553, %add3A_554 : i32
      %mul3A_556 = arith.constant 128 : i32
      %mul3A_557 = arith.muli %add3A_555, %mul3A_556 : i32
      %dma_wait3A_558 = arith.constant 1 : i32
      %dma_wait3A_559 = tpu.memref_slice %arg4[%dma_wait3A_558, %mul3A_557] : memref<2x10112xi32, #tpu.memory_space<vmem>> -> memref<1x128xi32, #tpu.memory_space<vmem>>
      %dma_wait3A_560 = tpu.memref_squeeze %dma_wait3A_559 : memref<1x128xi32, #tpu.memory_space<vmem>> -> memref<128xi32, #tpu.memory_space<vmem>>
      %dma_wait3A_561 = arith.constant 0 : i32
      %dma_wait3A_562 = tpu.memref_slice %arg7[%dma_wait3A_561] : memref<10240xf32, #tpu.memory_space<vmem_shared>> -> memref<10240xf32, #tpu.memory_space<vmem_shared>>
      tpu.wait_indirect_dma semaphore(%arg8 : memref<!tpu.dma_semaphore, #tpu.memory_space<semaphore_mem>>) src(%arg5 : memref<128xf32, #tpu.memory_space<vmem>>) dst(%dma_wait3A_562 : memref<10240xf32, #tpu.memory_space<vmem_shared>>)
      %mul3A_563 = arith.constant 26 : i32
      %mul3A_564 = arith.muli %scan3A_80, %mul3A_563 : i32
      %add3A_565 = arith.constant 18 : i32
      %add3A_566 = arith.addi %mul3A_564, %add3A_565 : i32
      %mul3A_567 = arith.constant 128 : i32
      %mul3A_568 = arith.muli %add3A_566, %mul3A_567 : i32
      %dma_wait3A_569 = arith.constant 1 : i32
      %dma_wait3A_570 = tpu.memref_slice %arg4[%dma_wait3A_569, %mul3A_568] : memref<2x10112xi32, #tpu.memory_space<vmem>> -> memref<1x128xi32, #tpu.memory_space<vmem>>
      %dma_wait3A_571 = tpu.memref_squeeze %dma_wait3A_570 : memref<1x128xi32, #tpu.memory_space<vmem>> -> memref<128xi32, #tpu.memory_space<vmem>>
      %dma_wait3A_572 = arith.constant 0 : i32
      %dma_wait3A_573 = tpu.memref_slice %arg7[%dma_wait3A_572] : memref<10240xf32, #tpu.memory_space<vmem_shared>> -> memref<10240xf32, #tpu.memory_space<vmem_shared>>
      tpu.wait_indirect_dma semaphore(%arg8 : memref<!tpu.dma_semaphore, #tpu.memory_space<semaphore_mem>>) src(%arg5 : memref<128xf32, #tpu.memory_space<vmem>>) dst(%dma_wait3A_573 : memref<10240xf32, #tpu.memory_space<vmem_shared>>)
      %mul3A_574 = arith.constant 26 : i32
      %mul3A_575 = arith.muli %scan3A_80, %mul3A_574 : i32
      %add3A_576 = arith.constant 19 : i32
      %add3A_577 = arith.addi %mul3A_575, %add3A_576 : i32
      %mul3A_578 = arith.constant 128 : i32
      %mul3A_579 = arith.muli %add3A_577, %mul3A_578 : i32
      %dma_wait3A_580 = arith.constant 1 : i32
      %dma_wait3A_581 = tpu.memref_slice %arg4[%dma_wait3A_580, %mul3A_579] : memref<2x10112xi32, #tpu.memory_space<vmem>> -> memref<1x128xi32, #tpu.memory_space<vmem>>
      %dma_wait3A_582 = tpu.memref_squeeze %dma_wait3A_581 : memref<1x128xi32, #tpu.memory_space<vmem>> -> memref<128xi32, #tpu.memory_space<vmem>>
      %dma_wait3A_583 = arith.constant 0 : i32
      %dma_wait3A_584 = tpu.memref_slice %arg7[%dma_wait3A_583] : memref<10240xf32, #tpu.memory_space<vmem_shared>> -> memref<10240xf32, #tpu.memory_space<vmem_shared>>
      tpu.wait_indirect_dma semaphore(%arg8 : memref<!tpu.dma_semaphore, #tpu.memory_space<semaphore_mem>>) src(%arg5 : memref<128xf32, #tpu.memory_space<vmem>>) dst(%dma_wait3A_584 : memref<10240xf32, #tpu.memory_space<vmem_shared>>)
      %mul3A_585 = arith.constant 26 : i32
      %mul3A_586 = arith.muli %scan3A_80, %mul3A_585 : i32
      %add3A_587 = arith.constant 20 : i32
      %add3A_588 = arith.addi %mul3A_586, %add3A_587 : i32
      %mul3A_589 = arith.constant 128 : i32
      %mul3A_590 = arith.muli %add3A_588, %mul3A_589 : i32
      %dma_wait3A_591 = arith.constant 1 : i32
      %dma_wait3A_592 = tpu.memref_slice %arg4[%dma_wait3A_591, %mul3A_590] : memref<2x10112xi32, #tpu.memory_space<vmem>> -> memref<1x128xi32, #tpu.memory_space<vmem>>
      %dma_wait3A_593 = tpu.memref_squeeze %dma_wait3A_592 : memref<1x128xi32, #tpu.memory_space<vmem>> -> memref<128xi32, #tpu.memory_space<vmem>>
      %dma_wait3A_594 = arith.constant 0 : i32
      %dma_wait3A_595 = tpu.memref_slice %arg7[%dma_wait3A_594] : memref<10240xf32, #tpu.memory_space<vmem_shared>> -> memref<10240xf32, #tpu.memory_space<vmem_shared>>
      tpu.wait_indirect_dma semaphore(%arg8 : memref<!tpu.dma_semaphore, #tpu.memory_space<semaphore_mem>>) src(%arg5 : memref<128xf32, #tpu.memory_space<vmem>>) dst(%dma_wait3A_595 : memref<10240xf32, #tpu.memory_space<vmem_shared>>)
      %mul3A_596 = arith.constant 26 : i32
      %mul3A_597 = arith.muli %scan3A_80, %mul3A_596 : i32
      %add3A_598 = arith.constant 21 : i32
      %add3A_599 = arith.addi %mul3A_597, %add3A_598 : i32
      %mul3A_600 = arith.constant 128 : i32
      %mul3A_601 = arith.muli %add3A_599, %mul3A_600 : i32
      %dma_wait3A_602 = arith.constant 1 : i32
      %dma_wait3A_603 = tpu.memref_slice %arg4[%dma_wait3A_602, %mul3A_601] : memref<2x10112xi32, #tpu.memory_space<vmem>> -> memref<1x128xi32, #tpu.memory_space<vmem>>
      %dma_wait3A_604 = tpu.memref_squeeze %dma_wait3A_603 : memref<1x128xi32, #tpu.memory_space<vmem>> -> memref<128xi32, #tpu.memory_space<vmem>>
      %dma_wait3A_605 = arith.constant 0 : i32
      %dma_wait3A_606 = tpu.memref_slice %arg7[%dma_wait3A_605] : memref<10240xf32, #tpu.memory_space<vmem_shared>> -> memref<10240xf32, #tpu.memory_space<vmem_shared>>
      tpu.wait_indirect_dma semaphore(%arg8 : memref<!tpu.dma_semaphore, #tpu.memory_space<semaphore_mem>>) src(%arg5 : memref<128xf32, #tpu.memory_space<vmem>>) dst(%dma_wait3A_606 : memref<10240xf32, #tpu.memory_space<vmem_shared>>)
      %mul3A_607 = arith.constant 26 : i32
      %mul3A_608 = arith.muli %scan3A_80, %mul3A_607 : i32
      %add3A_609 = arith.constant 22 : i32
      %add3A_610 = arith.addi %mul3A_608, %add3A_609 : i32
      %mul3A_611 = arith.constant 128 : i32
      %mul3A_612 = arith.muli %add3A_610, %mul3A_611 : i32
      %dma_wait3A_613 = arith.constant 1 : i32
      %dma_wait3A_614 = tpu.memref_slice %arg4[%dma_wait3A_613, %mul3A_612] : memref<2x10112xi32, #tpu.memory_space<vmem>> -> memref<1x128xi32, #tpu.memory_space<vmem>>
      %dma_wait3A_615 = tpu.memref_squeeze %dma_wait3A_614 : memref<1x128xi32, #tpu.memory_space<vmem>> -> memref<128xi32, #tpu.memory_space<vmem>>
      %dma_wait3A_616 = arith.constant 0 : i32
      %dma_wait3A_617 = tpu.memref_slice %arg7[%dma_wait3A_616] : memref<10240xf32, #tpu.memory_space<vmem_shared>> -> memref<10240xf32, #tpu.memory_space<vmem_shared>>
      tpu.wait_indirect_dma semaphore(%arg8 : memref<!tpu.dma_semaphore, #tpu.memory_space<semaphore_mem>>) src(%arg5 : memref<128xf32, #tpu.memory_space<vmem>>) dst(%dma_wait3A_617 : memref<10240xf32, #tpu.memory_space<vmem_shared>>)
      %mul3A_618 = arith.constant 26 : i32
      %mul3A_619 = arith.muli %scan3A_80, %mul3A_618 : i32
      %add3A_620 = arith.constant 23 : i32
      %add3A_621 = arith.addi %mul3A_619, %add3A_620 : i32
      %mul3A_622 = arith.constant 128 : i32
      %mul3A_623 = arith.muli %add3A_621, %mul3A_622 : i32
      %dma_wait3A_624 = arith.constant 1 : i32
      %dma_wait3A_625 = tpu.memref_slice %arg4[%dma_wait3A_624, %mul3A_623] : memref<2x10112xi32, #tpu.memory_space<vmem>> -> memref<1x128xi32, #tpu.memory_space<vmem>>
      %dma_wait3A_626 = tpu.memref_squeeze %dma_wait3A_625 : memref<1x128xi32, #tpu.memory_space<vmem>> -> memref<128xi32, #tpu.memory_space<vmem>>
      %dma_wait3A_627 = arith.constant 0 : i32
      %dma_wait3A_628 = tpu.memref_slice %arg7[%dma_wait3A_627] : memref<10240xf32, #tpu.memory_space<vmem_shared>> -> memref<10240xf32, #tpu.memory_space<vmem_shared>>
      tpu.wait_indirect_dma semaphore(%arg8 : memref<!tpu.dma_semaphore, #tpu.memory_space<semaphore_mem>>) src(%arg5 : memref<128xf32, #tpu.memory_space<vmem>>) dst(%dma_wait3A_628 : memref<10240xf32, #tpu.memory_space<vmem_shared>>)
      %mul3A_629 = arith.constant 26 : i32
      %mul3A_630 = arith.muli %scan3A_80, %mul3A_629 : i32
      %add3A_631 = arith.constant 24 : i32
      %add3A_632 = arith.addi %mul3A_630, %add3A_631 : i32
      %mul3A_633 = arith.constant 128 : i32
      %mul3A_634 = arith.muli %add3A_632, %mul3A_633 : i32
      %dma_wait3A_635 = arith.constant 1 : i32
      %dma_wait3A_636 = tpu.memref_slice %arg4[%dma_wait3A_635, %mul3A_634] : memref<2x10112xi32, #tpu.memory_space<vmem>> -> memref<1x128xi32, #tpu.memory_space<vmem>>
      %dma_wait3A_637 = tpu.memref_squeeze %dma_wait3A_636 : memref<1x128xi32, #tpu.memory_space<vmem>> -> memref<128xi32, #tpu.memory_space<vmem>>
      %dma_wait3A_638 = arith.constant 0 : i32
      %dma_wait3A_639 = tpu.memref_slice %arg7[%dma_wait3A_638] : memref<10240xf32, #tpu.memory_space<vmem_shared>> -> memref<10240xf32, #tpu.memory_space<vmem_shared>>
      tpu.wait_indirect_dma semaphore(%arg8 : memref<!tpu.dma_semaphore, #tpu.memory_space<semaphore_mem>>) src(%arg5 : memref<128xf32, #tpu.memory_space<vmem>>) dst(%dma_wait3A_639 : memref<10240xf32, #tpu.memory_space<vmem_shared>>)
      %mul3A_640 = arith.constant 26 : i32
      %mul3A_641 = arith.muli %scan3A_80, %mul3A_640 : i32
      %add3A_642 = arith.constant 25 : i32
      %add3A_643 = arith.addi %mul3A_641, %add3A_642 : i32
      %mul3A_644 = arith.constant 128 : i32
      %mul3A_645 = arith.muli %add3A_643, %mul3A_644 : i32
      %dma_wait3A_646 = arith.constant 1 : i32
      %dma_wait3A_647 = tpu.memref_slice %arg4[%dma_wait3A_646, %mul3A_645] : memref<2x10112xi32, #tpu.memory_space<vmem>> -> memref<1x128xi32, #tpu.memory_space<vmem>>
      %dma_wait3A_648 = tpu.memref_squeeze %dma_wait3A_647 : memref<1x128xi32, #tpu.memory_space<vmem>> -> memref<128xi32, #tpu.memory_space<vmem>>
      %dma_wait3A_649 = arith.constant 0 : i32
      %dma_wait3A_650 = tpu.memref_slice %arg7[%dma_wait3A_649] : memref<10240xf32, #tpu.memory_space<vmem_shared>> -> memref<10240xf32, #tpu.memory_space<vmem_shared>>
      tpu.wait_indirect_dma semaphore(%arg8 : memref<!tpu.dma_semaphore, #tpu.memory_space<semaphore_mem>>) src(%arg5 : memref<128xf32, #tpu.memory_space<vmem>>) dst(%dma_wait3A_650 : memref<10240xf32, #tpu.memory_space<vmem_shared>>)
    }
    %scan3A_69 = arith.constant 3 : i32
    %lt3A_70 = arith.constant 4 : i32
    %lt3A_71 = arith.cmpi slt, %add3A, %lt3A_70 : i32
    %convert_element_type3A_72 = arith.extui %lt3A_71 : i1 to i32
    %cond3A_73 = arith.constant 0 : i32
    %cond3A_74 = arith.cmpi ne, %convert_element_type3A_72, %cond3A_73 : i32
    scf.if %cond3A_74 {
      %run_scoped3A = arith.constant 1 : i32
      "tpu.region"() ({
        %run_scoped3A_80 = tpu.sem_alloc : memref<!tpu.dma_semaphore, #tpu.memory_space<semaphore_mem>>
        %dma_start3A = arith.constant 9984 : i32
        %dma_start3A_81 = tpu.memref_slice %arg4[%run_scoped3A, %dma_start3A] : memref<2x10112xi32, #tpu.memory_space<vmem>> -> memref<1x128xi32, #tpu.memory_space<vmem>>
        %dma_start3A_82 = tpu.memref_squeeze %dma_start3A_81 : memref<1x128xi32, #tpu.memory_space<vmem>> -> memref<128xi32, #tpu.memory_space<vmem>>
        %dma_start3A_83 = arith.constant 0 : i32
        %dma_start3A_84 = tpu.memref_slice %arg7[%dma_start3A_83] : memref<10240xf32, #tpu.memory_space<vmem_shared>> -> memref<10240xf32, #tpu.memory_space<vmem_shared>>
        tpu.enqueue_indirect_dma source(%arg5 : memref<128xf32, #tpu.memory_space<vmem>>) target(%dma_start3A_84 : memref<10240xf32, #tpu.memory_space<vmem_shared>>) offsets(%dma_start3A_82 : memref<128xi32, #tpu.memory_space<vmem>>) semaphore(%run_scoped3A_80 : memref<!tpu.dma_semaphore, #tpu.memory_space<semaphore_mem>>) {add = true}
        %dma_wait3A = arith.constant 9984 : i32
        %dma_wait3A_85 = tpu.memref_slice %arg4[%run_scoped3A, %dma_wait3A] : memref<2x10112xi32, #tpu.memory_space<vmem>> -> memref<1x128xi32, #tpu.memory_space<vmem>>
        %dma_wait3A_86 = tpu.memref_squeeze %dma_wait3A_85 : memref<1x128xi32, #tpu.memory_space<vmem>> -> memref<128xi32, #tpu.memory_space<vmem>>
        %dma_wait3A_87 = arith.constant 0 : i32
        %dma_wait3A_88 = tpu.memref_slice %arg7[%dma_wait3A_87] : memref<10240xf32, #tpu.memory_space<vmem_shared>> -> memref<10240xf32, #tpu.memory_space<vmem_shared>>
        tpu.wait_indirect_dma semaphore(%run_scoped3A_80 : memref<!tpu.dma_semaphore, #tpu.memory_space<semaphore_mem>>) src(%arg5 : memref<128xf32, #tpu.memory_space<vmem>>) dst(%dma_wait3A_88 : memref<10240xf32, #tpu.memory_space<vmem_shared>>)
        tpu.yield
      }) : () -> ()
    } else {
    }
    %barrier3A_75 = arith.constant 0 : index
    tpu.barrier barrier_id(%barrier3A_75)
    %mul3A_76 = arith.constant 640 : i32
    %mul3A_77 = arith.muli %arg1, %mul3A_76 : i32
    %mul3A_78 = arith.constant 640 : i32
    %mul3A_79 = arith.muli %arg1, %mul3A_78 : i32
    "tpu.region"() ({
      %run_scoped3A = tpu.sem_alloc : memref<!tpu.dma_semaphore, #tpu.memory_space<semaphore_mem>>
      %dma_start3A = tpu.memref_slice %arg3[%arg0, %mul3A_79] : memref<2x10240xf32, #tpu.memory_space<hbm>> -> memref<1x640xf32, #tpu.memory_space<hbm>>
      %dma_start3A_80 = tpu.memref_squeeze %dma_start3A : memref<1x640xf32, #tpu.memory_space<hbm>> -> memref<640xf32, #tpu.memory_space<hbm>>
      %dma_start3A_81 = tpu.memref_slice %arg7[%mul3A_77] : memref<10240xf32, #tpu.memory_space<vmem_shared>> -> memref<640xf32, #tpu.memory_space<vmem_shared>>
      tpu.enqueue_dma source(%dma_start3A_81 : memref<640xf32, #tpu.memory_space<vmem_shared>>) target(%dma_start3A_80 : memref<640xf32, #tpu.memory_space<hbm>>) target_semaphore(%run_scoped3A : memref<!tpu.dma_semaphore, #tpu.memory_space<semaphore_mem>>)
      %dma_wait3A = tpu.memref_slice %arg3[%arg0, %mul3A_79] : memref<2x10240xf32, #tpu.memory_space<hbm>> -> memref<1x640xf32, #tpu.memory_space<hbm>>
      %dma_wait3A_82 = tpu.memref_squeeze %dma_wait3A : memref<1x640xf32, #tpu.memory_space<hbm>> -> memref<640xf32, #tpu.memory_space<hbm>>
      %dma_wait3A_83 = tpu.memref_slice %arg7[%mul3A_77] : memref<10240xf32, #tpu.memory_space<vmem_shared>> -> memref<640xf32, #tpu.memory_space<vmem_shared>>
      tpu.wait_dma2 semaphore(%run_scoped3A : memref<!tpu.dma_semaphore, #tpu.memory_space<semaphore_mem>>) src(%dma_wait3A_83 : memref<640xf32, #tpu.memory_space<vmem_shared>>) dst(%dma_wait3A_82 : memref<640xf32, #tpu.memory_space<hbm>>)
      tpu.yield
    }) : () -> ()
    return
  }
}

module attributes {stable_mosaic.version = 14 : i64} {
  func.func @body(%arg0: i32, %arg1: memref<2x2000x128xf32, #tpu.memory_space<vmem>>, %arg2: memref<2000x2xf32, #tpu.memory_space<vmem>>, %arg3: memref<1x128xf32, #tpu.memory_space<vmem>>, %arg4: memref<1x1xf32, #tpu.memory_space<vmem>>, %arg5: memref<2000x128xf32, #tpu.memory_space<vmem>>) attributes {dimension_semantics = [#tpu.dimension_semantics<arbitrary>], iteration_bounds = array<i64: 5>, scalar_prefetch = 0 : i64, scratch_operands = 0 : i64, tpu.core_type = #tpu.core_type<tc>, window_params = [{transform_indices = @transform_0, window_bounds = array<i64: 2, 2000, 128>}, {transform_indices = @transform_1, window_bounds = array<i64: 2000, 2>}, {pipeline_mode = #tpu.pipeline_mode<synchronous>, transform_indices = @transform_2, window_bounds = array<i64: 1, 128>}, {pipeline_mode = #tpu.pipeline_mode<synchronous>, transform_indices = @transform_3, window_bounds = array<i64: 1, 1>}, {transform_indices = @transform_4, window_bounds = array<i64: 2000, 128>}]} {
    %get3A = arith.constant 0 : index
    %get3A_0 = arith.constant 0 : index
    %get3A_1 = arith.constant 0 : index
    %get3A_2 = vector.load %arg1[%get3A, %get3A_0, %get3A_1] : memref<2x2000x128xf32, #tpu.memory_space<vmem>>, vector<1x2000x128xf32>
    %get3A_3 = vector.shape_cast %get3A_2 : vector<1x2000x128xf32> to vector<2000x128xf32>
    %get3A_4 = arith.constant 1 : index
    %get3A_5 = arith.constant 0 : index
    %get3A_6 = arith.constant 0 : index
    %get3A_7 = vector.load %arg1[%get3A_4, %get3A_5, %get3A_6] : memref<2x2000x128xf32, #tpu.memory_space<vmem>>, vector<1x2000x128xf32>
    %get3A_8 = vector.shape_cast %get3A_7 : vector<1x2000x128xf32> to vector<2000x128xf32>
    %add3A = arith.addf %get3A_3, %get3A_8 : vector<2000x128xf32>
    %get3A_9 = arith.constant 0 : index
    %get3A_10 = arith.constant 0 : index
    %get3A_11 = vector.load %arg2[%get3A_9, %get3A_10] : memref<2000x2xf32, #tpu.memory_space<vmem>>, vector<2000x2xf32>
    %slice3A = vector.extract_strided_slice %get3A_11 {offsets = [0, 0], sizes = [2000, 1], strides = [1, 1]} : vector<2000x2xf32> to vector<2000x1xf32>
    %slice3A_12 = vector.extract_strided_slice %get3A_11 {offsets = [0, 1], sizes = [2000, 1], strides = [1, 1]} : vector<2000x2xf32> to vector<2000x1xf32>
    %add3A_13 = arith.addf %slice3A, %slice3A_12 : vector<2000x1xf32>
    %gt3A = arith.constant 0.000000e+00 : f32
    %gt3A_14 = vector.broadcast %gt3A : f32 to vector<2000x1xf32>
    %gt3A_15 = arith.cmpf ogt, %add3A_13, %gt3A_14 : vector<2000x1xf32>
    %rsqrt3A = math.rsqrt %add3A_13 : vector<2000x1xf32>
    %jit3A = arith.constant 0.000000e+00 : f32
    %broadcast_in_dim3A = vector.broadcast %jit3A : f32 to vector<2000x1xf32>
    %select_n3A = arith.select %gt3A_15, %rsqrt3A, %broadcast_in_dim3A : vector<2000x1xi1>, vector<2000x1xf32>
    %mul3A = vector.broadcast %select_n3A : vector<2000x1xf32> to vector<2000x128xf32>
    %mul3A_16 = arith.mulf %add3A, %mul3A : vector<2000x128xf32>
    %get3A_17 = arith.constant 0 : index
    %get3A_18 = arith.constant 0 : index
    %get3A_19 = vector.load %arg3[%get3A_17, %get3A_18] : memref<1x128xf32, #tpu.memory_space<vmem>>, vector<1x128xf32>
    %add3A_20 = vector.broadcast %get3A_19 : vector<1x128xf32> to vector<2000x128xf32>
    %add3A_21 = arith.addf %mul3A_16, %add3A_20 : vector<2000x128xf32>
    %get3A_22 = arith.constant 0 : index
    %get3A_23 = arith.constant 0 : index
    %get3A_24 = vector.load %arg4[%get3A_22, %get3A_23] : memref<1x1xf32, #tpu.memory_space<vmem>>, vector<1x1xf32>
    %get3A_25 = vector.extract %get3A_24[0, 0] : f32 from vector<1x1xf32>
    %ge3A = arith.constant 0.000000e+00 : f32
    %ge3A_26 = vector.broadcast %ge3A : f32 to vector<2000x128xf32>
    %ge3A_27 = arith.cmpf oge, %add3A_21, %ge3A_26 : vector<2000x128xf32>
    %mul3A_28 = vector.broadcast %get3A_25 : f32 to vector<2000x128xf32>
    %mul3A_29 = arith.mulf %mul3A_28, %add3A_21 : vector<2000x128xf32>
    %select_n3A_30 = arith.select %ge3A_27, %add3A_21, %mul3A_29 : vector<2000x128xi1>, vector<2000x128xf32>
    %swap3A = arith.constant 0 : index
    %swap3A_31 = arith.constant 0 : index
    %swap3A_32 = vector.load %arg5[%swap3A, %swap3A_31] : memref<2000x128xf32, #tpu.memory_space<vmem>>, vector<2000x128xf32>
    tpu.vector_store %arg5[%swap3A, %swap3A_31], %select_n3A_30 {strides = array<i32>} : memref<2000x128xf32, #tpu.memory_space<vmem>>, vector<2000x128xf32>,
    return
  }
  func.func @transform_0(%arg0: i32) -> (i32, i32, i32) {
    %c0_i32 = arith.constant 0 : i32
    %c0_i32_0 = arith.constant 0 : i32
    %c0_i32_1 = arith.constant 0 : i32
    return %c0_i32, %arg0, %c0_i32_0 : i32, i32, i32
  }
  func.func @transform_1(%arg0: i32) -> (i32, i32) {
    %c0_i32 = arith.constant 0 : i32
    %c0_i32_0 = arith.constant 0 : i32
    return %arg0, %c0_i32 : i32, i32
  }
  func.func @transform_2(%arg0: i32) -> (i32, i32) {
    %c0_i32 = arith.constant 0 : i32
    %c0_i32_0 = arith.constant 0 : i32
    %c0_i32_1 = arith.constant 0 : i32
    return %c0_i32, %c0_i32_0 : i32, i32
  }
  func.func @transform_3(%arg0: i32) -> (i32, i32) {
    %c0_i32 = arith.constant 0 : i32
    %c0_i32_0 = arith.constant 0 : i32
    %c0_i32_1 = arith.constant 0 : i32
    return %c0_i32, %c0_i32_0 : i32, i32
  }
  func.func @transform_4(%arg0: i32) -> (i32, i32) {
    %c0_i32 = arith.constant 0 : i32
    %c0_i32_0 = arith.constant 0 : i32
    return %arg0, %c0_i32 : i32, i32
  }
}

module attributes {stable_mosaic.version = 14 : i64} {
  func.func @body(%arg0: i32, %arg1: memref<2000x128xf32, #tpu.memory_space<vmem>>, %arg2: memref<128x128xf32, #tpu.memory_space<vmem>>, %arg3: memref<2000x2xf32, #tpu.memory_space<vmem>>, %arg4: memref<2000x128xf32, #tpu.memory_space<vmem>>) attributes {dimension_semantics = [#tpu.dimension_semantics<arbitrary>], iteration_bounds = array<i64: 5>, scalar_prefetch = 0 : i64, scratch_operands = 0 : i64, tpu.core_type = #tpu.core_type<tc>, window_params = [{transform_indices = @transform_0, window_bounds = array<i64: 2000, 128>}, {pipeline_mode = #tpu.pipeline_mode<synchronous>, transform_indices = @transform_1, window_bounds = array<i64: 128, 128>}, {transform_indices = @transform_2, window_bounds = array<i64: 2000, 2>}, {transform_indices = @transform_3, window_bounds = array<i64: 2000, 128>}]} {
    %get3A = arith.constant 0 : index
    %get3A_0 = arith.constant 0 : index
    %get3A_1 = vector.load %arg3[%get3A, %get3A_0] : memref<2000x2xf32, #tpu.memory_space<vmem>>, vector<2000x2xf32>
    %slice3A = vector.extract_strided_slice %get3A_1 {offsets = [0, 0], sizes = [2000, 1], strides = [1, 1]} : vector<2000x2xf32> to vector<2000x1xf32>
    %slice3A_2 = vector.extract_strided_slice %get3A_1 {offsets = [0, 1], sizes = [2000, 1], strides = [1, 1]} : vector<2000x2xf32> to vector<2000x1xf32>
    %add3A = arith.addf %slice3A, %slice3A_2 : vector<2000x1xf32>
    %gt3A = arith.constant 0.000000e+00 : f32
    %gt3A_3 = vector.broadcast %gt3A : f32 to vector<2000x1xf32>
    %gt3A_4 = arith.cmpf ogt, %add3A, %gt3A_3 : vector<2000x1xf32>
    %rsqrt3A = math.rsqrt %add3A : vector<2000x1xf32>
    %jit3A = arith.constant 0.000000e+00 : f32
    %broadcast_in_dim3A = vector.broadcast %jit3A : f32 to vector<2000x1xf32>
    %select_n3A = arith.select %gt3A_4, %rsqrt3A, %broadcast_in_dim3A : vector<2000x1xi1>, vector<2000x1xf32>
    %get3A_5 = arith.constant 0 : index
    %get3A_6 = arith.constant 0 : index
    %get3A_7 = vector.load %arg1[%get3A_5, %get3A_6] : memref<2000x128xf32, #tpu.memory_space<vmem>>, vector<2000x128xf32>
    %mul3A = vector.broadcast %select_n3A : vector<2000x1xf32> to vector<2000x128xf32>
    %mul3A_8 = arith.mulf %get3A_7, %mul3A : vector<2000x128xf32>
    %get3A_9 = arith.constant 0 : index
    %get3A_10 = arith.constant 0 : index
    %get3A_11 = vector.load %arg2[%get3A_9, %get3A_10] : memref<128x128xf32, #tpu.memory_space<vmem>>, vector<128x128xf32>
    %dot_general3A = arith.constant dense<0.000000e+00> : vector<2000x128xf32>
    %dot_general3A_12 = tpu.matmul %mul3A_8, %get3A_11, %dot_general3A {dimension_numbers = #tpu.dot_dimension_numbers<[1], [0], [0], [1], [0, 0, 1, 1], [], []>, transpose_lhs_hint = false} : vector<2000x128xf32>, vector<128x128xf32>, vector<2000x128xf32> -> vector<2000x128xf32>
    %swap3A = arith.constant 0 : index
    %swap3A_13 = arith.constant 0 : index
    %swap3A_14 = vector.load %arg4[%swap3A, %swap3A_13] : memref<2000x128xf32, #tpu.memory_space<vmem>>, vector<2000x128xf32>
    tpu.vector_store %arg4[%swap3A, %swap3A_13], %dot_general3A_12 {strides = array<i32>} : memref<2000x128xf32, #tpu.memory_space<vmem>>, vector<2000x128xf32>,
    return
  }
  func.func @transform_0(%arg0: i32) -> (i32, i32) {
    %c0_i32 = arith.constant 0 : i32
    %c0_i32_0 = arith.constant 0 : i32
    return %arg0, %c0_i32 : i32, i32
  }
  func.func @transform_1(%arg0: i32) -> (i32, i32) {
    %c0_i32 = arith.constant 0 : i32
    %c0_i32_0 = arith.constant 0 : i32
    %c0_i32_1 = arith.constant 0 : i32
    return %c0_i32, %c0_i32_0 : i32, i32
  }
  func.func @transform_2(%arg0: i32) -> (i32, i32) {
    %c0_i32 = arith.constant 0 : i32
    %c0_i32_0 = arith.constant 0 : i32
    return %arg0, %c0_i32 : i32, i32
  }
  func.func @transform_3(%arg0: i32) -> (i32, i32) {
    %c0_i32 = arith.constant 0 : i32
    %c0_i32_0 = arith.constant 0 : i32
    return %arg0, %c0_i32 : i32, i32
  }
}

</mosaic_0001>

<sc_bundles>
// kernel: kernel.6.cloned.1.call-start
scs
__scs_entry_jumppad:
0x0: {  	(pc) =	sbr.rel $0x88, $3  }
0x1: {  	(tag) =	ssettag $0x0;
	lr =	simm.s32 $0x1  }
0x2: {  	[smem:$0x3F9C] =	sst lr;
	_ =	strace $0xD0000000  }
0x3: {  	_ = 	snop  }
0x4: {  	_ = 	snop  }
0x5: {  	_ = 	snop  }
0x6: {  	_ = 	snop  }
0x7: {  	_ = 	snop  }
__scs_overlays_trampoline_lowered:
0x8: {  	[smem:$0x3FAB] =	sst s0  }
0x9: {  	[smem:$0x3FAC] =	sst s1  }
0xa: {  	[smem:$0x3FAD] =	sst s2  }
0xb: {  	[smem:$0x3FAE] =	sst s3  }
0xc: {  	[smem:$0x3FAF] =	sst s4  }
0xd: {  	[smem:$0x3FB0] =	sst s5  }
0xe: {  	[smem:$0x3FB1] =	sst s6  }
0xf: {  	[smem:$0x3FB2] =	sst s7  }
0x10: {  	[smem:$0x3FB3] =	sst s8  }
0x11: {  	[smem:$0x3FB4] =	sst s9;
	s0 =	simm.s32 @!p0 $0x0  }
0x12: {  	s1 =	sld [smem:$0x3F9A];
	s0 =	simm.s32 @p0 $0x1  }
0x13: {  	[smem:$0x3FB5] =	sst s0;
	s0 =	simm.s32 @!p1 $0x0  }
0x14: {  	s2 =	sld [smem:$0x3F99];
	s0 =	simm.s32 @p1 $0x1  }
0x15: {  	[smem:$0x3FB6] =	sst s0;
	s0 =	simm.s32 @!p2 $0x0  }
0x16: {  	s3 =	sld [smem:$0x3FDB];
	s0 =	simm.s32 @p2 $0x1  }
0x17: {  	s4 =	simm.s32 $0x1BF5;
	[smem:$0x3FB8] =	sst s0  }
0x18: {  	s0 =	sld [smem:$0x3F9B];
	_ =	swait.ge [sflag:s4], $0x0  }
0x19: {  	s7 =	sld [smem:$0x3F9C]  }
0x1a: {  	s8 =	sadd.s32 $0xFFFFE003, lr  }
0x1b: {  	s9 =	sadd.s32 $0xFFFFFEF7, lr;
	s5 =	simm.s32 $0xFFFFFFFF;
	p2 =	slt.u32 s8, $0xFFFFF086  }
0x1c: {  	p1 =	slt.u32 s9, $0xF7A;
	s5 =	simm.s32 @!p2 $0x0  }
0x1d: {  	s5 =	simm.s32 @p1 $0x1;
	p0 =	seq.s32 s7, s2  }
0x1e: {  	s7 =	smul.u32 @!p0 $0xF7A, s2;
	p2 =	seq.s32 @!p0 s5, $0x0  }
0x1f: {  	s9 =	smul.u32 $0xF7A, s1;
	s8 =	simm.s32 @!p0 $0x1BF5;
	p2 =	por !p2, p0  }
0x20: {  	[sflag:s8] =	ssyncset.s32 @!p0 $0xFFFFF086;
	s6 =	sadd.s32 @!p0 s3, s7;
	s7 =	simm.s32 @!p0 $0x108  }
0x21: {  	s3 =	sadd.s32 s3, s9;
	s6 =	sadd.s32 @!p0 $0x88, s6;
	s7 =	simm.s32 @p2 $0x1082  }
0x22: {  	[simem:s7], [sflag:s8] =	dma.local @!p0 [hbm:s6], $0xF7A  }
0x23: {  	s9 =	sor.u32 $0xD0000000, s2;
	s6 =	simm.s32 $0x108;
	_ =	swait.ge @!p0 [sflag:s8], $0x0  }
0x24: {  	s3 =	sadd.s32 $0x88, s3;
	s6 =	simm.s32 @!p1 $0x1082;
	[sflag:s4] =	ssyncset.s32 $0xFFFFF086  }
0x25: {  	[simem:s6], [sflag:s4] =	dma.local [hbm:s3], $0xF7A  }
0x26: {  	[smem:$0x3F9C] =	sst s1;
	(tag) =	ssettag s2;
	_ =	strace s9  }
0x27: {  	s1 =	sld [smem:$0x3FAC]  }
0x28: {  	s2 =	sld [smem:$0x3FAD]  }
0x29: {  	s4 =	sld [smem:$0x3FAF]  }
0x2a: {  	p0 =	seq.s32 s5, $0x0;
	s5 =	sld [smem:$0x3FB0]  }
0x2b: {  	s6 =	sld [smem:$0x3FB1]  }
0x2c: {  	s7 =	sld [smem:$0x3FB2]  }
0x2d: {  	s3 =	simm.s32 $0x108;
	s8 =	sld [smem:$0x3FB3]  }
0x2e: {  	s3 =	simm.s32 @!p0 $0x1082;
	s9 =	sld [smem:$0x3FB4]  }
0x2f: {  	lr =	sadd.s32 s0, s3;
	s0 =	sld [smem:$0x3FAB]  }
0x30: {  	s3 =	sld [smem:$0x3FAE]  }
0x31: {  	[smem:$0x3FB7] =	sst s10  }
0x32: {  	s10 =	sld [smem:$0x3FB5];
	_ =	sdelay $0x3  }
0x33: {  	p0 =	seq.s32 s10, $0x1;
	s10 =	sld [smem:$0x3FB7];
	_ =	sdelay $0x3  }
0x34: {  	[smem:$0x3FB7] =	sst s10  }
0x35: {  	s10 =	sld [smem:$0x3FB6];
	_ =	sdelay $0x3  }
0x36: {  	p1 =	seq.s32 s10, $0x1;
	s10 =	sld [smem:$0x3FB7];
	_ =	sdelay $0x3  }
0x37: {  	[smem:$0x3FB7] =	sst s10  }
0x38: {  	s10 =	sld [smem:$0x3FB8]  }
0x39: {  	_ = 	snop;
	(pc) =	sbr.ind lr, $3  }
0x3a: {  	_ = 	snop  }
0x3b: {  	_ = 	snop  }
0x3c: {  	p2 =	seq.s32 s10, $0x1;
	s10 =	sld [smem:$0x3FB7]  }
0x3d: {  	_ =	shalt  }
0x3e: {  	_ =	shalt  }
0x3f: {  	_ =	shalt  }
0x40: {  	_ =	shalt  }
0x41: {  	_ =	shalt  }
0x42: {  	_ =	shalt  }
0x43: {  	_ =	shalt  }
0x44: {  	_ =	shalt  }
0x45: {  	_ =	shalt  }
0x46: {  	_ =	shalt  }
0x47: {  	_ =	shalt  }
0x48: {  	_ =	shalt  }
0x49: {  	_ =	shalt  }
0x4a: {  	_ =	shalt  }
0x4b: {  	_ =	shalt  }
0x4c: {  	_ =	shalt  }
0x4d: {  	_ =	shalt  }
0x4e: {  	_ =	shalt  }
0x4f: {  	_ =	shalt  }
0x50: {  	_ =	shalt  }
0x51: {  	_ =	shalt  }
0x52: {  	_ =	shalt  }
0x53: {  	_ =	shalt  }
0x54: {  	_ =	shalt  }
0x55: {  	_ =	shalt  }
0x56: {  	_ =	shalt  }
0x57: {  	_ =	shalt  }
0x58: {  	_ =	shalt  }
0x59: {  	_ =	shalt  }
0x5a: {  	_ =	shalt  }
0x5b: {  	_ =	shalt  }
0x5c: {  	_ =	shalt  }
0x5d: {  	_ =	shalt  }
0x5e: {  	_ =	shalt  }
0x5f: {  	_ =	shalt  }
0x60: {  	_ =	shalt  }
0x61: {  	_ =	shalt  }
0x62: {  	_ =	shalt  }
0x63: {  	_ =	shalt  }
0x64: {  	_ =	shalt  }
0x65: {  	_ =	shalt  }
0x66: {  	_ =	shalt  }
0x67: {  	_ =	shalt  }
0x68: {  	_ =	shalt  }
0x69: {  	_ =	shalt  }
0x6a: {  	_ =	shalt  }
0x6b: {  	_ =	shalt  }
0x6c: {  	_ =	shalt  }
0x6d: {  	_ =	shalt  }
0x6e: {  	_ =	shalt  }
0x6f: {  	_ =	shalt  }
0x70: {  	_ =	shalt  }
0x71: {  	_ =	shalt  }
0x72: {  	_ =	shalt  }
0x73: {  	_ =	shalt  }
0x74: {  	_ =	shalt  }
0x75: {  	_ =	shalt  }
0x76: {  	_ =	shalt  }
0x77: {  	_ =	shalt  }
0x78: {  	_ =	shalt  }
0x79: {  	_ =	shalt  }
0x7a: {  	_ =	shalt  }
0x7b: {  	_ =	shalt  }
0x7c: {  	_ =	shalt  }
0x7d: {  	_ =	shalt  }
0x7e: {  	_ =	shalt  }
0x7f: {  	_ =	shalt  }
0x80: {  	_ =	shalt  }
0x81: {  	_ =	shalt  }
0x82: {  	_ =	shalt  }
0x83: {  	_ =	shalt  }
0x84: {  	_ =	shalt  }
0x85: {  	_ =	shalt  }
0x86: {  	_ =	shalt  }
0x87: {  	_ =	shalt  }
.Lfunc_end0:
.L_simem_size_0:
called_computation_lowered:
.L_overlay_start_0:
0x88: {  	s2 =	sld [smem:$0x3FD9]  }
0x89: {  	s3 =	sld [smem:$0x3FFE];
	_ =	sdelay $0x1  }
0x8a: {  	s1 =	srdreg.scid  }
0x8b: {  	s0 =	sand.u32 $0x1, s1  }
0x8c: {  	s18 =	sshll.u32 s0, $0xA;
	s2 =	sadd.s32 s3, s2  }
0x8d: {  	s2 =	sadd.s32 s2, s18  }
0x8e: {  	[smem:$0x3FC3] =	sst s2  }
0x8f: {  	_ = 	snop  }
0x90: {  	s2 =	sld [smem:$0x3FC8]  }
0x91: {  	s19 =	sld [smem:$0x3FD0];
	(tm) =	ssettm $0x1  }
0x92: {  	s4 =	sld [smem:$0x3FFB];
	_ =	sdelay $0x3  }
0x93: {  	_ =	strace s4  }
0x94: {  	s4 =	sld [smem:$0x3FFC];
	_ =	sdelay $0x3  }
0x95: {  	_ =	strace s4  }
0x96: {  	s4 =	sld [smem:$0x3FFD];
	_ =	sdelay $0x3  }
0x97: {  	_ =	strace s4  }
0x98: {  	_ =	strace $0x8FFFFFFF  }
0x99: {  	s20 =	sld [smem:$0x3FDB];
	_ =	sdelay $0x1  }
0x9a: {  	s5 =	simm.s32 $_scs_section_size  }
0x9b: {  	s6 =	simm.s32 $_size__tile_overlayer_lowered;
	s7 =	simm.s32 $_tile_overlayer_lowered  }
0x9c: {  	s23 =	simm.s32 $0x1BFF;
	s22 =	sshll.u32 s7, $0x1;
	s4 =	sadd.s32 s5, s20  }
0x9d: {  	s8 =	simm.s32 $0x0;
	s21 =	sshll.u32 s6, $0x1;
	s6 =	sadd.s32 s22, s4  }
0x9e: {  	[timem:s8], [sflag:s23] =	dma.local [hbm:s6], s21  }
0x9f: {  	_ =	swait.ge [sflag:s23], s21  }
0xa0: {  	s5 =	ssub.s32 $0x0, s21;
	[sflag:s23] =	ssyncset.done $0x0  }
0xa1: {  	[sflag:s23] =	ssyncadd.s32 s5;
	_ =	sdelay $0x1  }
0xa2: {  	s24 =	simm.s32 $0x1B8B  }
0xa3: {  	_ =	swait.ge [sflag:s24], $0x1  }
0xa4: {  	[sflag:s24] =	ssyncset.done $0x0  }
0xa5: {  	s25 =	simm.s32 $0x1B8E;
	[sflag:s24] =	ssyncadd.s32 $0xFFFFFFFF  }
0xa6: {  	s26 =	simm.s32 $execute0_lowered;
	[smem:$0x3FD2] =	sst s25  }
0xa7: {  	s5 =	sshll.u32 s26, $0x1;
	_ =	strace $0x80000046;
	[dreg:$0x1] =	wrdreg $0xFFFFFFFF  }
0xa8: {  	s28 =	simm.s32 $_size_execute0_lowered;
	s4 =	sadd.s32 s4, s5;
	[dreg:$0x0] =	wrdreg $0x0  }
0xa9: {  	s5 =	sshll.u32 s28, $0x1;
	[dreg:$0x2] =	wrdreg s4  }
0xaa: {  	[dreg:$0x3] =	wrdreg s5  }
0xab: {  	[dreg:$0x4] =	wrdreg $0xC0  }
0xac: {  	_ =	task [dreg:s8], $0x5FFFF  }
0xad: {  	[dreg:$0x1] =	wrdreg $0xFFFFFFFF  }
0xae: {  	[dreg:$0x0] =	wrdreg $0x60  }
0xaf: {  	[dreg:$0x2] =	wrdreg s2  }
0xb0: {  	[dreg:$0x3] =	wrdreg s19  }
0xb1: {  	[dreg:$0x4] =	wrdreg $0x52000  }
0xb2: {  	[dreg:$0x5] =	wrdreg $0x9  }
0xb3: {  	_ =	task.clear_ibuf [dreg:s8], $0x6FFFF;
	_ =	strace $0x90000046  }
0xb4: {  	s29 =	simm.s32 $0x9;
	_ =	strace $0x80000048  }
0xb5: {  	_ =	swait.ge [sflag:s29], $0x1  }
0xb6: {  	[sflag:s29] =	ssyncadd.s32 $0xFFFFFFFF  }
0xb7: {  	_ =	strace $0x90000048  }
0xb8: {  	_ =	sfence  }
0xb9: {  	s30 =	sld [smem:$0x0];
	_ =	sdelay $0x2  }
0xba: {  	s31 =	sshll.u32 s1, $0xD;
	s1 =	sshrl.u32 s1, $0x2  }
0xbb: {  	s3 =	sand.u32 $0x4000, s31;
	s1 =	sadd.s32 s1, s30  }
0xbc: {  	s0 =	sor.u32 s3, s0;
	s1 =	sshll.u32 s1, $0x11  }
0xbd: {  	s0 =	sor.u32 s1, s0  }
0xbe: {  	s0 =	sadd.s32 $0x8F2B, s0  }
0xbf: {  	[sflag:s0] =	ssyncadd.remote.s32 $0x1  }
0xc0: {  	_ =	sfence.sel $0xFFFF  }
0xc1: {  	[dreg:$0x0] =	wrdreg $0xFFFFFFFF;
	(pc) =	sbr.abs _section_cstart, $3  }
0xc2: {  	[dreg:$0x1] =	wrdreg $0xFFFFFFFF  }
0xc3: {  	_ =	task.clear_ibuf [dreg:s8], $0x2FFFF;
	_ =	strace $0x9FFFFFFF  }
0xc4: {  	(tm) =	ssettm $0x7FFFFFFF  }
0xc5: {  	_ =	shalt  }
tec
execute0_lowered:
.L_overlay_start_1:
0x0: {  	(tag) =	ssettag $0x1  }
0x1: {  	s4 =	rddreg [dreg:$0x0]  }
0x2: {  	s6 =	rddreg [dreg:$0x1]  }
0x3: {  	s1 =	srdreg.scid;
	s0 =	stileid.u32  }
0x4: {  	s2 =	rddreg [dreg:$0x2];
	s3 =	simm.s32 $0x0;
	s15 =	simm.s32 $0x20  }
0x5: {  	s16 =	simm.s32 $0x10;
	s5 =	sand.u32 $0x1, s1;
	s1 =	rddreg [dreg:$0x3]  }
0x6: {  	s7 =	sshll.u32 s0, $0x1;
	[smem:$0x7FF] =	sst s3;
	s11 =	smul.u32 $0x500, s0  }
0x7: {  	s12 =	smul.u32 $0xA00, s0;
	p0 =	sgt.u32 s0, $0x1;
	s13 =	sshll.u32 s0, $0x6  }
0x8: {  	s7 =	sor.u32 s5, s7;
	s8 =	ssub.s32 $0x2, s5;
	_ =	strace $0x80000047  }
0x9: {  	s5 =	sshll.u32 s5, $0x7;
	s13 =	sor.u32 $0x1C02, s13;
	s9 =	smul.u32 $0x4E, s7  }
0xa: {  	s10 =	sshrl.u32 s8, $0x1;
	s7 =	smin.u32 s7, $0x4;
	s5 =	sor.u32 s5, s11  }
0xb: {  	s30 =	sshrl.u32 s12, $0x2;
	s11 =	simm.s32 $0x4F00;
	s12 =	simm.s32 $0x1  }
0xc: {  	s8 =	ssub.s32 s8, s10;
	s31 =	sshrl.u32 s5, $0x3;
	s5 =	sadd.s32 s30, s2  }
0xd: {  	s10 =	simm.s32 $0x80;
	s7 =	sadd.s32 s7, s9;
	s6 =	sadd.s32 s6, s31  }
0xe: {  	s9 =	simm.s32 $0x2;
	s14 =	sshrl.u32 s5, $0x3;
	s7 =	sshll.u32 s7, $0x5  }
0xf: {  	v0 =	vimm.f32 $1.000000000e+00;
	v1 =	vimm.f32 $0.0e+00;
	s4 =	sadd.s32 s4, s7;
	s7 =	smax.u32 s8, $0x1;
	s8 =	simm.s32 $0x4F80  }
.LBB2_1:
0x10: {  	s17 =	simm.s32 @p0 $0x0  }
0x11: {  	[tilespmem:s17], [sflag:$0x2] =	stream.linear.gather @p0 [hbm4b:s4+s17], $0x4E00, $0x38;
	[tilespmem:$0x5480] =	vst v63  }
0x12: {  	s17 =	simm.s32 @p0 $0x2  }
0x13: {  	_ =	swait.ge @p0 [sflag:s17], $0x4E00  }
0x14: {  	[sflag:s17] =	ssyncset.done @p0 $0x0  }
0x15: {  	[sflag:s17] =	ssyncadd.s32 @p0 $0xFFFFB200;
	s17 =	simm.s32 @!p0 $0x0  }
0x16: {  	[tilespmem:s17], [sflag:$0x2] =	stream.linear.gather @!p0 [hbm4b:s4+s17], $0x4F00, $0x38;
	[tilespmem:$0x5480] =	vst v63  }
0x17: {  	s17 =	simm.s32 @!p0 $0x2  }
0x18: {  	_ =	swait.ge @!p0 [sflag:s17], $0x4F00  }
0x19: {  	[sflag:s17] =	ssyncset.done @!p0 $0x0  }
0x1a: {  	[sflag:s17] =	ssyncadd.s32 @!p0 $0xFFFFB100  }
0x1b: {  	[tilespmem:$0x4F00] =	vst v0  }
0x1c: {  	[tilespmem:$0x4F10] =	vst v0  }
0x1d: {  	[tilespmem:$0x4F20] =	vst v0  }
0x1e: {  	[tilespmem:$0x4F30] =	vst v0  }
0x1f: {  	[tilespmem:$0x4F40] =	vst v0  }
0x20: {  	[tilespmem:$0x4F50] =	vst v0  }
0x21: {  	[tilespmem:$0x4F60] =	vst v0  }
0x22: {  	[tilespmem:$0x4F70] =	vst v0  }
0x23: {  	[tilespmem:$0x4F80] =	vst v1  }
0x24: {  	[tilespmem:$0x4F90] =	vst v1  }
0x25: {  	[tilespmem:$0x4FA0] =	vst v1  }
0x26: {  	[tilespmem:$0x4FB0] =	vst v1  }
0x27: {  	[tilespmem:$0x4FC0] =	vst v1  }
0x28: {  	[tilespmem:$0x4FD0] =	vst v1  }
0x29: {  	[tilespmem:$0x4FE0] =	vst v1  }
0x2a: {  	[tilespmem:$0x4FF0] =	vst v1  }
0x2b: {  	[tilespmem:$0x5000] =	vst v1  }
0x2c: {  	[tilespmem:$0x5010] =	vst v1  }
0x2d: {  	[tilespmem:$0x5020] =	vst v1  }
0x2e: {  	[tilespmem:$0x5030] =	vst v1  }
0x2f: {  	[tilespmem:$0x5040] =	vst v1  }
0x30: {  	[tilespmem:$0x5050] =	vst v1  }
0x31: {  	[tilespmem:$0x5060] =	vst v1  }
0x32: {  	[tilespmem:$0x5070] =	vst v1  }
0x33: {  	[tilespmem:$0x5080] =	vst v1  }
0x34: {  	[tilespmem:$0x5090] =	vst v1  }
0x35: {  	[tilespmem:$0x50A0] =	vst v1  }
0x36: {  	[tilespmem:$0x50B0] =	vst v1  }
0x37: {  	[tilespmem:$0x50C0] =	vst v1  }
0x38: {  	[tilespmem:$0x50D0] =	vst v1  }
0x39: {  	[tilespmem:$0x50E0] =	vst v1  }
0x3a: {  	[tilespmem:$0x50F0] =	vst v1  }
0x3b: {  	[tilespmem:$0x5100] =	vst v1  }
0x3c: {  	[tilespmem:$0x5110] =	vst v1  }
0x3d: {  	[tilespmem:$0x5120] =	vst v1  }
0x3e: {  	[tilespmem:$0x5130] =	vst v1  }
0x3f: {  	[tilespmem:$0x5140] =	vst v1  }
0x40: {  	[tilespmem:$0x5150] =	vst v1  }
0x41: {  	[tilespmem:$0x5160] =	vst v1  }
0x42: {  	[tilespmem:$0x5170] =	vst v1  }
0x43: {  	[tilespmem:$0x5180] =	vst v1  }
0x44: {  	[tilespmem:$0x5190] =	vst v1  }
0x45: {  	[tilespmem:$0x51A0] =	vst v1  }
0x46: {  	[tilespmem:$0x51B0] =	vst v1  }
0x47: {  	[tilespmem:$0x51C0] =	vst v1  }
0x48: {  	[tilespmem:$0x51D0] =	vst v1  }
0x49: {  	[tilespmem:$0x51E0] =	vst v1  }
0x4a: {  	[tilespmem:$0x51F0] =	vst v1  }
0x4b: {  	[spmem:s5] =	stream.linear.scatter [tilespmem:s8], [sflag:$0x2], $0x280, $0x38;
	[tilespmem:$0x5480] =	vst v63  }
0x4c: {  	_ =	swait.ge [sflag:s9], $0x280  }
0x4d: {  	[sflag:s9] =	ssyncset.done $0x0  }
0x4e: {  	[sflag:s9] =	ssyncadd.s32 $0xFFFFFD80  }
0x4f: {  	s18 =	simm.s32 $0x80;
	[bflag:$0x0] =	sbarrier.arrive $0xFFFF  }
0x50: {  	[spmem:s2] =	stream.indirect.scatter.add.f32 [tilespmem:s11], [sflag:$0x1], $0x1, s18, s10, $0xb8;
	[tilespmem:$0x5480] =	vst v63  }
0x51: {  	s19 =	simm.s32 $0x180  }
0x52: {  	[spmem:s2] =	stream.indirect.scatter.add.f32 [tilespmem:s11], [sflag:$0x1], $0x1, s19, s10, $0xb8;
	[tilespmem:$0x5480] =	vst v63  }
0x53: {  	s20 =	simm.s32 $0x280  }
0x54: {  	[spmem:s2] =	stream.indirect.scatter.add.f32 [tilespmem:s11], [sflag:$0x1], $0x1, s20, s10, $0xb8;
	[tilespmem:$0x5480] =	vst v63  }
0x55: {  	s21 =	simm.s32 $0x380  }
0x56: {  	[spmem:s2] =	stream.indirect.scatter.add.f32 [tilespmem:s11], [sflag:$0x1], $0x1, s21, s10, $0xb8;
	[tilespmem:$0x5480] =	vst v63  }
0x57: {  	s22 =	simm.s32 $0x480  }
0x58: {  	[spmem:s2] =	stream.indirect.scatter.add.f32 [tilespmem:s11], [sflag:$0x1], $0x1, s22, s10, $0xb8;
	[tilespmem:$0x5480] =	vst v63  }
0x59: {  	s23 =	simm.s32 $0x580  }
0x5a: {  	[spmem:s2] =	stream.indirect.scatter.add.f32 [tilespmem:s11], [sflag:$0x1], $0x1, s23, s10, $0xb8;
	[tilespmem:$0x5480] =	vst v63  }
0x5b: {  	s24 =	simm.s32 $0x680  }
0x5c: {  	[spmem:s2] =	stream.indirect.scatter.add.f32 [tilespmem:s11], [sflag:$0x1], $0x1, s24, s10, $0xb8;
	[tilespmem:$0x5480] =	vst v63  }
0x5d: {  	s25 =	simm.s32 $0x780  }
0x5e: {  	[spmem:s2] =	stream.indirect.scatter.add.f32 [tilespmem:s11], [sflag:$0x1], $0x1, s25, s10, $0xb8;
	[tilespmem:$0x5480] =	vst v63  }
0x5f: {  	s26 =	simm.s32 $0x880  }
0x60: {  	[spmem:s2] =	stream.indirect.scatter.add.f32 [tilespmem:s11], [sflag:$0x1], $0x1, s26, s10, $0xb8;
	[tilespmem:$0x5480] =	vst v63  }
0x61: {  	s28 =	simm.s32 $0x980  }
0x62: {  	[spmem:s2] =	stream.indirect.scatter.add.f32 [tilespmem:s11], [sflag:$0x1], $0x1, s28, s10, $0xb8;
	[tilespmem:$0x5480] =	vst v63  }
0x63: {  	s29 =	simm.s32 $0xA80  }
0x64: {  	[spmem:s2] =	stream.indirect.scatter.add.f32 [tilespmem:s11], [sflag:$0x1], $0x1, s29, s10, $0xb8;
	[tilespmem:$0x5480] =	vst v63  }
0x65: {  	s30 =	simm.s32 $0xB80  }
0x66: {  	[spmem:s2] =	stream.indirect.scatter.add.f32 [tilespmem:s11], [sflag:$0x1], $0x1, s30, s10, $0xb8;
	[tilespmem:$0x5480] =	vst v63  }
0x67: {  	s31 =	simm.s32 $0xC80  }
0x68: {  	[spmem:s2] =	stream.indirect.scatter.add.f32 [tilespmem:s11], [sflag:$0x1], $0x1, s31, s10, $0xb8;
	[tilespmem:$0x5480] =	vst v63  }
0x69: {  	s18 =	simm.s32 $0xD80  }
0x6a: {  	[spmem:s2] =	stream.indirect.scatter.add.f32 [tilespmem:s11], [sflag:$0x1], $0x1, s18, s10, $0xb8;
	[tilespmem:$0x5480] =	vst v63  }
0x6b: {  	s19 =	simm.s32 $0xE80  }
0x6c: {  	[spmem:s2] =	stream.indirect.scatter.add.f32 [tilespmem:s11], [sflag:$0x1], $0x1, s19, s10, $0xb8;
	[tilespmem:$0x5480] =	vst v63  }
0x6d: {  	s20 =	simm.s32 $0xF80  }
0x6e: {  	[spmem:s2] =	stream.indirect.scatter.add.f32 [tilespmem:s11], [sflag:$0x1], $0x1, s20, s10, $0xb8;
	[tilespmem:$0x5480] =	vst v63  }
0x6f: {  	s21 =	simm.s32 $0x1080  }
0x70: {  	[spmem:s2] =	stream.indirect.scatter.add.f32 [tilespmem:s11], [sflag:$0x1], $0x1, s21, s10, $0xb8;
	[tilespmem:$0x5480] =	vst v63  }
0x71: {  	s22 =	simm.s32 $0x1180  }
0x72: {  	[spmem:s2] =	stream.indirect.scatter.add.f32 [tilespmem:s11], [sflag:$0x1], $0x1, s22, s10, $0xb8;
	[tilespmem:$0x5480] =	vst v63  }
0x73: {  	s23 =	simm.s32 $0x1280  }
0x74: {  	[spmem:s2] =	stream.indirect.scatter.add.f32 [tilespmem:s11], [sflag:$0x1], $0x1, s23, s10, $0xb8;
	[tilespmem:$0x5480] =	vst v63  }
0x75: {  	s24 =	simm.s32 $0x1380  }
0x76: {  	[spmem:s2] =	stream.indirect.scatter.add.f32 [tilespmem:s11], [sflag:$0x1], $0x1, s24, s10, $0xb8;
	[tilespmem:$0x5480] =	vst v63  }
0x77: {  	s25 =	simm.s32 $0x1480  }
0x78: {  	[spmem:s2] =	stream.indirect.scatter.add.f32 [tilespmem:s11], [sflag:$0x1], $0x1, s25, s10, $0xb8;
	[tilespmem:$0x5480] =	vst v63  }
0x79: {  	s26 =	simm.s32 $0x1580  }
0x7a: {  	[spmem:s2] =	stream.indirect.scatter.add.f32 [tilespmem:s11], [sflag:$0x1], $0x1, s26, s10, $0xb8;
	[tilespmem:$0x5480] =	vst v63  }
0x7b: {  	s28 =	simm.s32 $0x1680  }
0x7c: {  	[spmem:s2] =	stream.indirect.scatter.add.f32 [tilespmem:s11], [sflag:$0x1], $0x1, s28, s10, $0xb8;
	[tilespmem:$0x5480] =	vst v63  }
0x7d: {  	s29 =	simm.s32 $0x1780  }
0x7e: {  	[spmem:s2] =	stream.indirect.scatter.add.f32 [tilespmem:s11], [sflag:$0x1], $0x1, s29, s10, $0xb8;
	[tilespmem:$0x5480] =	vst v63  }
0x7f: {  	s30 =	simm.s32 $0x1880  }
0x80: {  	[spmem:s2] =	stream.indirect.scatter.add.f32 [tilespmem:s11], [sflag:$0x1], $0x1, s30, s10, $0xb8;
	[tilespmem:$0x5480] =	vst v63  }
0x81: {  	s31 =	simm.s32 $0x1980  }
0x82: {  	[spmem:s2] =	stream.indirect.scatter.add.f32 [tilespmem:s11], [sflag:$0x1], $0x1, s31, s10, $0xb8;
	[tilespmem:$0x5480] =	vst v63  }
0x83: {  	_ =	swait.ge [sflag:s12], $0x80  }
0x84: {  	[sflag:s12] =	ssyncset.done $0x0  }
0x85: {  	[sflag:s12] =	ssyncadd.s32 $0xFFFFFF80  }
0x86: {  	_ =	swait.ge [sflag:s12], $0x80  }
0x87: {  	[sflag:s12] =	ssyncset.done $0x0  }
0x88: {  	[sflag:s12] =	ssyncadd.s32 $0xFFFFFF80  }
0x89: {  	_ =	swait.ge [sflag:s12], $0x80  }
0x8a: {  	[sflag:s12] =	ssyncset.done $0x0  }
0x8b: {  	[sflag:s12] =	ssyncadd.s32 $0xFFFFFF80  }
0x8c: {  	_ =	swait.ge [sflag:s12], $0x80  }
0x8d: {  	[sflag:s12] =	ssyncset.done $0x0  }
0x8e: {  	[sflag:s12] =	ssyncadd.s32 $0xFFFFFF80  }
0x8f: {  	_ =	swait.ge [sflag:s12], $0x80  }
0x90: {  	[sflag:s12] =	ssyncset.done $0x0  }
0x91: {  	[sflag:s12] =	ssyncadd.s32 $0xFFFFFF80  }
0x92: {  	_ =	swait.ge [sflag:s12], $0x80  }
0x93: {  	[sflag:s12] =	ssyncset.done $0x0  }
0x94: {  	[sflag:s12] =	ssyncadd.s32 $0xFFFFFF80  }
0x95: {  	_ =	swait.ge [sflag:s12], $0x80  }
0x96: {  	[sflag:s12] =	ssyncset.done $0x0  }
0x97: {  	[sflag:s12] =	ssyncadd.s32 $0xFFFFFF80  }
0x98: {  	_ =	swait.ge [sflag:s12], $0x80  }
0x99: {  	[sflag:s12] =	ssyncset.done $0x0  }
0x9a: {  	[sflag:s12] =	ssyncadd.s32 $0xFFFFFF80  }
0x9b: {  	_ =	swait.ge [sflag:s12], $0x80  }
0x9c: {  	[sflag:s12] =	ssyncset.done $0x0  }
0x9d: {  	[sflag:s12] =	ssyncadd.s32 $0xFFFFFF80  }
0x9e: {  	_ =	swait.ge [sflag:s12], $0x80  }
0x9f: {  	[sflag:s12] =	ssyncset.done $0x0  }
0xa0: {  	[sflag:s12] =	ssyncadd.s32 $0xFFFFFF80  }
0xa1: {  	_ =	swait.ge [sflag:s12], $0x80  }
0xa2: {  	[sflag:s12] =	ssyncset.done $0x0  }
0xa3: {  	[sflag:s12] =	ssyncadd.s32 $0xFFFFFF80  }
0xa4: {  	_ =	swait.ge [sflag:s12], $0x80  }
0xa5: {  	[sflag:s12] =	ssyncset.done $0x0  }
0xa6: {  	[sflag:s12] =	ssyncadd.s32 $0xFFFFFF80  }
0xa7: {  	_ =	swait.ge [sflag:s12], $0x80  }
0xa8: {  	[sflag:s12] =	ssyncset.done $0x0  }
0xa9: {  	[sflag:s12] =	ssyncadd.s32 $0xFFFFFF80  }
0xaa: {  	_ =	swait.ge [sflag:s12], $0x80  }
0xab: {  	[sflag:s12] =	ssyncset.done $0x0  }
0xac: {  	[sflag:s12] =	ssyncadd.s32 $0xFFFFFF80  }
0xad: {  	_ =	swait.ge [sflag:s12], $0x80  }
0xae: {  	[sflag:s12] =	ssyncset.done $0x0  }
0xaf: {  	[sflag:s12] =	ssyncadd.s32 $0xFFFFFF80  }
0xb0: {  	_ =	swait.ge [sflag:s12], $0x80  }
0xb1: {  	[sflag:s12] =	ssyncset.done $0x0  }
0xb2: {  	[sflag:s12] =	ssyncadd.s32 $0xFFFFFF80  }
0xb3: {  	_ =	swait.ge [sflag:s12], $0x80  }
0xb4: {  	[sflag:s12] =	ssyncset.done $0x0  }
0xb5: {  	[sflag:s12] =	ssyncadd.s32 $0xFFFFFF80  }
0xb6: {  	_ =	swait.ge [sflag:s12], $0x80  }
0xb7: {  	[sflag:s12] =	ssyncset.done $0x0  }
0xb8: {  	[sflag:s12] =	ssyncadd.s32 $0xFFFFFF80  }
0xb9: {  	_ =	swait.ge [sflag:s12], $0x80  }
0xba: {  	[sflag:s12] =	ssyncset.done $0x0  }
0xbb: {  	[sflag:s12] =	ssyncadd.s32 $0xFFFFFF80  }
0xbc: {  	_ =	swait.ge [sflag:s12], $0x80  }
0xbd: {  	[sflag:s12] =	ssyncset.done $0x0  }
0xbe: {  	[sflag:s12] =	ssyncadd.s32 $0xFFFFFF80  }
0xbf: {  	_ =	swait.ge [sflag:s12], $0x80  }
0xc0: {  	[sflag:s12] =	ssyncset.done $0x0  }
0xc1: {  	[sflag:s12] =	ssyncadd.s32 $0xFFFFFF80  }
0xc2: {  	_ =	swait.ge [sflag:s12], $0x80  }
0xc3: {  	[sflag:s12] =	ssyncset.done $0x0  }
0xc4: {  	[sflag:s12] =	ssyncadd.s32 $0xFFFFFF80  }
0xc5: {  	_ =	swait.ge [sflag:s12], $0x80  }
0xc6: {  	[sflag:s12] =	ssyncset.done $0x0  }
0xc7: {  	[sflag:s12] =	ssyncadd.s32 $0xFFFFFF80  }
0xc8: {  	_ =	swait.ge [sflag:s12], $0x80  }
0xc9: {  	[sflag:s12] =	ssyncset.done $0x0  }
0xca: {  	[sflag:s12] =	ssyncadd.s32 $0xFFFFFF80  }
0xcb: {  	_ =	swait.ge [sflag:s12], $0x80  }
0xcc: {  	[sflag:s12] =	ssyncset.done $0x0  }
0xcd: {  	[sflag:s12] =	ssyncadd.s32 $0xFFFFFF80  }
0xce: {  	_ =	swait.ge [sflag:s12], $0x80  }
0xcf: {  	s17 =	simm.s32 $0x6800;
	[sflag:s12] =	ssyncset.done $0x0  }
.LBB2_2:
0xd0: {  	p1 =	sne.s32 s17, $0xD000  }
0xd1: {  	[sflag:s12] =	ssyncadd.s32 $0xFFFFFF80;
	s18 =	smov.u32 s17;
	s17 =	sadd.s32 $0x6800, s17  }
0xd2: {  	s18 =	sshra.s32 s18, $0x2  }
0xd3: {  	s19 =	sadd.s32 $0x80, s18  }
0xd4: {  	[spmem:s2] =	stream.indirect.scatter.add.f32 [tilespmem:s11], [sflag:$0x1], $0x1, s19, s10, $0xb8;
	[tilespmem:$0x5480] =	vst v63  }
0xd5: {  	s19 =	sadd.s32 $0x180, s18  }
0xd6: {  	[spmem:s2] =	stream.indirect.scatter.add.f32 [tilespmem:s11], [sflag:$0x1], $0x1, s19, s10, $0xb8;
	[tilespmem:$0x5480] =	vst v63  }
0xd7: {  	s19 =	sadd.s32 $0x280, s18  }
0xd8: {  	[spmem:s2] =	stream.indirect.scatter.add.f32 [tilespmem:s11], [sflag:$0x1], $0x1, s19, s10, $0xb8;
	[tilespmem:$0x5480] =	vst v63  }
0xd9: {  	s19 =	sadd.s32 $0x380, s18  }
0xda: {  	[spmem:s2] =	stream.indirect.scatter.add.f32 [tilespmem:s11], [sflag:$0x1], $0x1, s19, s10, $0xb8;
	[tilespmem:$0x5480] =	vst v63  }
0xdb: {  	s19 =	sadd.s32 $0x480, s18  }
0xdc: {  	[spmem:s2] =	stream.indirect.scatter.add.f32 [tilespmem:s11], [sflag:$0x1], $0x1, s19, s10, $0xb8;
	[tilespmem:$0x5480] =	vst v63  }
0xdd: {  	s19 =	sadd.s32 $0x580, s18  }
0xde: {  	[spmem:s2] =	stream.indirect.scatter.add.f32 [tilespmem:s11], [sflag:$0x1], $0x1, s19, s10, $0xb8;
	[tilespmem:$0x5480] =	vst v63  }
0xdf: {  	s19 =	sadd.s32 $0x680, s18  }
0xe0: {  	[spmem:s2] =	stream.indirect.scatter.add.f32 [tilespmem:s11], [sflag:$0x1], $0x1, s19, s10, $0xb8;
	[tilespmem:$0x5480] =	vst v63  }
0xe1: {  	s19 =	sadd.s32 $0x780, s18  }
0xe2: {  	[spmem:s2] =	stream.indirect.scatter.add.f32 [tilespmem:s11], [sflag:$0x1], $0x1, s19, s10, $0xb8;
	[tilespmem:$0x5480] =	vst v63  }
0xe3: {  	s19 =	sadd.s32 $0x880, s18  }
0xe4: {  	[spmem:s2] =	stream.indirect.scatter.add.f32 [tilespmem:s11], [sflag:$0x1], $0x1, s19, s10, $0xb8;
	[tilespmem:$0x5480] =	vst v63  }
0xe5: {  	s19 =	sadd.s32 $0x980, s18  }
0xe6: {  	[spmem:s2] =	stream.indirect.scatter.add.f32 [tilespmem:s11], [sflag:$0x1], $0x1, s19, s10, $0xb8;
	[tilespmem:$0x5480] =	vst v63  }
0xe7: {  	s19 =	sadd.s32 $0xA80, s18  }
0xe8: {  	[spmem:s2] =	stream.indirect.scatter.add.f32 [tilespmem:s11], [sflag:$0x1], $0x1, s19, s10, $0xb8;
	[tilespmem:$0x5480] =	vst v63  }
0xe9: {  	s19 =	sadd.s32 $0xB80, s18  }
0xea: {  	[spmem:s2] =	stream.indirect.scatter.add.f32 [tilespmem:s11], [sflag:$0x1], $0x1, s19, s10, $0xb8;
	[tilespmem:$0x5480] =	vst v63  }
0xeb: {  	s19 =	sadd.s32 $0xC80, s18  }
0xec: {  	[spmem:s2] =	stream.indirect.scatter.add.f32 [tilespmem:s11], [sflag:$0x1], $0x1, s19, s10, $0xb8;
	[tilespmem:$0x5480] =	vst v63  }
0xed: {  	s19 =	sadd.s32 $0xD80, s18  }
0xee: {  	[spmem:s2] =	stream.indirect.scatter.add.f32 [tilespmem:s11], [sflag:$0x1], $0x1, s19, s10, $0xb8;
	[tilespmem:$0x5480] =	vst v63  }
0xef: {  	s19 =	sadd.s32 $0xE80, s18  }
0xf0: {  	[spmem:s2] =	stream.indirect.scatter.add.f32 [tilespmem:s11], [sflag:$0x1], $0x1, s19, s10, $0xb8;
	[tilespmem:$0x5480] =	vst v63  }
0xf1: {  	s19 =	sadd.s32 $0xF80, s18  }
0xf2: {  	[spmem:s2] =	stream.indirect.scatter.add.f32 [tilespmem:s11], [sflag:$0x1], $0x1, s19, s10, $0xb8;
	[tilespmem:$0x5480] =	vst v63  }
0xf3: {  	s19 =	sadd.s32 $0x1080, s18  }
0xf4: {  	[spmem:s2] =	stream.indirect.scatter.add.f32 [tilespmem:s11], [sflag:$0x1], $0x1, s19, s10, $0xb8;
	[tilespmem:$0x5480] =	vst v63  }
0xf5: {  	s19 =	sadd.s32 $0x1180, s18  }
0xf6: {  	[spmem:s2] =	stream.indirect.scatter.add.f32 [tilespmem:s11], [sflag:$0x1], $0x1, s19, s10, $0xb8;
	[tilespmem:$0x5480] =	vst v63  }
0xf7: {  	s19 =	sadd.s32 $0x1280, s18  }
0xf8: {  	[spmem:s2] =	stream.indirect.scatter.add.f32 [tilespmem:s11], [sflag:$0x1], $0x1, s19, s10, $0xb8;
	[tilespmem:$0x5480] =	vst v63  }
0xf9: {  	s19 =	sadd.s32 $0x1380, s18  }
0xfa: {  	[spmem:s2] =	stream.indirect.scatter.add.f32 [tilespmem:s11], [sflag:$0x1], $0x1, s19, s10, $0xb8;
	[tilespmem:$0x5480] =	vst v63  }
0xfb: {  	s19 =	sadd.s32 $0x1480, s18  }
0xfc: {  	[spmem:s2] =	stream.indirect.scatter.add.f32 [tilespmem:s11], [sflag:$0x1], $0x1, s19, s10, $0xb8;
	[tilespmem:$0x5480] =	vst v63  }
0xfd: {  	s19 =	sadd.s32 $0x1580, s18  }
0xfe: {  	[spmem:s2] =	stream.indirect.scatter.add.f32 [tilespmem:s11], [sflag:$0x1], $0x1, s19, s10, $0xb8;
	[tilespmem:$0x5480] =	vst v63  }
0xff: {  	s19 =	sadd.s32 $0x1680, s18  }
0x100: {  	[spmem:s2] =	stream.indirect.scatter.add.f32 [tilespmem:s11], [sflag:$0x1], $0x1, s19, s10, $0xb8;
	[tilespmem:$0x5480] =	vst v63  }
0x101: {  	s19 =	sadd.s32 $0x1780, s18  }
0x102: {  	[spmem:s2] =	stream.indirect.scatter.add.f32 [tilespmem:s11], [sflag:$0x1], $0x1, s19, s10, $0xb8;
	[tilespmem:$0x5480] =	vst v63  }
0x103: {  	s19 =	sadd.s32 $0x1880, s18  }
0x104: {  	[spmem:s2] =	stream.indirect.scatter.add.f32 [tilespmem:s11], [sflag:$0x1], $0x1, s19, s10, $0xb8;
	[tilespmem:$0x5480] =	vst v63  }
0x105: {  	s18 =	sadd.s32 $0x1980, s18  }
0x106: {  	[spmem:s2] =	stream.indirect.scatter.add.f32 [tilespmem:s11], [sflag:$0x1], $0x1, s18, s10, $0xb8;
	[tilespmem:$0x5480] =	vst v63  }
0x107: {  	_ =	swait.ge [sflag:s12], $0x80  }
0x108: {  	[sflag:s12] =	ssyncset.done $0x0  }
0x109: {  	[sflag:s12] =	ssyncadd.s32 $0xFFFFFF80  }
0x10a: {  	_ =	swait.ge [sflag:s12], $0x80  }
0x10b: {  	[sflag:s12] =	ssyncset.done $0x0  }
0x10c: {  	[sflag:s12] =	ssyncadd.s32 $0xFFFFFF80  }
0x10d: {  	_ =	swait.ge [sflag:s12], $0x80  }
0x10e: {  	[sflag:s12] =	ssyncset.done $0x0  }
0x10f: {  	[sflag:s12] =	ssyncadd.s32 $0xFFFFFF80  }
0x110: {  	_ =	swait.ge [sflag:s12], $0x80  }
0x111: {  	[sflag:s12] =	ssyncset.done $0x0  }
0x112: {  	[sflag:s12] =	ssyncadd.s32 $0xFFFFFF80  }
0x113: {  	_ =	swait.ge [sflag:s12], $0x80  }
0x114: {  	[sflag:s12] =	ssyncset.done $0x0  }
0x115: {  	[sflag:s12] =	ssyncadd.s32 $0xFFFFFF80  }
0x116: {  	_ =	swait.ge [sflag:s12], $0x80  }
0x117: {  	[sflag:s12] =	ssyncset.done $0x0  }
0x118: {  	[sflag:s12] =	ssyncadd.s32 $0xFFFFFF80  }
0x119: {  	_ =	swait.ge [sflag:s12], $0x80  }
0x11a: {  	[sflag:s12] =	ssyncset.done $0x0  }
0x11b: {  	[sflag:s12] =	ssyncadd.s32 $0xFFFFFF80  }
0x11c: {  	_ =	swait.ge [sflag:s12], $0x80  }
0x11d: {  	[sflag:s12] =	ssyncset.done $0x0  }
0x11e: {  	[sflag:s12] =	ssyncadd.s32 $0xFFFFFF80  }
0x11f: {  	_ =	swait.ge [sflag:s12], $0x80  }
0x120: {  	[sflag:s12] =	ssyncset.done $0x0  }
0x121: {  	[sflag:s12] =	ssyncadd.s32 $0xFFFFFF80  }
0x122: {  	_ =	swait.ge [sflag:s12], $0x80  }
0x123: {  	[sflag:s12] =	ssyncset.done $0x0  }
0x124: {  	[sflag:s12] =	ssyncadd.s32 $0xFFFFFF80  }
0x125: {  	_ =	swait.ge [sflag:s12], $0x80  }
0x126: {  	[sflag:s12] =	ssyncset.done $0x0  }
0x127: {  	[sflag:s12] =	ssyncadd.s32 $0xFFFFFF80  }
0x128: {  	_ =	swait.ge [sflag:s12], $0x80  }
0x129: {  	[sflag:s12] =	ssyncset.done $0x0  }
0x12a: {  	[sflag:s12] =	ssyncadd.s32 $0xFFFFFF80  }
0x12b: {  	_ =	swait.ge [sflag:s12], $0x80  }
0x12c: {  	[sflag:s12] =	ssyncset.done $0x0  }
0x12d: {  	[sflag:s12] =	ssyncadd.s32 $0xFFFFFF80  }
0x12e: {  	_ =	swait.ge [sflag:s12], $0x80  }
0x12f: {  	[sflag:s12] =	ssyncset.done $0x0  }
0x130: {  	[sflag:s12] =	ssyncadd.s32 $0xFFFFFF80  }
0x131: {  	_ =	swait.ge [sflag:s12], $0x80  }
0x132: {  	[sflag:s12] =	ssyncset.done $0x0  }
0x133: {  	[sflag:s12] =	ssyncadd.s32 $0xFFFFFF80  }
0x134: {  	_ =	swait.ge [sflag:s12], $0x80  }
0x135: {  	[sflag:s12] =	ssyncset.done $0x0  }
0x136: {  	[sflag:s12] =	ssyncadd.s32 $0xFFFFFF80  }
0x137: {  	_ =	swait.ge [sflag:s12], $0x80  }
0x138: {  	[sflag:s12] =	ssyncset.done $0x0  }
0x139: {  	[sflag:s12] =	ssyncadd.s32 $0xFFFFFF80  }
0x13a: {  	_ =	swait.ge [sflag:s12], $0x80  }
0x13b: {  	[sflag:s12] =	ssyncset.done $0x0  }
0x13c: {  	[sflag:s12] =	ssyncadd.s32 $0xFFFFFF80  }
0x13d: {  	_ =	swait.ge [sflag:s12], $0x80  }
0x13e: {  	[sflag:s12] =	ssyncset.done $0x0  }
0x13f: {  	[sflag:s12] =	ssyncadd.s32 $0xFFFFFF80  }
0x140: {  	_ =	swait.ge [sflag:s12], $0x80  }
0x141: {  	[sflag:s12] =	ssyncset.done $0x0  }
0x142: {  	[sflag:s12] =	ssyncadd.s32 $0xFFFFFF80  }
0x143: {  	_ =	swait.ge [sflag:s12], $0x80  }
0x144: {  	[sflag:s12] =	ssyncset.done $0x0  }
0x145: {  	[sflag:s12] =	ssyncadd.s32 $0xFFFFFF80  }
0x146: {  	_ =	swait.ge [sflag:s12], $0x80  }
0x147: {  	[sflag:s12] =	ssyncset.done $0x0  }
0x148: {  	[sflag:s12] =	ssyncadd.s32 $0xFFFFFF80  }
0x149: {  	_ =	swait.ge [sflag:s12], $0x80  }
0x14a: {  	[sflag:s12] =	ssyncset.done $0x0  }
0x14b: {  	[sflag:s12] =	ssyncadd.s32 $0xFFFFFF80  }
0x14c: {  	_ =	swait.ge [sflag:s12], $0x80  }
0x14d: {  	[sflag:s12] =	ssyncset.done $0x0  }
0x14e: {  	[sflag:s12] =	ssyncadd.s32 $0xFFFFFF80  }
.Ltmp0:
0x14f: {  	_ =	swait.ge [sflag:s12], $0x80;
	(pc) =	sbr.rel @p1 .LBB2_2-.Ltmp0, $4  }
0x150: {  	[sflag:s12] =	ssyncset.done $0x0  }
0x151: {  	[sflag:s12] =	ssyncadd.s32 $0xFFFFFF80  }
0x152: {  	_ =	swait.ge [sflag:s12], $0x80  }
0x153: {  	[sflag:s12] =	ssyncset.done $0x0  }
0x154: {  	[sflag:s12] =	ssyncadd.s32 $0xFFFFFF80  }
0x155: {  	s17 =	simm.s32 @!p0 $0x80;
	s18 =	simm.s32 @!p0 $0x4E80;
	s19 =	simm.s32 @!p0 $0x4F00  }
0x156: {  	[spmem:s2] =	stream.indirect.scatter.add.f32 @!p0 [tilespmem:s19], [sflag:$0x2], $0x1, s18, s17, $0xb8;
	[tilespmem:$0x5480] =	vst v63  }
0x157: {  	s17 =	simm.s32 @!p0 $0x2  }
0x158: {  	_ =	swait.ge @!p0 [sflag:s17], $0x80  }
0x159: {  	s3 =	sadd.s32 $0x1, s3;
	[sflag:s17] =	ssyncset.done @!p0 $0x0  }
0x15a: {  	p1 =	sne.s32 s3, s7;
	[sflag:s17] =	ssyncadd.s32 @!p0 $0xFFFFFF80  }
.Ltmp1:
0x15b: {  	[bflag:$0x0] =	sbarrier.arrive $0xFFFF;
	(pc) =	sbr.rel @p1 .LBB2_1-.Ltmp1, $4  }
0x15c: {  	[hbm:s6@s15], [sflag:s13] =	dma.strided [spmem:s14@s16], $0x50, s12, $0x10   }
0x15d: {  	_ =	swait.ge [sflag:s9], $0x50  }
0x15e: {  	[sflag:s9] =	ssyncset.done $0x0  }
0x15f: {  	[sflag:s9] =	ssyncadd.s32 $0xFFFFFFB0  }
0x160: {  	_ =	sfence.sel $0x180000  }
0x161: {  	[bflag:$0x0] =	sbarrier.arrive $0xFFFF  }
0x162: {  	p0 =	sne.s32 s0, $0x0;
	_ =	strace $0x90000047  }
0x163: {  	s0 =	sadd.s32 @!p0 $0x100000, s1;
	[bflag:$0x2] =	sbarrier.arrive $0xFFFF  }
0x164: {  	[sflag:s0] =	ssyncadd.tile.s32 @!p0 $0x1;
	_ =	shalt  }
.Lfunc_end2:
_tile_overlayer_lowered:
.L_overlay_start_2:
0x165: {  	(tag) =	ssettag $0x2  }
0x166: {  	s0 =	rddreg [dreg:$0x0];
	s2 =	stileid.u32  }
0x167: {  	s1 =	rddreg [dreg:$0x1];
	p0 =	sne.s32 s2, $0x0  }
0x168: {  	s3 =	rddreg [dreg:$0x2];
	[bflag:$0x3] =	sbarrier.arrive $0xFFFF;
	s2 =	simm.s32 @!p0 $0x1C02  }
0x169: {  	[timem:s3], [sflag:s2] =	dma.local @!p0 [hbm:s0], s1  }
0x16a: {  	s0 =	simm.s32 @!p0 $0x2  }
0x16b: {  	_ =	swait.ge @!p0 [sflag:s0], s1  }
0x16c: {  	s1 =	ssub.s32 @!p0 $0x0, s1;
	[sflag:s0] =	ssyncset.done @!p0 $0x0  }
0x16d: {  	[sflag:s0] =	ssyncadd.s32 @!p0 s1  }
0x16e: {  	[bflag:$0x3] =	sbarrier.arrive $0xFFFF  }
0x16f: {  	_ =	shalt  }

// kernel: kernel.9.cloned.1.call-start
scs
__scs_entry_jumppad:
0x0: {  	(pc) =	sbr.rel $0x88, $3  }
0x1: {  	(tag) =	ssettag $0x0;
	lr =	simm.s32 $0x1  }
0x2: {  	[smem:$0x3F9C] =	sst lr;
	_ =	strace $0xD0000000  }
0x3: {  	_ = 	snop  }
0x4: {  	_ = 	snop  }
0x5: {  	_ = 	snop  }
0x6: {  	_ = 	snop  }
0x7: {  	_ = 	snop  }
__scs_overlays_trampoline_lowered:
0x8: {  	[smem:$0x3FAB] =	sst s0  }
0x9: {  	[smem:$0x3FAC] =	sst s1  }
0xa: {  	[smem:$0x3FAD] =	sst s2  }
0xb: {  	[smem:$0x3FAE] =	sst s3  }
0xc: {  	[smem:$0x3FAF] =	sst s4  }
0xd: {  	[smem:$0x3FB0] =	sst s5  }
0xe: {  	[smem:$0x3FB1] =	sst s6  }
0xf: {  	[smem:$0x3FB2] =	sst s7  }
0x10: {  	[smem:$0x3FB3] =	sst s8  }
0x11: {  	[smem:$0x3FB4] =	sst s9;
	s0 =	simm.s32 @!p0 $0x0  }
0x12: {  	s1 =	sld [smem:$0x3F9A];
	s0 =	simm.s32 @p0 $0x1  }
0x13: {  	[smem:$0x3FB5] =	sst s0;
	s0 =	simm.s32 @!p1 $0x0  }
0x14: {  	s2 =	sld [smem:$0x3F99];
	s0 =	simm.s32 @p1 $0x1  }
0x15: {  	[smem:$0x3FB6] =	sst s0;
	s0 =	simm.s32 @!p2 $0x0  }
0x16: {  	s3 =	sld [smem:$0x3FDB];
	s0 =	simm.s32 @p2 $0x1  }
0x17: {  	s4 =	simm.s32 $0x1BF5;
	[smem:$0x3FB8] =	sst s0  }
0x18: {  	s0 =	sld [smem:$0x3F9B];
	_ =	swait.ge [sflag:s4], $0x0  }
0x19: {  	s7 =	sld [smem:$0x3F9C]  }
0x1a: {  	s8 =	sadd.s32 $0xFFFFE003, lr  }
0x1b: {  	s9 =	sadd.s32 $0xFFFFFEF7, lr;
	s5 =	simm.s32 $0xFFFFFFFF;
	p2 =	slt.u32 s8, $0xFFFFF086  }
0x1c: {  	p1 =	slt.u32 s9, $0xF7A;
	s5 =	simm.s32 @!p2 $0x0  }
0x1d: {  	s5 =	simm.s32 @p1 $0x1;
	p0 =	seq.s32 s7, s2  }
0x1e: {  	s7 =	smul.u32 @!p0 $0xF7A, s2;
	p2 =	seq.s32 @!p0 s5, $0x0  }
0x1f: {  	s9 =	smul.u32 $0xF7A, s1;
	s8 =	simm.s32 @!p0 $0x1BF5;
	p2 =	por !p2, p0  }
0x20: {  	[sflag:s8] =	ssyncset.s32 @!p0 $0xFFFFF086;
	s6 =	sadd.s32 @!p0 s3, s7;
	s7 =	simm.s32 @!p0 $0x108  }
0x21: {  	s3 =	sadd.s32 s3, s9;
	s6 =	sadd.s32 @!p0 $0x88, s6;
	s7 =	simm.s32 @p2 $0x1082  }
0x22: {  	[simem:s7], [sflag:s8] =	dma.local @!p0 [hbm:s6], $0xF7A  }
0x23: {  	s9 =	sor.u32 $0xD0000000, s2;
	s6 =	simm.s32 $0x108;
	_ =	swait.ge @!p0 [sflag:s8], $0x0  }
0x24: {  	s3 =	sadd.s32 $0x88, s3;
	s6 =	simm.s32 @!p1 $0x1082;
	[sflag:s4] =	ssyncset.s32 $0xFFFFF086  }
0x25: {  	[simem:s6], [sflag:s4] =	dma.local [hbm:s3], $0xF7A  }
0x26: {  	[smem:$0x3F9C] =	sst s1;
	(tag) =	ssettag s2;
	_ =	strace s9  }
0x27: {  	s1 =	sld [smem:$0x3FAC]  }
0x28: {  	s2 =	sld [smem:$0x3FAD]  }
0x29: {  	s4 =	sld [smem:$0x3FAF]  }
0x2a: {  	p0 =	seq.s32 s5, $0x0;
	s5 =	sld [smem:$0x3FB0]  }
0x2b: {  	s6 =	sld [smem:$0x3FB1]  }
0x2c: {  	s7 =	sld [smem:$0x3FB2]  }
0x2d: {  	s3 =	simm.s32 $0x108;
	s8 =	sld [smem:$0x3FB3]  }
0x2e: {  	s3 =	simm.s32 @!p0 $0x1082;
	s9 =	sld [smem:$0x3FB4]  }
0x2f: {  	lr =	sadd.s32 s0, s3;
	s0 =	sld [smem:$0x3FAB]  }
0x30: {  	s3 =	sld [smem:$0x3FAE]  }
0x31: {  	[smem:$0x3FB7] =	sst s10  }
0x32: {  	s10 =	sld [smem:$0x3FB5];
	_ =	sdelay $0x3  }
0x33: {  	p0 =	seq.s32 s10, $0x1;
	s10 =	sld [smem:$0x3FB7];
	_ =	sdelay $0x3  }
0x34: {  	[smem:$0x3FB7] =	sst s10  }
0x35: {  	s10 =	sld [smem:$0x3FB6];
	_ =	sdelay $0x3  }
0x36: {  	p1 =	seq.s32 s10, $0x1;
	s10 =	sld [smem:$0x3FB7];
	_ =	sdelay $0x3  }
0x37: {  	[smem:$0x3FB7] =	sst s10  }
0x38: {  	s10 =	sld [smem:$0x3FB8]  }
0x39: {  	_ = 	snop;
	(pc) =	sbr.ind lr, $3  }
0x3a: {  	_ = 	snop  }
0x3b: {  	_ = 	snop  }
0x3c: {  	p2 =	seq.s32 s10, $0x1;
	s10 =	sld [smem:$0x3FB7]  }
0x3d: {  	_ =	shalt  }
0x3e: {  	_ =	shalt  }
0x3f: {  	_ =	shalt  }
0x40: {  	_ =	shalt  }
0x41: {  	_ =	shalt  }
0x42: {  	_ =	shalt  }
0x43: {  	_ =	shalt  }
0x44: {  	_ =	shalt  }
0x45: {  	_ =	shalt  }
0x46: {  	_ =	shalt  }
0x47: {  	_ =	shalt  }
0x48: {  	_ =	shalt  }
0x49: {  	_ =	shalt  }
0x4a: {  	_ =	shalt  }
0x4b: {  	_ =	shalt  }
0x4c: {  	_ =	shalt  }
0x4d: {  	_ =	shalt  }
0x4e: {  	_ =	shalt  }
0x4f: {  	_ =	shalt  }
0x50: {  	_ =	shalt  }
0x51: {  	_ =	shalt  }
0x52: {  	_ =	shalt  }
0x53: {  	_ =	shalt  }
0x54: {  	_ =	shalt  }
0x55: {  	_ =	shalt  }
0x56: {  	_ =	shalt  }
0x57: {  	_ =	shalt  }
0x58: {  	_ =	shalt  }
0x59: {  	_ =	shalt  }
0x5a: {  	_ =	shalt  }
0x5b: {  	_ =	shalt  }
0x5c: {  	_ =	shalt  }
0x5d: {  	_ =	shalt  }
0x5e: {  	_ =	shalt  }
0x5f: {  	_ =	shalt  }
0x60: {  	_ =	shalt  }
0x61: {  	_ =	shalt  }
0x62: {  	_ =	shalt  }
0x63: {  	_ =	shalt  }
0x64: {  	_ =	shalt  }
0x65: {  	_ =	shalt  }
0x66: {  	_ =	shalt  }
0x67: {  	_ =	shalt  }
0x68: {  	_ =	shalt  }
0x69: {  	_ =	shalt  }
0x6a: {  	_ =	shalt  }
0x6b: {  	_ =	shalt  }
0x6c: {  	_ =	shalt  }
0x6d: {  	_ =	shalt  }
0x6e: {  	_ =	shalt  }
0x6f: {  	_ =	shalt  }
0x70: {  	_ =	shalt  }
0x71: {  	_ =	shalt  }
0x72: {  	_ =	shalt  }
0x73: {  	_ =	shalt  }
0x74: {  	_ =	shalt  }
0x75: {  	_ =	shalt  }
0x76: {  	_ =	shalt  }
0x77: {  	_ =	shalt  }
0x78: {  	_ =	shalt  }
0x79: {  	_ =	shalt  }
0x7a: {  	_ =	shalt  }
0x7b: {  	_ =	shalt  }
0x7c: {  	_ =	shalt  }
0x7d: {  	_ =	shalt  }
0x7e: {  	_ =	shalt  }
0x7f: {  	_ =	shalt  }
0x80: {  	_ =	shalt  }
0x81: {  	_ =	shalt  }
0x82: {  	_ =	shalt  }
0x83: {  	_ =	shalt  }
0x84: {  	_ =	shalt  }
0x85: {  	_ =	shalt  }
0x86: {  	_ =	shalt  }
0x87: {  	_ =	shalt  }
.Lfunc_end0:
.L_simem_size_0:
called_computation.1_lowered:
.L_overlay_start_0:
0x88: {  	s2 =	sld [smem:$0x3FD9]  }
0x89: {  	s3 =	sld [smem:$0x3FFE];
	_ =	sdelay $0x1  }
0x8a: {  	s1 =	srdreg.scid  }
0x8b: {  	s0 =	sand.u32 $0x1, s1  }
0x8c: {  	s17 =	sshll.u32 s0, $0xA;
	s2 =	sadd.s32 s3, s2  }
0x8d: {  	s2 =	sadd.s32 s2, s17  }
0x8e: {  	[smem:$0x3FC3] =	sst s2  }
0x8f: {  	_ = 	snop  }
0x90: {  	s2 =	sld [smem:$0x3FC8]  }
0x91: {  	s18 =	sld [smem:$0x3FD0];
	(tm) =	ssettm $0x1  }
0x92: {  	s4 =	sld [smem:$0x3FFB];
	_ =	sdelay $0x3  }
0x93: {  	_ =	strace s4  }
0x94: {  	s4 =	sld [smem:$0x3FFC];
	_ =	sdelay $0x3  }
0x95: {  	_ =	strace s4  }
0x96: {  	s4 =	sld [smem:$0x3FFD];
	_ =	sdelay $0x3  }
0x97: {  	_ =	strace s4  }
0x98: {  	_ =	strace $0x8FFFFFFF  }
0x99: {  	s19 =	sld [smem:$0x3FDB];
	_ =	sdelay $0x1  }
0x9a: {  	s5 =	simm.s32 $_scs_section_size  }
0x9b: {  	s6 =	simm.s32 $_size__tile_overlayer_lowered;
	s7 =	simm.s32 $_tile_overlayer_lowered  }
0x9c: {  	s22 =	simm.s32 $0x1BFF;
	s21 =	sshll.u32 s7, $0x1;
	s4 =	sadd.s32 s5, s19  }
0x9d: {  	s8 =	simm.s32 $0x0;
	s20 =	sshll.u32 s6, $0x1;
	s6 =	sadd.s32 s21, s4  }
0x9e: {  	[timem:s8], [sflag:s22] =	dma.local [hbm:s6], s20  }
0x9f: {  	_ =	swait.ge [sflag:s22], s20  }
0xa0: {  	s5 =	ssub.s32 $0x0, s20;
	[sflag:s22] =	ssyncset.done $0x0  }
0xa1: {  	[sflag:s22] =	ssyncadd.s32 s5;
	_ =	sdelay $0x1  }
0xa2: {  	s23 =	simm.s32 $0x1B8B  }
0xa3: {  	_ =	swait.ge [sflag:s23], $0x1  }
0xa4: {  	[sflag:s23] =	ssyncset.done $0x0  }
0xa5: {  	s25 =	simm.s32 $0x1B8E;
	s24 =	sld [smem:$0x3FFE];
	[sflag:s23] =	ssyncadd.s32 $0xFFFFFFFF  }
0xa6: {  	s26 =	simm.s32 $execute0_lowered;
	[smem:$0x3FD2] =	sst s25  }
0xa7: {  	s6 =	sshll.u32 s26, $0x1;
	_ =	strace $0x80000049;
	[dreg:$0x1] =	wrdreg $0xFFFFFFFF  }
0xa8: {  	s28 =	simm.s32 $_size_execute0_lowered;
	s4 =	sadd.s32 s4, s6;
	[dreg:$0x0] =	wrdreg $0x0  }
0xa9: {  	s6 =	sshll.u32 s28, $0x1;
	[dreg:$0x2] =	wrdreg s4  }
0xaa: {  	[dreg:$0x3] =	wrdreg s6  }
0xab: {  	[dreg:$0x4] =	wrdreg $0xC0  }
0xac: {  	_ =	task [dreg:s8], $0x5FFFF  }
0xad: {  	[dreg:$0x1] =	wrdreg $0xFFFFFFFF  }
0xae: {  	[dreg:$0x0] =	wrdreg $0x60  }
0xaf: {  	[dreg:$0x2] =	wrdreg s18  }
0xb0: {  	[dreg:$0x3] =	wrdreg s2  }
0xb1: {  	[dreg:$0x4] =	wrdreg s24  }
0xb2: {  	[dreg:$0x5] =	wrdreg $0x83000  }
0xb3: {  	[dreg:$0x6] =	wrdreg $0x9  }
0xb4: {  	_ =	task.clear_ibuf [dreg:s8], $0x7FFFF;
	_ =	strace $0x90000049  }
0xb5: {  	s29 =	simm.s32 $0x9;
	_ =	strace $0x8000004B  }
0xb6: {  	_ =	swait.ge [sflag:s29], $0x1  }
0xb7: {  	[sflag:s29] =	ssyncadd.s32 $0xFFFFFFFF  }
0xb8: {  	_ =	strace $0x9000004B  }
0xb9: {  	_ =	sfence  }
0xba: {  	s30 =	sld [smem:$0x0];
	_ =	sdelay $0x2  }
0xbb: {  	s31 =	sshll.u32 s1, $0xD;
	s1 =	sshrl.u32 s1, $0x2  }
0xbc: {  	s3 =	sand.u32 $0x4000, s31;
	s1 =	sadd.s32 s1, s30  }
0xbd: {  	s0 =	sor.u32 s3, s0;
	s1 =	sshll.u32 s1, $0x11  }
0xbe: {  	s0 =	sor.u32 s1, s0  }
0xbf: {  	s0 =	sadd.s32 $0x8F2B, s0  }
0xc0: {  	[sflag:s0] =	ssyncadd.remote.s32 $0x1  }
0xc1: {  	_ =	sfence.sel $0xFFFF  }
0xc2: {  	[dreg:$0x0] =	wrdreg $0xFFFFFFFF;
	(pc) =	sbr.abs _section_cstart, $3  }
0xc3: {  	[dreg:$0x1] =	wrdreg $0xFFFFFFFF  }
0xc4: {  	_ =	task.clear_ibuf [dreg:s8], $0x2FFFF;
	_ =	strace $0x9FFFFFFF  }
0xc5: {  	(tm) =	ssettm $0x7FFFFFFF  }
tec
execute0_lowered:
.L_overlay_start_1:
0x0: {  	(tag) =	ssettag $0x1  }
0x1: {  	s0 =	rddreg [dreg:$0x0]  }
0x2: {  	s15 =	rddreg [dreg:$0x1]  }
0x3: {  	s5 =	rddreg [dreg:$0x2]  }
0x4: {  	s3 =	rddreg [dreg:$0x3]  }
0x5: {  	s1 =	srdreg.scid;
	s2 =	rddreg [dreg:$0x4];
	s4 =	simm.s32 $0x0  }
0x6: {  	s17 =	simm.s32 $0x8000;
	s18 =	simm.s32 $0x8100;
	s7 =	sand.u32 $0x1, s1  }
0x7: {  	s19 =	simm.s32 $0x3;
	s1 =	stileid.u32;
	s6 =	smul.u32 $0x140000, s7  }
0x8: {  	s20 =	simm.s32 $0x80;
	[smem:$0x7FF] =	sst s4;
	s8 =	smul.u32 $0x14000, s1  }
0x9: {  	_ =	strace $0x8000004A;
	s25 =	ssub.s32 $0x2, s7;
	s9 =	smul.u32 $0x50000, s1  }
0xa: {  	s26 =	sshll.u32 s1, $0x1;
	p0 =	slt.u32 s1, $0x2;
	s31 =	smul.u32 $0x9C, s1  }
0xb: {  	s10 =	smul.u32 $0x4E, s7;
	s28 =	sshrl.u32 s25, $0x1;
	s6 =	sadd.s32 s8, s6  }
0xc: {  	s14 =	ssub.s32 s25, s28;
	s30 =	sshrl.u32 s9, $0x2;
	s6 =	sshrl.u32 s6, $0x3  }
0xd: {  	s16 =	sadd.s32 s10, s31;
	s13 =	sadd.s32 s6, s5;
	s6 =	sor.u32 s7, s26  }
0xe: {  	s14 =	smax.u32 s14, $0x1;
	s5 =	simm.s32 $0x4F;
	s11 =	smin.u32 s6, $0x4  }
0xf: {  	s29 =	smul.u32 $0x4E, s6;
	s6 =	sadd.s32 s30, s3;
	s5 =	simm.s32 @!p0 $0x4E  }
.Ltmp0:
0x10: {  	s13 =	sadd.s32 $0x1800, s13;
	s7 =	sadd.s32 $0x4000, s6;
	(pc) =	sbr.rel .LBB2_1-.Ltmp0, $4  }
0x11: {  	s8 =	sadd.s32 $0x8000, s6;
	s16 =	sadd.s32 s11, s16;
	s12 =	sadd.s32 s11, s29  }
0x12: {  	s9 =	sadd.s32 $0xC000, s6;
	s16 =	sshll.u32 s16, $0x5;
	s12 =	sshll.u32 s12, $0x5  }
0x13: {  	s11 =	sadd.s32 $0x10000, s6;
	s10 =	sadd.s32 s15, s12;
	s15 =	sadd.s32 s15, s16  }
0x14: {  	v0 =	vimm.f32 $0.0e+00;
	s16 =	simm.s32 $0x6;
	s12 =	sadd.s32 $0x20, s10;
	s15 =	sadd.s32 $0x40, s15  }
.LBB2_10:
0x15: {  	s4 =	sadd.s32 $0x1, s4  }
0x16: {  	s21 =	sshll.u32 s1, $0x6;
	[bflag:$0x0] =	sbarrier.arrive $0xFFFF;
	p0 =	sne.s32 s4, s14  }
.Ltmp1:
0x17: {  	s22 =	sshrl.u32 s6, $0x3;
	s21 =	sor.u32 $0x1C06, s21;
	(pc) =	sbr.rel @!p0 .LBB2_11-.Ltmp1, $4  }
0x18: {  	[hbm:s13], [sflag:s21] =	dma.local [spmem:s22], $0x2800  }
0x19: {  	_ =	swait.ge [sflag:s16], $0x2800  }
0x1a: {  	[sflag:s16] =	ssyncset.done $0x0  }
0x1b: {  	[sflag:s16] =	ssyncadd.s32 $0xFFFFD800  }
.LBB2_1:
0x1c: {  	s21 =	simm.s32 $0x0;
	s22 =	simm.s32 $0x200  }
.LBB2_2:
0x1d: {  	p0 =	sne.s32 s22, $0xFE00;
	[tilespmem:s21+$0x70] =	vst v0  }
0x1e: {  	[tilespmem:s21+$0x0] =	vst v0  }
0x1f: {  	[tilespmem:s21+$0x10] =	vst v0  }
.Ltmp2:
0x20: {  	[tilespmem:s21+$0x20] =	vst v0;
	(pc) =	sbr.rel @p0 .LBB2_2-.Ltmp2, $4  }
0x21: {  	[tilespmem:s21+$0x30] =	vst v0  }
0x22: {  	[tilespmem:s21+$0x40] =	vst v0  }
0x23: {  	[tilespmem:s21+$0x50] =	vst v0  }
0x24: {  	[tilespmem:s21+$0x60] =	vst v0;
	s21 =	sshra.s32 s22, $0x2;
	s22 =	sadd.s32 $0x200, s22  }
0x25: {  	[tilespmem:s21+$0x70] =	vst v0  }
0x26: {  	[tilespmem:s21+$0x0] =	vst v0  }
0x27: {  	[tilespmem:s21+$0x10] =	vst v0  }
0x28: {  	[tilespmem:s21+$0x20] =	vst v0  }
0x29: {  	[tilespmem:s21+$0x30] =	vst v0  }
0x2a: {  	[tilespmem:s21+$0x40] =	vst v0  }
0x2b: {  	[tilespmem:s21+$0x50] =	vst v0  }
0x2c: {  	[tilespmem:s21+$0x60] =	vst v0;
	s21 =	simm.s32 $0x0  }
0x2d: {  	[spmem:s6] =	stream.linear.scatter [tilespmem:s21], [sflag:$0x6], $0x4000, $0x38;
	[tilespmem:$0x1C300] =	vst v63  }
0x2e: {  	_ =	swait.ge [sflag:s16], $0x4000  }
0x2f: {  	[sflag:s16] =	ssyncset.done $0x0  }
0x30: {  	[sflag:s16] =	ssyncadd.s32 $0xFFFFC000  }
0x31: {  	[spmem:s7] =	stream.linear.scatter [tilespmem:s21], [sflag:$0x6], $0x4000, $0x38;
	[tilespmem:$0x1C300] =	vst v63  }
0x32: {  	_ =	swait.ge [sflag:s16], $0x4000  }
0x33: {  	[sflag:s16] =	ssyncset.done $0x0  }
0x34: {  	[sflag:s16] =	ssyncadd.s32 $0xFFFFC000  }
0x35: {  	[spmem:s8] =	stream.linear.scatter [tilespmem:s21], [sflag:$0x6], $0x4000, $0x38;
	[tilespmem:$0x1C300] =	vst v63  }
0x36: {  	_ =	swait.ge [sflag:s16], $0x4000  }
0x37: {  	[sflag:s16] =	ssyncset.done $0x0  }
0x38: {  	[sflag:s16] =	ssyncadd.s32 $0xFFFFC000  }
0x39: {  	[spmem:s9] =	stream.linear.scatter [tilespmem:s21], [sflag:$0x6], $0x4000, $0x38;
	[tilespmem:$0x1C300] =	vst v63  }
0x3a: {  	_ =	swait.ge [sflag:s16], $0x4000  }
0x3b: {  	[sflag:s16] =	ssyncset.done $0x0  }
0x3c: {  	[sflag:s16] =	ssyncadd.s32 $0xFFFFC000  }
0x3d: {  	[spmem:s11] =	stream.linear.scatter [tilespmem:s21], [sflag:$0x6], $0x4000, $0x38;
	[tilespmem:$0x1C300] =	vst v63  }
0x3e: {  	_ =	swait.ge [sflag:s16], $0x4000  }
0x3f: {  	[sflag:s16] =	ssyncset.done $0x0  }
0x40: {  	[sflag:s16] =	ssyncadd.s32 $0xFFFFC000  }
0x41: {  	[bflag:$0x0] =	sbarrier.arrive $0xFFFF  }
0x42: {  	[tilespmem:s17], [sflag:$0x3] =	stream.linear.gather [hbm4b:s10+s21], $0x100, $0x38;
	[tilespmem:$0x1C300] =	vst v63  }
0x43: {  	_ = 	snop  }
0x44: {  	[tilespmem:s18], [sflag:$0x4] =	stream.linear.gather [hbm4b:s12+s21], $0x100, $0x38;
	[tilespmem:$0x1C300] =	vst v63  }
.Ltmp3:
0x45: {  	_ = 	snop;
	(pc) =	sbr.rel .LBB2_4-.Ltmp3, $4  }
0x46: {  	_ =	swait.ge [sflag:s19], $0x100  }
0x47: {  	[sflag:s19] =	ssyncset.done $0x0  }
0x48: {  	s22 =	smov.u32 s15;
	[sflag:s19] =	ssyncadd.s32 $0xFFFFFF00  }
0x49: {  	[tilespmem:s21], [sflag:$0x1] =	stream.indirect.gather [hbm4b:s0+s20], $0x80, s17, s20, $0xb8;
	[tilespmem:$0x1C300] =	vst v63  }
.LBB2_8:
0x4a: {  	p0 =	sge.u32 s23, s5  }
0x4b: {  	s23 =	simm.s32 @!p0 $0x0;
	s24 =	simm.s32 @!p0 $0x8100  }
0x4c: {  	[tilespmem:s24], [sflag:$0x4] =	stream.linear.gather @!p0 [hbm4b:s22+s23], $0x100, $0x38;
	[tilespmem:$0x1C300] =	vst v63  }
0x4d: {  	s23 =	sadd.s32 $0x1, s21  }
0x4e: {  	p0 =	sge.u32 s23, s5  }
0x4f: {  	s24 =	simm.s32 @!p0 $0x3;
	s23 =	sand.u32 @!p0 $0x1, s23  }
0x50: {  	_ =	swait.ge @!p0 [sflag:s24], $0x100;
	p1 =	seq.s32 @!p0 s23, $0x1  }
0x51: {  	[sflag:s24] =	ssyncset.done @!p0 $0x0;
	p2 =	por !p1, p0  }
0x52: {  	s31 =	sand.u32 $0x1, s21;
	[sflag:s24] =	ssyncadd.s32 @!p0 $0xFFFFFF00;
	s23 =	simm.s32 @!p2 $0x80  }
0x53: {  	s24 =	simm.s32 @!p2 $0x8000;
	s25 =	simm.s32 @!p2 $0x4000;
	p0 =	por p1, p0  }
0x54: {  	[tilespmem:s25], [sflag:$0x2] =	stream.indirect.gather @!p2 [hbm4b:s0+s23], $0x80, s24, s23, $0xb8;
	[tilespmem:$0x1C300] =	vst v63  }
0x55: {  	s23 =	simm.s32 @!p0 $0x80;
	s24 =	simm.s32 @!p0 $0x8000;
	s25 =	simm.s32 @!p0 $0x0  }
0x56: {  	[tilespmem:s25], [sflag:$0x1] =	stream.indirect.gather @!p0 [hbm4b:s0+s23], $0x80, s24, s23, $0xb8;
	[tilespmem:$0x1C300] =	vst v63  }
0x57: {  	p0 =	seq.s32 s31, $0x1  }
0x58: {  	s23 =	simm.s32 @p0 $0x2  }
0x59: {  	_ =	swait.ge @p0 [sflag:s23], $0x4000  }
0x5a: {  	s24 =	simm.s32 @p0 $0x8280;
	[sflag:s23] =	ssyncset.done @p0 $0x0  }
0x5b: {  	s25 =	simm.s32 @p0 $0x4000;
	[sflag:s23] =	ssyncadd.s32 @p0 $0xFFFFC000;
	s23 =	simm.s32 @p0 $0x80  }
0x5c: {  	[spmem:s3] =	stream.indirect.scatter.add.f32 @p0 [tilespmem:s25], [sflag:$0x6], $0x80, s24, s23, $0xb8;
	[tilespmem:$0x1C300] =	vst v63  }
0x5d: {  	s23 =	simm.s32 @!p0 $0x1  }
0x5e: {  	_ =	swait.ge @!p0 [sflag:s23], $0x4000  }
0x5f: {  	s24 =	simm.s32 @!p0 $0x8280;
	[sflag:s23] =	ssyncset.done @!p0 $0x0  }
0x60: {  	s25 =	simm.s32 @!p0 $0x0;
	[sflag:s23] =	ssyncadd.s32 @!p0 $0xFFFFC000;
	s23 =	simm.s32 @!p0 $0x80  }
0x61: {  	[spmem:s3] =	stream.indirect.scatter.add.f32 @!p0 [tilespmem:s25], [sflag:$0x7], $0x80, s24, s23, $0xb8;
	[tilespmem:$0x1C300] =	vst v63  }
0x62: {  	s23 =	simm.s32 @!p0 $0x7  }
0x63: {  	s23 =	simm.s32 @p0 $0x6  }
.LBB2_9:
0x64: {  	s21 =	sadd.s32 $0x1, s21  }
0x65: {  	p0 =	sne.s32 s5, s21  }
.Ltmp4:
0x66: {  	_ = 	snop;
	(pc) =	sbr.rel @!p0 .LBB2_10-.Ltmp4, $4  }
0x67: {  	_ = 	snop  }
0x68: {  	_ =	swait.ge [sflag:s23], $0x4000  }
0x69: {  	[sflag:s23] =	ssyncset.done $0x0  }
0x6a: {  	s22 =	sadd.s32 $0x20, s22;
	[sflag:s23] =	ssyncadd.s32 $0xFFFFC000  }
.LBB2_4:
0x6b: {  	s23 =	smulhi.u32 $0xAAAAAAAB, s21;
	_ =	sdelay $0x1  }
0x6c: {  	s23 =	sshrl.u32 s23, $0x1  }
0x6d: {  	s23 =	smul.u32 $0xFFFFFFFD, s23;
	_ =	sdelay $0x1  }
0x6e: {  	s24 =	sadd.s32 s23, s21  }
0x6f: {  	p0 =	seq.s32 s24, $0x2  }
.Ltmp5:
0x70: {  	_ = 	snop;
	(pc) =	sbr.rel @p0 .LBB2_8-.Ltmp5, $2  }
0x71: {  	_ =	sdelay $0x2  }
0x72: {  	s23 =	sadd.s32 $0x2, s21  }
0x73: {  	p0 =	seq.s32 s24, $0x1  }
.Ltmp6:
0x74: {  	_ = 	snop;
	(pc) =	sbr.rel @!p0 .LBB2_6-.Ltmp6, $1  }
0x75: {  	_ =	sdelay $0x3  }
0x76: {  	p0 =	sge.u32 s23, s5  }
0x77: {  	s23 =	simm.s32 @!p0 $0x0;
	s24 =	simm.s32 @!p0 $0x8000  }
0x78: {  	[tilespmem:s24], [sflag:$0x3] =	stream.linear.gather @!p0 [hbm4b:s22+s23], $0x100, $0x38;
	[tilespmem:$0x1C300] =	vst v63  }
0x79: {  	s23 =	sadd.s32 $0x1, s21  }
0x7a: {  	p0 =	sge.u32 s23, s5  }
0x7b: {  	s24 =	simm.s32 @!p0 $0x5;
	s23 =	sand.u32 @!p0 $0x1, s23  }
0x7c: {  	_ =	swait.ge @!p0 [sflag:s24], $0x100;
	p1 =	seq.s32 @!p0 s23, $0x1  }
0x7d: {  	[sflag:s24] =	ssyncset.done @!p0 $0x0;
	p2 =	por !p1, p0  }
0x7e: {  	s31 =	sand.u32 $0x1, s21;
	[sflag:s24] =	ssyncadd.s32 @!p0 $0xFFFFFF00;
	s23 =	simm.s32 @!p2 $0x80  }
0x7f: {  	s24 =	simm.s32 @!p2 $0x8200;
	s25 =	simm.s32 @!p2 $0x4000;
	p0 =	por p1, p0  }
0x80: {  	[tilespmem:s25], [sflag:$0x2] =	stream.indirect.gather @!p2 [hbm4b:s0+s23], $0x80, s24, s23, $0xb8;
	[tilespmem:$0x1C300] =	vst v63  }
0x81: {  	s23 =	simm.s32 @!p0 $0x80;
	s24 =	simm.s32 @!p0 $0x8200;
	s25 =	simm.s32 @!p0 $0x0  }
0x82: {  	[tilespmem:s25], [sflag:$0x1] =	stream.indirect.gather @!p0 [hbm4b:s0+s23], $0x80, s24, s23, $0xb8;
	[tilespmem:$0x1C300] =	vst v63  }
0x83: {  	p0 =	seq.s32 s31, $0x1  }
0x84: {  	s23 =	simm.s32 @p0 $0x2  }
0x85: {  	_ =	swait.ge @p0 [sflag:s23], $0x4000  }
0x86: {  	s24 =	simm.s32 @p0 $0x8180;
	[sflag:s23] =	ssyncset.done @p0 $0x0  }
0x87: {  	s25 =	simm.s32 @p0 $0x4000;
	[sflag:s23] =	ssyncadd.s32 @p0 $0xFFFFC000;
	s23 =	simm.s32 @p0 $0x80  }
0x88: {  	[spmem:s3] =	stream.indirect.scatter.add.f32 @p0 [tilespmem:s25], [sflag:$0x7], $0x80, s24, s23, $0xb8;
	[tilespmem:$0x1C300] =	vst v63  }
0x89: {  	s23 =	simm.s32 @!p0 $0x1  }
0x8a: {  	_ =	swait.ge @!p0 [sflag:s23], $0x4000  }
.Ltmp7:
0x8b: {  	s24 =	simm.s32 @!p0 $0x8180;
	[sflag:s23] =	ssyncset.done @!p0 $0x0;
	(pc) =	sbr.rel .LBB2_9-.Ltmp7, $4  }
0x8c: {  	s25 =	simm.s32 @!p0 $0x0;
	[sflag:s23] =	ssyncadd.s32 @!p0 $0xFFFFC000;
	s23 =	simm.s32 @!p0 $0x80  }
0x8d: {  	[spmem:s3] =	stream.indirect.scatter.add.f32 @!p0 [tilespmem:s25], [sflag:$0x7], $0x80, s24, s23, $0xb8;
	[tilespmem:$0x1C300] =	vst v63  }
0x8e: {  	s23 =	simm.s32 @!p0 $0x7  }
0x8f: {  	s23 =	simm.s32 @p0 $0x7  }
.LBB2_6:
0x90: {  	p0 =	sge.u32 s23, s5  }
0x91: {  	s23 =	simm.s32 @!p0 $0x0;
	s24 =	simm.s32 @!p0 $0x8200  }
0x92: {  	[tilespmem:s24], [sflag:$0x5] =	stream.linear.gather @!p0 [hbm4b:s22+s23], $0x100, $0x38;
	[tilespmem:$0x1C300] =	vst v63  }
0x93: {  	s23 =	sadd.s32 $0x1, s21  }
0x94: {  	p0 =	sge.u32 s23, s5  }
0x95: {  	s24 =	simm.s32 @!p0 $0x4;
	s23 =	sand.u32 @!p0 $0x1, s23  }
0x96: {  	_ =	swait.ge @!p0 [sflag:s24], $0x100;
	p1 =	seq.s32 @!p0 s23, $0x1  }
0x97: {  	[sflag:s24] =	ssyncset.done @!p0 $0x0;
	p2 =	por !p1, p0  }
0x98: {  	s31 =	sand.u32 $0x1, s21;
	[sflag:s24] =	ssyncadd.s32 @!p0 $0xFFFFFF00;
	s23 =	simm.s32 @!p2 $0x80  }
0x99: {  	s24 =	simm.s32 @!p2 $0x8100;
	s25 =	simm.s32 @!p2 $0x4000;
	p0 =	por p1, p0  }
0x9a: {  	[tilespmem:s25], [sflag:$0x2] =	stream.indirect.gather @!p2 [hbm4b:s0+s23], $0x80, s24, s23, $0xb8;
	[tilespmem:$0x1C300] =	vst v63  }
0x9b: {  	s23 =	simm.s32 @!p0 $0x80;
	s24 =	simm.s32 @!p0 $0x8100;
	s25 =	simm.s32 @!p0 $0x0  }
0x9c: {  	[tilespmem:s25], [sflag:$0x1] =	stream.indirect.gather @!p0 [hbm4b:s0+s23], $0x80, s24, s23, $0xb8;
	[tilespmem:$0x1C300] =	vst v63  }
0x9d: {  	p0 =	seq.s32 s31, $0x1  }
0x9e: {  	s23 =	simm.s32 @p0 $0x2  }
0x9f: {  	_ =	swait.ge @p0 [sflag:s23], $0x4000  }
0xa0: {  	s24 =	simm.s32 @p0 $0x8080;
	[sflag:s23] =	ssyncset.done @p0 $0x0  }
0xa1: {  	s25 =	simm.s32 @p0 $0x4000;
	[sflag:s23] =	ssyncadd.s32 @p0 $0xFFFFC000;
	s23 =	simm.s32 @p0 $0x80  }
0xa2: {  	[spmem:s3] =	stream.indirect.scatter.add.f32 @p0 [tilespmem:s25], [sflag:$0x7], $0x80, s24, s23, $0xb8;
	[tilespmem:$0x1C300] =	vst v63  }
0xa3: {  	s23 =	simm.s32 @!p0 $0x1  }
0xa4: {  	_ =	swait.ge @!p0 [sflag:s23], $0x4000  }
.Ltmp8:
0xa5: {  	s24 =	simm.s32 @!p0 $0x8080;
	[sflag:s23] =	ssyncset.done @!p0 $0x0;
	(pc) =	sbr.rel .LBB2_9-.Ltmp8, $4  }
0xa6: {  	s25 =	simm.s32 @!p0 $0x0;
	[sflag:s23] =	ssyncadd.s32 @!p0 $0xFFFFC000;
	s23 =	simm.s32 @!p0 $0x80  }
0xa7: {  	[spmem:s3] =	stream.indirect.scatter.add.f32 @!p0 [tilespmem:s25], [sflag:$0x7], $0x80, s24, s23, $0xb8;
	[tilespmem:$0x1C300] =	vst v63  }
0xa8: {  	s23 =	simm.s32 @!p0 $0x7  }
0xa9: {  	s23 =	simm.s32 @p0 $0x7  }
.LBB2_11:
0xaa: {  	_ =	sfence.sel $0x180000  }
0xab: {  	[bflag:$0x0] =	sbarrier.arrive $0xFFFF  }
0xac: {  	p0 =	sne.s32 s1, $0x0;
	_ =	strace $0x9000004A  }
0xad: {  	s0 =	sadd.s32 @!p0 $0x100000, s2;
	[bflag:$0x2] =	sbarrier.arrive $0xFFFF  }
0xae: {  	[sflag:s0] =	ssyncadd.tile.s32 @!p0 $0x1;
	_ =	shalt  }
.Lfunc_end2:
_tile_overlayer_lowered:
.L_overlay_start_2:
0xaf: {  	(tag) =	ssettag $0x2  }
0xb0: {  	s0 =	rddreg [dreg:$0x0];
	s2 =	stileid.u32  }
0xb1: {  	s1 =	rddreg [dreg:$0x1];
	p0 =	sne.s32 s2, $0x0  }
0xb2: {  	s3 =	rddreg [dreg:$0x2];
	[bflag:$0x3] =	sbarrier.arrive $0xFFFF;
	s2 =	simm.s32 @!p0 $0x1C06  }
0xb3: {  	[timem:s3], [sflag:s2] =	dma.local @!p0 [hbm:s0], s1  }
0xb4: {  	s0 =	simm.s32 @!p0 $0x6  }
0xb5: {  	_ =	swait.ge @!p0 [sflag:s0], s1  }
0xb6: {  	s1 =	ssub.s32 @!p0 $0x0, s1;
	[sflag:s0] =	ssyncset.done @!p0 $0x0  }
0xb7: {  	[sflag:s0] =	ssyncadd.s32 @!p0 s1  }
0xb8: {  	[bflag:$0x3] =	sbarrier.arrive $0xFFFF  }
0xb9: {  	_ =	shalt  }

</sc_bundles>
